<compile_context>
chip_gen: v7x
topology: tpu7x:2x2x1
jax: 0.10.2.dev20260603
libtpu: 0.0.44.dev20260713+nightly
codegen_flags: <defaults>
</compile_context>

<pallas_src>
import jax
import jax.numpy as jnp
from jax import lax
from jax.experimental import pallas as pl
from jax.experimental.pallas import tpu as pltpu
from jax.experimental.pallas import tpu_sc as plsc

_N = 10000
_E = 160000
_DIN = 1152
_H = 128
_B = 32
_C = 10

_NC = 2
_NS = 16
_CHUNK = 128
_TCH = 40
_EROWS = _NC * _NS * _TCH
_ROWS_ALLOC = _EROWS
_EPAD2 = _ROWS_ALLOC * _CHUNK
_SLAB = 640
_RPAD = _NS * _SLAB

_BN = 1000
_G = _N // _BN

_f32 = jnp.float32



def _sc_agg_body(src_h, dst_h, y_h, z_h, dep_h, p_h,
                 src_v, dst_v, b0, b1, acc, s0, s1):
    del dep_h
    c = lax.axis_index("c")
    s = lax.axis_index("s")
    slab = pl.ds(s * _SLAB, _SLAB)

    with jax.named_scope("agg_zero"):
        pltpu.sync_copy(z_h, b0)

        def zstep(r, carry):
            pltpu.sync_copy(b0, acc.at[pl.ds(s * _SLAB + r * _CHUNK, _CHUNK)])
            return carry

        lax.fori_loop(0, _SLAB // _CHUNK, zstep, 0)

    with jax.named_scope("agg_stage"):
        base = (c * _NS + s) * _TCH
        pltpu.sync_copy(src_h.at[pl.ds(base, _TCH)], src_v)
        pltpu.sync_copy(dst_h.at[pl.ds(base, _TCH)], dst_v)

    plsc.subcore_barrier()

    bufs = (b0, b1)
    sems = (s0, s1)

    def fire(j, k):
        pltpu.async_copy(y_h.at[src_v.at[j]], bufs[k], sems[k])

    def wait(k):
        pltpu.make_async_copy(y_h.at[src_v.at[0]], bufs[k], sems[k]).wait()

    def scat(j, k):
        pltpu.sync_copy(bufs[k], acc.at[dst_v.at[j]], add=True)

    with jax.named_scope("agg_edges"):
        fire(0, 0)
        fire(1, 1)

        def pair(i, carry):
            j = 2 * i
            wait(0)
            scat(j, 0)
            fire(j + 2, 0)
            wait(1)
            scat(j + 1, 1)
            fire(j + 3, 1)
            return carry

        lax.fori_loop(0, (_TCH - 2) // 2, pair, 0)

        j = _TCH - 2
        wait(0)
        scat(j, 0)
        wait(1)
        scat(j + 1, 1)

    plsc.subcore_barrier()

    with jax.named_scope("agg_wb"):
        pltpu.sync_copy(acc.at[slab], p_h.at[c, slab])


def _make_sc_agg():
    mesh = plsc.VectorSubcoreMesh(
        core_axis_name="c", subcore_axis_name="s",
        num_cores=_NC, num_subcores=_NS)
    out_type = jax.ShapeDtypeStruct((_NC, _RPAD, _H), _f32)
    scratch = [
        pltpu.VMEM((_TCH, _CHUNK), jnp.int32),
        pltpu.VMEM((_TCH, _CHUNK), jnp.int32),
        pltpu.VMEM((_CHUNK, _H), _f32),
        pltpu.VMEM((_CHUNK, _H), _f32),
        pltpu.VMEM_SHARED((_RPAD, _H), _f32),
        pltpu.SemaphoreType.DMA,
        pltpu.SemaphoreType.DMA,
    ]
    return pl.kernel(
        _sc_agg_body, out_type=out_type, mesh=mesh, scratch_types=scratch)


def _sc_cnt_body(dst_h, z_h, ones_h, c_h, dst_v, ones_v, cacc, sem):
    c = lax.axis_index("c")
    s = lax.axis_index("s")
    slab = pl.ds(s * _SLAB, _SLAB)

    pltpu.sync_copy(z_h, ones_v)

    def zstep(r, carry):
        pltpu.sync_copy(ones_v, cacc.at[pl.ds(s * _SLAB + r * _CHUNK, _CHUNK)])
        return carry

    lax.fori_loop(0, _SLAB // _CHUNK, zstep, 0)
    pltpu.sync_copy(ones_h, ones_v)
    base = (c * _NS + s) * _TCH
    pltpu.sync_copy(dst_h.at[pl.ds(base, _TCH)], dst_v)

    plsc.subcore_barrier()

    def step(j, carry):
        pltpu.async_copy(ones_v, cacc.at[dst_v.at[j]], sem, add=True)
        return carry

    lax.fori_loop(0, _TCH, step, 0)

    def drain(j, carry):
        pltpu.make_async_copy(ones_v, cacc.at[dst_v.at[0]], sem).wait()
        return carry

    lax.fori_loop(0, _TCH, drain, 0)

    plsc.subcore_barrier()

    pltpu.sync_copy(cacc.at[slab], c_h.at[c, slab])


def _make_sc_cnt():
    mesh = plsc.VectorSubcoreMesh(
        core_axis_name="c", subcore_axis_name="s",
        num_cores=_NC, num_subcores=_NS)
    out_type = jax.ShapeDtypeStruct((_NC, _RPAD, _H), _f32)
    scratch = [
        pltpu.VMEM((_TCH, _CHUNK), jnp.int32),
        pltpu.VMEM((_CHUNK, _H), _f32),
        pltpu.VMEM_SHARED((_RPAD, _H), _f32),
        pltpu.SemaphoreType.DMA,
    ]
    return pl.kernel(
        _sc_cnt_body, out_type=out_type, mesh=mesh, scratch_types=scratch)



def _tc_a_body(x_r, wl_r, wr_r, b_r, yl_r, yr_r):
    xb = x_r[...].astype(jnp.bfloat16)
    wl = wl_r[...].astype(jnp.bfloat16)
    wr = wr_r[...].astype(jnp.bfloat16)
    yl_r[...] = jnp.dot(xb, wl, preferred_element_type=_f32)
    yr_r[...] = jnp.dot(xb, wr, preferred_element_type=_f32) + b_r[...]


def _tc_a(x, wl, wr, b):
    return pl.pallas_call(
        _tc_a_body,
        grid=(_G,),
        in_specs=[
            pl.BlockSpec((_BN, _DIN), lambda i: (i, 0)),
            pl.BlockSpec((_DIN, _H), lambda i: (0, 0)),
            pl.BlockSpec((_DIN, _H), lambda i: (0, 0)),
            pl.BlockSpec((1, _H), lambda i: (0, 0)),
        ],
        out_specs=[
            pl.BlockSpec((_BN, _H), lambda i: (i, 0)),
            pl.BlockSpec((_BN, _H), lambda i: (i, 0)),
        ],
        out_shape=[jax.ShapeDtypeStruct((_N, _H), _f32)] * 2,
    )(x, wl, wr, b)


def _combine(p0_r, p1_r, c0_r, c1_r, yr_r, relu):
    cnts = (c0_r[...] + c1_r[...]).reshape(_BN, _H)[:, 0:1]
    inv = 1.0 / jnp.maximum(cnts, 1.0)
    h = (p0_r[...] + p1_r[...]).reshape(_BN, _H) * inv + yr_r[...]
    if relu:
        h = jnp.maximum(h, 0.0)
    return h


def _p_specs():
    return [
        pl.BlockSpec((1, _BN, _H), lambda i: (0, i, 0)),
        pl.BlockSpec((1, _BN, _H), lambda i: (1, i, 0)),
        pl.BlockSpec((1, _BN, _H), lambda i: (0, i, 0)),
        pl.BlockSpec((1, _BN, _H), lambda i: (1, i, 0)),
    ]


def _tc_b_body(p0_r, p1_r, c0_r, c1_r, yrp_r, wl_r, wr_r, b_r, yl_r, yr_r):
    h = _combine(p0_r, p1_r, c0_r, c1_r, yrp_r, relu=True)
    yl_r[...] = jnp.dot(h, wl_r[...], preferred_element_type=_f32)
    yr_r[...] = jnp.dot(h, wr_r[...], preferred_element_type=_f32) + b_r[...]


def _tc_b(p, cn, yrp, wl, wr, b):
    return pl.pallas_call(
        _tc_b_body,
        grid=(_G,),
        in_specs=_p_specs() + [
            pl.BlockSpec((_BN, _H), lambda i: (i, 0)),
            pl.BlockSpec((_H, _H), lambda i: (0, 0)),
            pl.BlockSpec((_H, _H), lambda i: (0, 0)),
            pl.BlockSpec((1, _H), lambda i: (0, 0)),
        ],
        out_specs=[
            pl.BlockSpec((_BN, _H), lambda i: (i, 0)),
            pl.BlockSpec((_BN, _H), lambda i: (i, 0)),
        ],
        out_shape=[jax.ShapeDtypeStruct((_N, _H), _f32)] * 2,
    )(p, p, cn, cn, yrp, wl, wr, b)


def _tc_c_body(p0_r, p1_r, c0_r, c1_r, yrp_r, batch_r, wlin_r, blin_r,
               out_r, gsum, gcnt):
    i = pl.program_id(0)

    @pl.when(i == 0)
    def _():
        gsum[...] = jnp.zeros((_B, _H), _f32)
        gcnt[...] = jnp.zeros((_B, _H), _f32)

    h = _combine(p0_r, p1_r, c0_r, c1_r, yrp_r, relu=False)
    gids = batch_r[...].reshape(1, _BN)
    oh_t = (lax.broadcasted_iota(jnp.int32, (_B, 1), 0) == gids
            ).astype(_f32)
    gsum[...] += jnp.dot(oh_t, h, preferred_element_type=_f32)
    gcnt[...] += jnp.dot(oh_t, jnp.ones((_BN, _H), _f32),
                         preferred_element_type=_f32)

    @pl.when(i == _G - 1)
    def _():
        g = gsum[...] / jnp.maximum(gcnt[...], 1.0)
        out_r[...] = jnp.dot(g, wlin_r[...], preferred_element_type=_f32) \
            + blin_r[...]


def _tc_c(p, cn, yrp, batch3, wlin, blin):
    return pl.pallas_call(
        _tc_c_body,
        grid=(_G,),
        in_specs=_p_specs() + [
            pl.BlockSpec((_BN, _H), lambda i: (i, 0)),
            pl.BlockSpec((1, 1, _BN), lambda i: (i, 0, 0)),
            pl.BlockSpec((_H, _H), lambda i: (0, 0)),
            pl.BlockSpec((1, _H), lambda i: (0, 0)),
        ],
        out_specs=pl.BlockSpec((_B, _H), lambda i: (0, 0)),
        out_shape=jax.ShapeDtypeStruct((_B, _H), _f32),
        scratch_shapes=[
            pltpu.VMEM((_B, _H), _f32),
            pltpu.VMEM((_B, _H), _f32),
        ],
    )(p, p, cn, cn, yrp, batch3, wlin, blin)



def kernel(x, edge_index, batch, W1l, W1r, b1, W2l, W2r, b2, W3l, W3r, b3,
           Wlin, blin):
    src = edge_index[0]
    dst = edge_index[1]
    pad = _EPAD2 - _E
    lanes = jnp.arange(pad, dtype=jnp.int32) % _CHUNK
    srcp = jnp.concatenate([src, lanes]).reshape(_ROWS_ALLOC, _CHUNK)
    dstp = jnp.concatenate([dst, _N + lanes]).reshape(_ROWS_ALLOC, _CHUNK)

    z_slab = jnp.zeros((_CHUNK, _H), _f32)
    ones_blk = jnp.ones((_CHUNK, _H), _f32)

    b1r = b1.reshape(1, _H)
    b2r = b2.reshape(1, _H)
    b3r = b3.reshape(1, _H)
    wlin_p = jnp.pad(Wlin, ((0, 0), (0, _H - _C)))
    blin_p = jnp.pad(blin, (0, _H - _C)).reshape(1, _H)
    batch3 = batch.reshape(_G, 1, _BN)

    agg = _make_sc_agg()
    cntk = _make_sc_cnt()

    cn = cntk(dstp, z_slab, ones_blk)
    yl1, yr1 = _tc_a(x, W1l, W1r, b1r)
    p = agg(srcp, dstp, yl1, z_slab, cn)
    yl2, yr2 = _tc_b(p, cn, yr1, W2l, W2r, b2r)
    p = agg(srcp, dstp, yl2, z_slab, cn)
    yl3, yr3 = _tc_b(p, cn, yr2, W3l, W3r, b3r)
    p = agg(srcp, dstp, yl3, z_slab, cn)
    out = _tc_c(p, cn, yr3, batch3, wlin_p, blin_p)
    return out[:, :_C]

# --- scband reference (transcript-rebuilt; emitter-appended) ---
"""Pipeline reference for scband-gnn-89816356094415 (READ-ONLY COPY).

The authoritative reference and input builder live on the scoring server;
editing this copy changes nothing except your own understanding.
"""

import jax, jax.numpy as jnp
import numpy as np

N = 10000
E = 160000
D_IN = 1152
H = 128
C = 10
B = 32

def setup_inputs(seed: int = 0):
    key = jax.random.key(seed)
    ks = jax.random.split(key, 12)
    def lin_w(k, fi, fo):
        return jax.random.normal(k, (fi, fo), dtype=jnp.float32) / np.sqrt(fi)
    inp = {}
    inp["x"] = jax.random.normal(ks[0], (N, D_IN), dtype=jnp.float32)
    inp["edge_index"] = jax.random.randint(ks[1], (2, E), 0, N, dtype=jnp.int32)
    inp["batch"] = jnp.sort(jax.random.randint(ks[2], (N,), 0, B, dtype=jnp.int32))
    inp["W1l"] = lin_w(ks[3], D_IN, H)
    inp["W1r"] = lin_w(ks[4], D_IN, H)
    inp["b1"] = jnp.zeros((H,), jnp.float32)
    inp["W2l"] = lin_w(ks[5], H, H)
    inp["W2r"] = lin_w(ks[6], H, H)
    inp["b2"] = jnp.zeros((H,), jnp.float32)
    inp["W3l"] = lin_w(ks[7], H, H)
    inp["W3r"] = lin_w(ks[8], H, H)
    inp["b3"] = jnp.zeros((H,), jnp.float32)
    inp["Wlin"] = lin_w(ks[9], H, C)
    inp["blin"] = jnp.zeros((C,), jnp.float32)
    return inp

def _sage(x, src, dst, Wl, Wr, b):
    # PyG SAGEConv (mean aggr): out = lin_l(mean_{j in N(i)} x_j) + lin_r(x_i)
    msgs = x[src]
    agg = jax.ops.segment_sum(msgs, dst, num_segments=N)
    cnt = jax.ops.segment_sum(jnp.ones((src.shape[0],), jnp.float32), dst, num_segments=N)
    agg = agg / jnp.maximum(cnt, 1.0)[:, None]
    return agg @ Wl + b + x @ Wr

def reference(x, edge_index, batch, W1l, W1r, b1, W2l, W2r, b2, W3l, W3r, b3, Wlin, blin):
    src = edge_index[0]
    dst = edge_index[1]
    h = jax.nn.relu(_sage(x, src, dst, W1l, W1r, b1))
    h = jax.nn.relu(_sage(h, src, dst, W2l, W2r, b2))
    h = _sage(h, src, dst, W3l, W3r, b3)
    # global_mean_pool over graph ids
    sums = jax.ops.segment_sum(h, batch, num_segments=B)
    cnts = jax.ops.segment_sum(jnp.ones((N,), jnp.float32), batch, num_segments=B)
    g = sums / jnp.maximum(cnts, 1.0)[:, None]
    # dropout p=0.5 is identity in eval mode
    return g @ Wlin + blin

if __name__ == "__main__":
    import jax
    _d = setup_inputs()
    print(jax.jit(kernel)(*tuple(_d.values())))

</pallas_src>

<mosaic_0001>
#map = affine_map<(d0, d1) -> (0, 0)>
#map1 = affine_map<(d0, d1) -> (0, 0, 0)>
module attributes {stable_mosaic.version = 14 : i64} {
  func.func @_sc_cnt_body(%arg0: i32, %arg1: i32, %arg2: memref<1280x128xi32, #tpu.memory_space<hbm>>, %arg3: memref<128x128xf32, #tpu.memory_space<hbm>>, %arg4: memref<128x128xf32, #tpu.memory_space<hbm>>, %arg5: memref<2x10240x128xf32, #tpu.memory_space<hbm>>, %arg6: memref<40x128xi32, #tpu.memory_space<vmem>>, %arg7: memref<128x128xf32, #tpu.memory_space<vmem>>, %arg8: memref<10240x128xf32, #tpu.memory_space<vmem_shared>>, %arg9: memref<!tpu.dma_semaphore, #tpu.memory_space<semaphore_mem>>) attributes {dimension_semantics = [#tpu.dimension_semantics<core_parallel>, #tpu.dimension_semantics<subcore_parallel>], iteration_bounds = array<i64: 2, 16>, scalar_prefetch = 0 : i64, scratch_operands = 4 : i64, tpu.core_type = #tpu.core_type<sc_vector_subcore>, window_params = [{transform_indices = #map}, {transform_indices = #map}, {transform_indices = #map}, {transform_indices = #map1}]} {
    %mul3A = arith.constant 640 : i32
    %mul3A_0 = arith.muli %arg1, %mul3A : i32
    "tpu.region"() ({
      %run_scoped3A = tpu.sem_alloc : memref<!tpu.dma_semaphore, #tpu.memory_space<semaphore_mem>>
      tpu.enqueue_dma source(%arg3 : memref<128x128xf32, #tpu.memory_space<hbm>>) target(%arg7 : memref<128x128xf32, #tpu.memory_space<vmem>>) target_semaphore(%run_scoped3A : memref<!tpu.dma_semaphore, #tpu.memory_space<semaphore_mem>>)
      tpu.wait_dma2 semaphore(%run_scoped3A : memref<!tpu.dma_semaphore, #tpu.memory_space<semaphore_mem>>) src(%arg3 : memref<128x128xf32, #tpu.memory_space<hbm>>) dst(%arg7 : memref<128x128xf32, #tpu.memory_space<vmem>>)
      tpu.yield
    }) : () -> ()
    %scan3A = arith.constant 0 : i32
    %scan3A_1 = arith.constant 0 : i32
    %scan3A_2 = arith.constant 5 : i32
    %scan3A_3 = arith.addi %scan3A_1, %scan3A_2 : i32
    %scan3A_4 = arith.constant 1 : i32
    scf.for %scan3A_23 = %scan3A_1 to %scan3A_3 step %scan3A_4  : i32 {
      %mul3A_24 = arith.constant 640 : i32
      %mul3A_25 = arith.muli %arg1, %mul3A_24 : i32
      %mul3A_26 = arith.constant 128 : i32
      %mul3A_27 = arith.muli %scan3A_23, %mul3A_26 : i32
      %add3A_28 = arith.addi %mul3A_25, %mul3A_27 : i32
      "tpu.region"() ({
        %run_scoped3A = tpu.sem_alloc : memref<!tpu.dma_semaphore, #tpu.memory_space<semaphore_mem>>
        %dma_start3A = arith.constant 0 : i32
        %dma_start3A_29 = tpu.memref_slice %arg8[%add3A_28, %dma_start3A] : memref<10240x128xf32, #tpu.memory_space<vmem_shared>> -> memref<128x128xf32, #tpu.memory_space<vmem_shared>>
        %dma_start3A_30 = arith.constant 0 : i32
        %dma_start3A_31 = tpu.memref_slice %arg8[%add3A_28, %dma_start3A_30] : memref<10240x128xf32, #tpu.memory_space<vmem_shared>> -> memref<128x128xf32, #tpu.memory_space<vmem_shared>>
        tpu.enqueue_dma source(%arg7 : memref<128x128xf32, #tpu.memory_space<vmem>>) target(%dma_start3A_31 : memref<128x128xf32, #tpu.memory_space<vmem_shared>>) target_semaphore(%run_scoped3A : memref<!tpu.dma_semaphore, #tpu.memory_space<semaphore_mem>>)
        %dma_wait3A = arith.constant 0 : i32
        %dma_wait3A_32 = tpu.memref_slice %arg8[%add3A_28, %dma_wait3A] : memref<10240x128xf32, #tpu.memory_space<vmem_shared>> -> memref<128x128xf32, #tpu.memory_space<vmem_shared>>
        %dma_wait3A_33 = arith.constant 0 : i32
        %dma_wait3A_34 = tpu.memref_slice %arg8[%add3A_28, %dma_wait3A_33] : memref<10240x128xf32, #tpu.memory_space<vmem_shared>> -> memref<128x128xf32, #tpu.memory_space<vmem_shared>>
        tpu.wait_dma2 semaphore(%run_scoped3A : memref<!tpu.dma_semaphore, #tpu.memory_space<semaphore_mem>>) src(%arg7 : memref<128x128xf32, #tpu.memory_space<vmem>>) dst(%dma_wait3A_34 : memref<128x128xf32, #tpu.memory_space<vmem_shared>>)
        tpu.yield
      }) : () -> ()
    }
    %scan3A_5 = arith.constant 5 : i32
    "tpu.region"() ({
      %run_scoped3A = tpu.sem_alloc : memref<!tpu.dma_semaphore, #tpu.memory_space<semaphore_mem>>
      tpu.enqueue_dma source(%arg4 : memref<128x128xf32, #tpu.memory_space<hbm>>) target(%arg7 : memref<128x128xf32, #tpu.memory_space<vmem>>) target_semaphore(%run_scoped3A : memref<!tpu.dma_semaphore, #tpu.memory_space<semaphore_mem>>)
      tpu.wait_dma2 semaphore(%run_scoped3A : memref<!tpu.dma_semaphore, #tpu.memory_space<semaphore_mem>>) src(%arg4 : memref<128x128xf32, #tpu.memory_space<hbm>>) dst(%arg7 : memref<128x128xf32, #tpu.memory_space<vmem>>)
      tpu.yield
    }) : () -> ()
    %mul3A_6 = arith.constant 16 : i32
    %mul3A_7 = arith.muli %arg0, %mul3A_6 : i32
    %add3A = arith.addi %mul3A_7, %arg1 : i32
    %mul3A_8 = arith.constant 40 : i32
    %mul3A_9 = arith.muli %add3A, %mul3A_8 : i32
    "tpu.region"() ({
      %run_scoped3A = tpu.sem_alloc : memref<!tpu.dma_semaphore, #tpu.memory_space<semaphore_mem>>
      %dma_start3A = arith.constant 0 : i32
      %dma_start3A_23 = tpu.memref_slice %arg2[%mul3A_9, %dma_start3A] : memref<1280x128xi32, #tpu.memory_space<hbm>> -> memref<40x128xi32, #tpu.memory_space<hbm>>
      %dma_start3A_24 = arith.constant 0 : i32
      %dma_start3A_25 = tpu.memref_slice %arg2[%mul3A_9, %dma_start3A_24] : memref<1280x128xi32, #tpu.memory_space<hbm>> -> memref<40x128xi32, #tpu.memory_space<hbm>>
      tpu.enqueue_dma source(%dma_start3A_25 : memref<40x128xi32, #tpu.memory_space<hbm>>) target(%arg6 : memref<40x128xi32, #tpu.memory_space<vmem>>) target_semaphore(%run_scoped3A : memref<!tpu.dma_semaphore, #tpu.memory_space<semaphore_mem>>)
      %dma_wait3A = arith.constant 0 : i32
      %dma_wait3A_26 = tpu.memref_slice %arg2[%mul3A_9, %dma_wait3A] : memref<1280x128xi32, #tpu.memory_space<hbm>> -> memref<40x128xi32, #tpu.memory_space<hbm>>
      %dma_wait3A_27 = arith.constant 0 : i32
      %dma_wait3A_28 = tpu.memref_slice %arg2[%mul3A_9, %dma_wait3A_27] : memref<1280x128xi32, #tpu.memory_space<hbm>> -> memref<40x128xi32, #tpu.memory_space<hbm>>
      tpu.wait_dma2 semaphore(%run_scoped3A : memref<!tpu.dma_semaphore, #tpu.memory_space<semaphore_mem>>) src(%dma_wait3A_28 : memref<40x128xi32, #tpu.memory_space<hbm>>) dst(%arg6 : memref<40x128xi32, #tpu.memory_space<vmem>>)
      tpu.yield
    }) : () -> ()
    %barrier3A = arith.constant 0 : index
    tpu.barrier barrier_id(%barrier3A)
    %scan3A_10 = arith.constant 0 : i32
    %scan3A_11 = arith.constant 0 : i32
    %scan3A_12 = arith.constant 40 : i32
    %scan3A_13 = arith.addi %scan3A_11, %scan3A_12 : i32
    %scan3A_14 = arith.constant 1 : i32
    scf.for %scan3A_23 = %scan3A_11 to %scan3A_13 step %scan3A_14  : i32 {
      %dma_start3A = arith.constant 0 : i32
      %dma_start3A_24 = tpu.memref_slice %arg6[%scan3A_23, %dma_start3A] : memref<40x128xi32, #tpu.memory_space<vmem>> -> memref<1x128xi32, #tpu.memory_space<vmem>>
      %dma_start3A_25 = tpu.memref_squeeze %dma_start3A_24 : memref<1x128xi32, #tpu.memory_space<vmem>> -> memref<128xi32, #tpu.memory_space<vmem>>
      %dma_start3A_26 = arith.constant 0 : i32
      %dma_start3A_27 = arith.constant 0 : i32
      %dma_start3A_28 = tpu.memref_slice %arg8[%dma_start3A_26, %dma_start3A_27] : memref<10240x128xf32, #tpu.memory_space<vmem_shared>> -> memref<10240x128xf32, #tpu.memory_space<vmem_shared>>
      tpu.enqueue_indirect_dma source(%arg7 : memref<128x128xf32, #tpu.memory_space<vmem>>) target(%dma_start3A_28 : memref<10240x128xf32, #tpu.memory_space<vmem_shared>>) offsets(%dma_start3A_25 : memref<128xi32, #tpu.memory_space<vmem>>) semaphore(%arg9 : memref<!tpu.dma_semaphore, #tpu.memory_space<semaphore_mem>>) {add = true}
    }
    %scan3A_15 = arith.constant 40 : i32
    %scan3A_16 = arith.constant 0 : i32
    %scan3A_17 = arith.constant 0 : i32
    %scan3A_18 = arith.constant 40 : i32
    %scan3A_19 = arith.addi %scan3A_17, %scan3A_18 : i32
    %scan3A_20 = arith.constant 1 : i32
    scf.for %scan3A_23 = %scan3A_17 to %scan3A_19 step %scan3A_20  : i32 {
      %dma_wait3A = arith.constant 0 : i32
      %dma_wait3A_24 = arith.constant 0 : i32
      %dma_wait3A_25 = tpu.memref_slice %arg6[%dma_wait3A, %dma_wait3A_24] : memref<40x128xi32, #tpu.memory_space<vmem>> -> memref<1x128xi32, #tpu.memory_space<vmem>>
      %dma_wait3A_26 = tpu.memref_squeeze %dma_wait3A_25 : memref<1x128xi32, #tpu.memory_space<vmem>> -> memref<128xi32, #tpu.memory_space<vmem>>
      %dma_wait3A_27 = arith.constant 0 : i32
      %dma_wait3A_28 = arith.constant 0 : i32
      %dma_wait3A_29 = tpu.memref_slice %arg8[%dma_wait3A_27, %dma_wait3A_28] : memref<10240x128xf32, #tpu.memory_space<vmem_shared>> -> memref<10240x128xf32, #tpu.memory_space<vmem_shared>>
      tpu.wait_indirect_dma semaphore(%arg9 : memref<!tpu.dma_semaphore, #tpu.memory_space<semaphore_mem>>) src(%arg7 : memref<128x128xf32, #tpu.memory_space<vmem>>) dst(%dma_wait3A_29 : memref<10240x128xf32, #tpu.memory_space<vmem_shared>>)
    }
    %scan3A_21 = arith.constant 40 : i32
    %barrier3A_22 = arith.constant 0 : index
    tpu.barrier barrier_id(%barrier3A_22)
    "tpu.region"() ({
      %run_scoped3A = tpu.sem_alloc : memref<!tpu.dma_semaphore, #tpu.memory_space<semaphore_mem>>
      %dma_start3A = arith.constant 0 : i32
      %dma_start3A_23 = tpu.memref_slice %arg5[%arg0, %mul3A_0, %dma_start3A] : memref<2x10240x128xf32, #tpu.memory_space<hbm>> -> memref<1x640x128xf32, #tpu.memory_space<hbm>>
      %dma_start3A_24 = tpu.memref_squeeze %dma_start3A_23 : memref<1x640x128xf32, #tpu.memory_space<hbm>> -> memref<640x128xf32, #tpu.memory_space<hbm>>
      %dma_start3A_25 = arith.constant 0 : i32
      %dma_start3A_26 = tpu.memref_slice %arg8[%mul3A_0, %dma_start3A_25] : memref<10240x128xf32, #tpu.memory_space<vmem_shared>> -> memref<640x128xf32, #tpu.memory_space<vmem_shared>>
      tpu.enqueue_dma source(%dma_start3A_26 : memref<640x128xf32, #tpu.memory_space<vmem_shared>>) target(%dma_start3A_24 : memref<640x128xf32, #tpu.memory_space<hbm>>) target_semaphore(%run_scoped3A : memref<!tpu.dma_semaphore, #tpu.memory_space<semaphore_mem>>)
      %dma_wait3A = arith.constant 0 : i32
      %dma_wait3A_27 = tpu.memref_slice %arg5[%arg0, %mul3A_0, %dma_wait3A] : memref<2x10240x128xf32, #tpu.memory_space<hbm>> -> memref<1x640x128xf32, #tpu.memory_space<hbm>>
      %dma_wait3A_28 = tpu.memref_squeeze %dma_wait3A_27 : memref<1x640x128xf32, #tpu.memory_space<hbm>> -> memref<640x128xf32, #tpu.memory_space<hbm>>
      %dma_wait3A_29 = arith.constant 0 : i32
      %dma_wait3A_30 = tpu.memref_slice %arg8[%mul3A_0, %dma_wait3A_29] : memref<10240x128xf32, #tpu.memory_space<vmem_shared>> -> memref<640x128xf32, #tpu.memory_space<vmem_shared>>
      tpu.wait_dma2 semaphore(%run_scoped3A : memref<!tpu.dma_semaphore, #tpu.memory_space<semaphore_mem>>) src(%dma_wait3A_30 : memref<640x128xf32, #tpu.memory_space<vmem_shared>>) dst(%dma_wait3A_28 : memref<640x128xf32, #tpu.memory_space<hbm>>)
      tpu.yield
    }) : () -> ()
    return
  }
}

#map = affine_map<(d0, d1) -> (0, 0)>
#map1 = affine_map<(d0, d1) -> (0, 0, 0)>
module attributes {stable_mosaic.version = 14 : i64} {
  func.func @_sc_agg_body(%arg0: i32, %arg1: i32, %arg2: memref<1280x128xi32, #tpu.memory_space<hbm>>, %arg3: memref<1280x128xi32, #tpu.memory_space<hbm>>, %arg4: memref<10000x128xf32, #tpu.memory_space<hbm>>, %arg5: memref<128x128xf32, #tpu.memory_space<hbm>>, %arg6: memref<2x10240x128xf32, #tpu.memory_space<hbm>>, %arg7: memref<2x10240x128xf32, #tpu.memory_space<hbm>>, %arg8: memref<40x128xi32, #tpu.memory_space<vmem>>, %arg9: memref<40x128xi32, #tpu.memory_space<vmem>>, %arg10: memref<128x128xf32, #tpu.memory_space<vmem>>, %arg11: memref<128x128xf32, #tpu.memory_space<vmem>>, %arg12: memref<10240x128xf32, #tpu.memory_space<vmem_shared>>, %arg13: memref<!tpu.dma_semaphore, #tpu.memory_space<semaphore_mem>>, %arg14: memref<!tpu.dma_semaphore, #tpu.memory_space<semaphore_mem>>) attributes {dimension_semantics = [#tpu.dimension_semantics<core_parallel>, #tpu.dimension_semantics<subcore_parallel>], iteration_bounds = array<i64: 2, 16>, scalar_prefetch = 0 : i64, scratch_operands = 7 : i64, tpu.core_type = #tpu.core_type<sc_vector_subcore>, window_params = [{transform_indices = #map}, {transform_indices = #map}, {transform_indices = #map}, {transform_indices = #map}, {transform_indices = #map1}, {transform_indices = #map1}]} {
    %mul3A = arith.constant 640 : i32
    %mul3A_0 = arith.muli %arg1, %mul3A : i32
    "tpu.trace_start"() <{level = 10 : i32, message = "agg_zero"}> : () -> ()
    "tpu.region"() ({
      %run_scoped3A_44 = tpu.sem_alloc : memref<!tpu.dma_semaphore, #tpu.memory_space<semaphore_mem>>
      tpu.enqueue_dma source(%arg5 : memref<128x128xf32, #tpu.memory_space<hbm>>) target(%arg10 : memref<128x128xf32, #tpu.memory_space<vmem>>) target_semaphore(%run_scoped3A_44 : memref<!tpu.dma_semaphore, #tpu.memory_space<semaphore_mem>>)
      tpu.wait_dma2 semaphore(%run_scoped3A_44 : memref<!tpu.dma_semaphore, #tpu.memory_space<semaphore_mem>>) src(%arg5 : memref<128x128xf32, #tpu.memory_space<hbm>>) dst(%arg10 : memref<128x128xf32, #tpu.memory_space<vmem>>)
      tpu.yield
    }) : () -> ()
    %scan3A = arith.constant 0 : i32
    %scan3A_1 = arith.constant 0 : i32
    %scan3A_2 = arith.constant 5 : i32
    %scan3A_3 = arith.addi %scan3A_1, %scan3A_2 : i32
    %scan3A_4 = arith.constant 1 : i32
    scf.for %scan3A_44 = %scan3A_1 to %scan3A_3 step %scan3A_4  : i32 {
      %mul3A_45 = arith.constant 640 : i32
      %mul3A_46 = arith.muli %arg1, %mul3A_45 : i32
      %mul3A_47 = arith.constant 128 : i32
      %mul3A_48 = arith.muli %scan3A_44, %mul3A_47 : i32
      %add3A_49 = arith.addi %mul3A_46, %mul3A_48 : i32
      "tpu.region"() ({
        %run_scoped3A_50 = tpu.sem_alloc : memref<!tpu.dma_semaphore, #tpu.memory_space<semaphore_mem>>
        %dma_start3A_51 = arith.constant 0 : i32
        %dma_start3A_52 = tpu.memref_slice %arg12[%add3A_49, %dma_start3A_51] : memref<10240x128xf32, #tpu.memory_space<vmem_shared>> -> memref<128x128xf32, #tpu.memory_space<vmem_shared>>
        %dma_start3A_53 = arith.constant 0 : i32
        %dma_start3A_54 = tpu.memref_slice %arg12[%add3A_49, %dma_start3A_53] : memref<10240x128xf32, #tpu.memory_space<vmem_shared>> -> memref<128x128xf32, #tpu.memory_space<vmem_shared>>
        tpu.enqueue_dma source(%arg10 : memref<128x128xf32, #tpu.memory_space<vmem>>) target(%dma_start3A_54 : memref<128x128xf32, #tpu.memory_space<vmem_shared>>) target_semaphore(%run_scoped3A_50 : memref<!tpu.dma_semaphore, #tpu.memory_space<semaphore_mem>>)
        %dma_wait3A_55 = arith.constant 0 : i32
        %dma_wait3A_56 = tpu.memref_slice %arg12[%add3A_49, %dma_wait3A_55] : memref<10240x128xf32, #tpu.memory_space<vmem_shared>> -> memref<128x128xf32, #tpu.memory_space<vmem_shared>>
        %dma_wait3A_57 = arith.constant 0 : i32
        %dma_wait3A_58 = tpu.memref_slice %arg12[%add3A_49, %dma_wait3A_57] : memref<10240x128xf32, #tpu.memory_space<vmem_shared>> -> memref<128x128xf32, #tpu.memory_space<vmem_shared>>
        tpu.wait_dma2 semaphore(%run_scoped3A_50 : memref<!tpu.dma_semaphore, #tpu.memory_space<semaphore_mem>>) src(%arg10 : memref<128x128xf32, #tpu.memory_space<vmem>>) dst(%dma_wait3A_58 : memref<128x128xf32, #tpu.memory_space<vmem_shared>>)
        tpu.yield
      }) : () -> ()
    }
    %scan3A_5 = arith.constant 5 : i32
    "tpu.trace_stop"() : () -> ()
    "tpu.trace_start"() <{level = 10 : i32, message = "agg_stage"}> : () -> ()
    %mul3A_6 = arith.constant 16 : i32
    %mul3A_7 = arith.muli %arg0, %mul3A_6 : i32
    %add3A = arith.addi %mul3A_7, %arg1 : i32
    %mul3A_8 = arith.constant 40 : i32
    %mul3A_9 = arith.muli %add3A, %mul3A_8 : i32
    "tpu.region"() ({
      %run_scoped3A_44 = tpu.sem_alloc : memref<!tpu.dma_semaphore, #tpu.memory_space<semaphore_mem>>
      %dma_start3A_45 = arith.constant 0 : i32
      %dma_start3A_46 = tpu.memref_slice %arg2[%mul3A_9, %dma_start3A_45] : memref<1280x128xi32, #tpu.memory_space<hbm>> -> memref<40x128xi32, #tpu.memory_space<hbm>>
      %dma_start3A_47 = arith.constant 0 : i32
      %dma_start3A_48 = tpu.memref_slice %arg2[%mul3A_9, %dma_start3A_47] : memref<1280x128xi32, #tpu.memory_space<hbm>> -> memref<40x128xi32, #tpu.memory_space<hbm>>
      tpu.enqueue_dma source(%dma_start3A_48 : memref<40x128xi32, #tpu.memory_space<hbm>>) target(%arg8 : memref<40x128xi32, #tpu.memory_space<vmem>>) target_semaphore(%run_scoped3A_44 : memref<!tpu.dma_semaphore, #tpu.memory_space<semaphore_mem>>)
      %dma_wait3A_49 = arith.constant 0 : i32
      %dma_wait3A_50 = tpu.memref_slice %arg2[%mul3A_9, %dma_wait3A_49] : memref<1280x128xi32, #tpu.memory_space<hbm>> -> memref<40x128xi32, #tpu.memory_space<hbm>>
      %dma_wait3A_51 = arith.constant 0 : i32
      %dma_wait3A_52 = tpu.memref_slice %arg2[%mul3A_9, %dma_wait3A_51] : memref<1280x128xi32, #tpu.memory_space<hbm>> -> memref<40x128xi32, #tpu.memory_space<hbm>>
      tpu.wait_dma2 semaphore(%run_scoped3A_44 : memref<!tpu.dma_semaphore, #tpu.memory_space<semaphore_mem>>) src(%dma_wait3A_52 : memref<40x128xi32, #tpu.memory_space<hbm>>) dst(%arg8 : memref<40x128xi32, #tpu.memory_space<vmem>>)
      tpu.yield
    }) : () -> ()
    "tpu.region"() ({
      %run_scoped3A_44 = tpu.sem_alloc : memref<!tpu.dma_semaphore, #tpu.memory_space<semaphore_mem>>
      %dma_start3A_45 = arith.constant 0 : i32
      %dma_start3A_46 = tpu.memref_slice %arg3[%mul3A_9, %dma_start3A_45] : memref<1280x128xi32, #tpu.memory_space<hbm>> -> memref<40x128xi32, #tpu.memory_space<hbm>>
      %dma_start3A_47 = arith.constant 0 : i32
      %dma_start3A_48 = tpu.memref_slice %arg3[%mul3A_9, %dma_start3A_47] : memref<1280x128xi32, #tpu.memory_space<hbm>> -> memref<40x128xi32, #tpu.memory_space<hbm>>
      tpu.enqueue_dma source(%dma_start3A_48 : memref<40x128xi32, #tpu.memory_space<hbm>>) target(%arg9 : memref<40x128xi32, #tpu.memory_space<vmem>>) target_semaphore(%run_scoped3A_44 : memref<!tpu.dma_semaphore, #tpu.memory_space<semaphore_mem>>)
      %dma_wait3A_49 = arith.constant 0 : i32
      %dma_wait3A_50 = tpu.memref_slice %arg3[%mul3A_9, %dma_wait3A_49] : memref<1280x128xi32, #tpu.memory_space<hbm>> -> memref<40x128xi32, #tpu.memory_space<hbm>>
      %dma_wait3A_51 = arith.constant 0 : i32
      %dma_wait3A_52 = tpu.memref_slice %arg3[%mul3A_9, %dma_wait3A_51] : memref<1280x128xi32, #tpu.memory_space<hbm>> -> memref<40x128xi32, #tpu.memory_space<hbm>>
      tpu.wait_dma2 semaphore(%run_scoped3A_44 : memref<!tpu.dma_semaphore, #tpu.memory_space<semaphore_mem>>) src(%dma_wait3A_52 : memref<40x128xi32, #tpu.memory_space<hbm>>) dst(%arg9 : memref<40x128xi32, #tpu.memory_space<vmem>>)
      tpu.yield
    }) : () -> ()
    "tpu.trace_stop"() : () -> ()
    %barrier3A = arith.constant 0 : index
    tpu.barrier barrier_id(%barrier3A)
    %dma_start3A = arith.constant 0 : i32
    "tpu.trace_start"() <{level = 10 : i32, message = "agg_edges"}> : () -> ()
    %dma_start3A_10 = arith.constant 0 : i32
    %dma_start3A_11 = tpu.memref_slice %arg8[%dma_start3A, %dma_start3A_10] : memref<40x128xi32, #tpu.memory_space<vmem>> -> memref<1x128xi32, #tpu.memory_space<vmem>>
    %dma_start3A_12 = tpu.memref_squeeze %dma_start3A_11 : memref<1x128xi32, #tpu.memory_space<vmem>> -> memref<128xi32, #tpu.memory_space<vmem>>
    %dma_start3A_13 = arith.constant 0 : i32
    %dma_start3A_14 = arith.constant 0 : i32
    %dma_start3A_15 = tpu.memref_slice %arg4[%dma_start3A_13, %dma_start3A_14] : memref<10000x128xf32, #tpu.memory_space<hbm>> -> memref<10000x128xf32, #tpu.memory_space<hbm>>
    tpu.enqueue_indirect_dma source(%dma_start3A_15 : memref<10000x128xf32, #tpu.memory_space<hbm>>) target(%arg10 : memref<128x128xf32, #tpu.memory_space<vmem>>) offsets(%dma_start3A_12 : memref<128xi32, #tpu.memory_space<vmem>>) semaphore(%arg13 : memref<!tpu.dma_semaphore, #tpu.memory_space<semaphore_mem>>)
    %dma_start3A_16 = arith.constant 1 : i32
    %dma_start3A_17 = arith.constant 0 : i32
    %dma_start3A_18 = tpu.memref_slice %arg8[%dma_start3A_16, %dma_start3A_17] : memref<40x128xi32, #tpu.memory_space<vmem>> -> memref<1x128xi32, #tpu.memory_space<vmem>>
    %dma_start3A_19 = tpu.memref_squeeze %dma_start3A_18 : memref<1x128xi32, #tpu.memory_space<vmem>> -> memref<128xi32, #tpu.memory_space<vmem>>
    %dma_start3A_20 = arith.constant 0 : i32
    %dma_start3A_21 = arith.constant 0 : i32
    %dma_start3A_22 = tpu.memref_slice %arg4[%dma_start3A_20, %dma_start3A_21] : memref<10000x128xf32, #tpu.memory_space<hbm>> -> memref<10000x128xf32, #tpu.memory_space<hbm>>
    tpu.enqueue_indirect_dma source(%dma_start3A_22 : memref<10000x128xf32, #tpu.memory_space<hbm>>) target(%arg11 : memref<128x128xf32, #tpu.memory_space<vmem>>) offsets(%dma_start3A_19 : memref<128xi32, #tpu.memory_space<vmem>>) semaphore(%arg14 : memref<!tpu.dma_semaphore, #tpu.memory_space<semaphore_mem>>)
    %scan3A_23 = arith.constant 0 : i32
    %scan3A_24 = arith.constant 0 : i32
    %scan3A_25 = arith.constant 19 : i32
    %scan3A_26 = arith.addi %scan3A_24, %scan3A_25 : i32
    %scan3A_27 = arith.constant 1 : i32
    scf.for %scan3A_44 = %scan3A_24 to %scan3A_26 step %scan3A_27  : i32 {
      %mul3A_45 = arith.constant 2 : i32
      %mul3A_46 = arith.muli %mul3A_45, %scan3A_44 : i32
      %dma_wait3A_47 = arith.constant 0 : i32
      %dma_wait3A_48 = arith.constant 0 : i32
      %dma_wait3A_49 = tpu.memref_slice %arg8[%dma_wait3A_47, %dma_wait3A_48] : memref<40x128xi32, #tpu.memory_space<vmem>> -> memref<1x128xi32, #tpu.memory_space<vmem>>
      %dma_wait3A_50 = tpu.memref_squeeze %dma_wait3A_49 : memref<1x128xi32, #tpu.memory_space<vmem>> -> memref<128xi32, #tpu.memory_space<vmem>>
      %dma_wait3A_51 = arith.constant 0 : i32
      %dma_wait3A_52 = arith.constant 0 : i32
      %dma_wait3A_53 = tpu.memref_slice %arg4[%dma_wait3A_51, %dma_wait3A_52] : memref<10000x128xf32, #tpu.memory_space<hbm>> -> memref<10000x128xf32, #tpu.memory_space<hbm>>
      tpu.wait_indirect_dma semaphore(%arg13 : memref<!tpu.dma_semaphore, #tpu.memory_space<semaphore_mem>>) src(%dma_wait3A_53 : memref<10000x128xf32, #tpu.memory_space<hbm>>) dst(%arg10 : memref<128x128xf32, #tpu.memory_space<vmem>>)
      "tpu.region"() ({
        %run_scoped3A_79 = tpu.sem_alloc : memref<!tpu.dma_semaphore, #tpu.memory_space<semaphore_mem>>
        %dma_start3A_80 = arith.constant 0 : i32
        %dma_start3A_81 = tpu.memref_slice %arg9[%mul3A_46, %dma_start3A_80] : memref<40x128xi32, #tpu.memory_space<vmem>> -> memref<1x128xi32, #tpu.memory_space<vmem>>
        %dma_start3A_82 = tpu.memref_squeeze %dma_start3A_81 : memref<1x128xi32, #tpu.memory_space<vmem>> -> memref<128xi32, #tpu.memory_space<vmem>>
        %dma_start3A_83 = arith.constant 0 : i32
        %dma_start3A_84 = arith.constant 0 : i32
        %dma_start3A_85 = tpu.memref_slice %arg12[%dma_start3A_83, %dma_start3A_84] : memref<10240x128xf32, #tpu.memory_space<vmem_shared>> -> memref<10240x128xf32, #tpu.memory_space<vmem_shared>>
        tpu.enqueue_indirect_dma source(%arg10 : memref<128x128xf32, #tpu.memory_space<vmem>>) target(%dma_start3A_85 : memref<10240x128xf32, #tpu.memory_space<vmem_shared>>) offsets(%dma_start3A_82 : memref<128xi32, #tpu.memory_space<vmem>>) semaphore(%run_scoped3A_79 : memref<!tpu.dma_semaphore, #tpu.memory_space<semaphore_mem>>) {add = true}
        %dma_wait3A_86 = arith.constant 0 : i32
        %dma_wait3A_87 = tpu.memref_slice %arg9[%mul3A_46, %dma_wait3A_86] : memref<40x128xi32, #tpu.memory_space<vmem>> -> memref<1x128xi32, #tpu.memory_space<vmem>>
        %dma_wait3A_88 = tpu.memref_squeeze %dma_wait3A_87 : memref<1x128xi32, #tpu.memory_space<vmem>> -> memref<128xi32, #tpu.memory_space<vmem>>
        %dma_wait3A_89 = arith.constant 0 : i32
        %dma_wait3A_90 = arith.constant 0 : i32
        %dma_wait3A_91 = tpu.memref_slice %arg12[%dma_wait3A_89, %dma_wait3A_90] : memref<10240x128xf32, #tpu.memory_space<vmem_shared>> -> memref<10240x128xf32, #tpu.memory_space<vmem_shared>>
        tpu.wait_indirect_dma semaphore(%run_scoped3A_79 : memref<!tpu.dma_semaphore, #tpu.memory_space<semaphore_mem>>) src(%arg10 : memref<128x128xf32, #tpu.memory_space<vmem>>) dst(%dma_wait3A_91 : memref<10240x128xf32, #tpu.memory_space<vmem_shared>>)
        tpu.yield
      }) : () -> ()
      %add3A_54 = arith.constant 2 : i32
      %add3A_55 = arith.addi %mul3A_46, %add3A_54 : i32
      %dma_start3A_56 = arith.constant 0 : i32
      %dma_start3A_57 = tpu.memref_slice %arg8[%add3A_55, %dma_start3A_56] : memref<40x128xi32, #tpu.memory_space<vmem>> -> memref<1x128xi32, #tpu.memory_space<vmem>>
      %dma_start3A_58 = tpu.memref_squeeze %dma_start3A_57 : memref<1x128xi32, #tpu.memory_space<vmem>> -> memref<128xi32, #tpu.memory_space<vmem>>
      %dma_start3A_59 = arith.constant 0 : i32
      %dma_start3A_60 = arith.constant 0 : i32
      %dma_start3A_61 = tpu.memref_slice %arg4[%dma_start3A_59, %dma_start3A_60] : memref<10000x128xf32, #tpu.memory_space<hbm>> -> memref<10000x128xf32, #tpu.memory_space<hbm>>
      tpu.enqueue_indirect_dma source(%dma_start3A_61 : memref<10000x128xf32, #tpu.memory_space<hbm>>) target(%arg10 : memref<128x128xf32, #tpu.memory_space<vmem>>) offsets(%dma_start3A_58 : memref<128xi32, #tpu.memory_space<vmem>>) semaphore(%arg13 : memref<!tpu.dma_semaphore, #tpu.memory_space<semaphore_mem>>)
      %dma_wait3A_62 = arith.constant 0 : i32
      %dma_wait3A_63 = arith.constant 0 : i32
      %dma_wait3A_64 = tpu.memref_slice %arg8[%dma_wait3A_62, %dma_wait3A_63] : memref<40x128xi32, #tpu.memory_space<vmem>> -> memref<1x128xi32, #tpu.memory_space<vmem>>
      %dma_wait3A_65 = tpu.memref_squeeze %dma_wait3A_64 : memref<1x128xi32, #tpu.memory_space<vmem>> -> memref<128xi32, #tpu.memory_space<vmem>>
      %dma_wait3A_66 = arith.constant 0 : i32
      %dma_wait3A_67 = arith.constant 0 : i32
      %dma_wait3A_68 = tpu.memref_slice %arg4[%dma_wait3A_66, %dma_wait3A_67] : memref<10000x128xf32, #tpu.memory_space<hbm>> -> memref<10000x128xf32, #tpu.memory_space<hbm>>
      tpu.wait_indirect_dma semaphore(%arg14 : memref<!tpu.dma_semaphore, #tpu.memory_space<semaphore_mem>>) src(%dma_wait3A_68 : memref<10000x128xf32, #tpu.memory_space<hbm>>) dst(%arg11 : memref<128x128xf32, #tpu.memory_space<vmem>>)
      %add3A_69 = arith.constant 1 : i32
      %add3A_70 = arith.addi %mul3A_46, %add3A_69 : i32
      "tpu.region"() ({
        %run_scoped3A_79 = tpu.sem_alloc : memref<!tpu.dma_semaphore, #tpu.memory_space<semaphore_mem>>
        %dma_start3A_80 = arith.constant 0 : i32
        %dma_start3A_81 = tpu.memref_slice %arg9[%add3A_70, %dma_start3A_80] : memref<40x128xi32, #tpu.memory_space<vmem>> -> memref<1x128xi32, #tpu.memory_space<vmem>>
        %dma_start3A_82 = tpu.memref_squeeze %dma_start3A_81 : memref<1x128xi32, #tpu.memory_space<vmem>> -> memref<128xi32, #tpu.memory_space<vmem>>
        %dma_start3A_83 = arith.constant 0 : i32
        %dma_start3A_84 = arith.constant 0 : i32
        %dma_start3A_85 = tpu.memref_slice %arg12[%dma_start3A_83, %dma_start3A_84] : memref<10240x128xf32, #tpu.memory_space<vmem_shared>> -> memref<10240x128xf32, #tpu.memory_space<vmem_shared>>
        tpu.enqueue_indirect_dma source(%arg11 : memref<128x128xf32, #tpu.memory_space<vmem>>) target(%dma_start3A_85 : memref<10240x128xf32, #tpu.memory_space<vmem_shared>>) offsets(%dma_start3A_82 : memref<128xi32, #tpu.memory_space<vmem>>) semaphore(%run_scoped3A_79 : memref<!tpu.dma_semaphore, #tpu.memory_space<semaphore_mem>>) {add = true}
        %dma_wait3A_86 = arith.constant 0 : i32
        %dma_wait3A_87 = tpu.memref_slice %arg9[%add3A_70, %dma_wait3A_86] : memref<40x128xi32, #tpu.memory_space<vmem>> -> memref<1x128xi32, #tpu.memory_space<vmem>>
        %dma_wait3A_88 = tpu.memref_squeeze %dma_wait3A_87 : memref<1x128xi32, #tpu.memory_space<vmem>> -> memref<128xi32, #tpu.memory_space<vmem>>
        %dma_wait3A_89 = arith.constant 0 : i32
        %dma_wait3A_90 = arith.constant 0 : i32
        %dma_wait3A_91 = tpu.memref_slice %arg12[%dma_wait3A_89, %dma_wait3A_90] : memref<10240x128xf32, #tpu.memory_space<vmem_shared>> -> memref<10240x128xf32, #tpu.memory_space<vmem_shared>>
        tpu.wait_indirect_dma semaphore(%run_scoped3A_79 : memref<!tpu.dma_semaphore, #tpu.memory_space<semaphore_mem>>) src(%arg11 : memref<128x128xf32, #tpu.memory_space<vmem>>) dst(%dma_wait3A_91 : memref<10240x128xf32, #tpu.memory_space<vmem_shared>>)
        tpu.yield
      }) : () -> ()
      %add3A_71 = arith.constant 3 : i32
      %add3A_72 = arith.addi %mul3A_46, %add3A_71 : i32
      %dma_start3A_73 = arith.constant 0 : i32
      %dma_start3A_74 = tpu.memref_slice %arg8[%add3A_72, %dma_start3A_73] : memref<40x128xi32, #tpu.memory_space<vmem>> -> memref<1x128xi32, #tpu.memory_space<vmem>>
      %dma_start3A_75 = tpu.memref_squeeze %dma_start3A_74 : memref<1x128xi32, #tpu.memory_space<vmem>> -> memref<128xi32, #tpu.memory_space<vmem>>
      %dma_start3A_76 = arith.constant 0 : i32
      %dma_start3A_77 = arith.constant 0 : i32
      %dma_start3A_78 = tpu.memref_slice %arg4[%dma_start3A_76, %dma_start3A_77] : memref<10000x128xf32, #tpu.memory_space<hbm>> -> memref<10000x128xf32, #tpu.memory_space<hbm>>
      tpu.enqueue_indirect_dma source(%dma_start3A_78 : memref<10000x128xf32, #tpu.memory_space<hbm>>) target(%arg11 : memref<128x128xf32, #tpu.memory_space<vmem>>) offsets(%dma_start3A_75 : memref<128xi32, #tpu.memory_space<vmem>>) semaphore(%arg14 : memref<!tpu.dma_semaphore, #tpu.memory_space<semaphore_mem>>)
    }
    %scan3A_28 = arith.constant 19 : i32
    %dma_wait3A = arith.constant 0 : i32
    %dma_wait3A_29 = arith.constant 0 : i32
    %dma_wait3A_30 = tpu.memref_slice %arg8[%dma_wait3A, %dma_wait3A_29] : memref<40x128xi32, #tpu.memory_space<vmem>> -> memref<1x128xi32, #tpu.memory_space<vmem>>
    %dma_wait3A_31 = tpu.memref_squeeze %dma_wait3A_30 : memref<1x128xi32, #tpu.memory_space<vmem>> -> memref<128xi32, #tpu.memory_space<vmem>>
    %dma_wait3A_32 = arith.constant 0 : i32
    %dma_wait3A_33 = arith.constant 0 : i32
    %dma_wait3A_34 = tpu.memref_slice %arg4[%dma_wait3A_32, %dma_wait3A_33] : memref<10000x128xf32, #tpu.memory_space<hbm>> -> memref<10000x128xf32, #tpu.memory_space<hbm>>
    tpu.wait_indirect_dma semaphore(%arg13 : memref<!tpu.dma_semaphore, #tpu.memory_space<semaphore_mem>>) src(%dma_wait3A_34 : memref<10000x128xf32, #tpu.memory_space<hbm>>) dst(%arg10 : memref<128x128xf32, #tpu.memory_space<vmem>>)
    %run_scoped3A = arith.constant 38 : i32
    "tpu.region"() ({
      %run_scoped3A_44 = tpu.sem_alloc : memref<!tpu.dma_semaphore, #tpu.memory_space<semaphore_mem>>
      %dma_start3A_45 = arith.constant 0 : i32
      %dma_start3A_46 = tpu.memref_slice %arg9[%run_scoped3A, %dma_start3A_45] : memref<40x128xi32, #tpu.memory_space<vmem>> -> memref<1x128xi32, #tpu.memory_space<vmem>>
      %dma_start3A_47 = tpu.memref_squeeze %dma_start3A_46 : memref<1x128xi32, #tpu.memory_space<vmem>> -> memref<128xi32, #tpu.memory_space<vmem>>
      %dma_start3A_48 = arith.constant 0 : i32
      %dma_start3A_49 = arith.constant 0 : i32
      %dma_start3A_50 = tpu.memref_slice %arg12[%dma_start3A_48, %dma_start3A_49] : memref<10240x128xf32, #tpu.memory_space<vmem_shared>> -> memref<10240x128xf32, #tpu.memory_space<vmem_shared>>
      tpu.enqueue_indirect_dma source(%arg10 : memref<128x128xf32, #tpu.memory_space<vmem>>) target(%dma_start3A_50 : memref<10240x128xf32, #tpu.memory_space<vmem_shared>>) offsets(%dma_start3A_47 : memref<128xi32, #tpu.memory_space<vmem>>) semaphore(%run_scoped3A_44 : memref<!tpu.dma_semaphore, #tpu.memory_space<semaphore_mem>>) {add = true}
      %dma_wait3A_51 = arith.constant 0 : i32
      %dma_wait3A_52 = tpu.memref_slice %arg9[%run_scoped3A, %dma_wait3A_51] : memref<40x128xi32, #tpu.memory_space<vmem>> -> memref<1x128xi32, #tpu.memory_space<vmem>>
      %dma_wait3A_53 = tpu.memref_squeeze %dma_wait3A_52 : memref<1x128xi32, #tpu.memory_space<vmem>> -> memref<128xi32, #tpu.memory_space<vmem>>
      %dma_wait3A_54 = arith.constant 0 : i32
      %dma_wait3A_55 = arith.constant 0 : i32
      %dma_wait3A_56 = tpu.memref_slice %arg12[%dma_wait3A_54, %dma_wait3A_55] : memref<10240x128xf32, #tpu.memory_space<vmem_shared>> -> memref<10240x128xf32, #tpu.memory_space<vmem_shared>>
      tpu.wait_indirect_dma semaphore(%run_scoped3A_44 : memref<!tpu.dma_semaphore, #tpu.memory_space<semaphore_mem>>) src(%arg10 : memref<128x128xf32, #tpu.memory_space<vmem>>) dst(%dma_wait3A_56 : memref<10240x128xf32, #tpu.memory_space<vmem_shared>>)
      tpu.yield
    }) : () -> ()
    %dma_wait3A_35 = arith.constant 0 : i32
    %dma_wait3A_36 = arith.constant 0 : i32
    %dma_wait3A_37 = tpu.memref_slice %arg8[%dma_wait3A_35, %dma_wait3A_36] : memref<40x128xi32, #tpu.memory_space<vmem>> -> memref<1x128xi32, #tpu.memory_space<vmem>>
    %dma_wait3A_38 = tpu.memref_squeeze %dma_wait3A_37 : memref<1x128xi32, #tpu.memory_space<vmem>> -> memref<128xi32, #tpu.memory_space<vmem>>
    %dma_wait3A_39 = arith.constant 0 : i32
    %dma_wait3A_40 = arith.constant 0 : i32
    %dma_wait3A_41 = tpu.memref_slice %arg4[%dma_wait3A_39, %dma_wait3A_40] : memref<10000x128xf32, #tpu.memory_space<hbm>> -> memref<10000x128xf32, #tpu.memory_space<hbm>>
    tpu.wait_indirect_dma semaphore(%arg14 : memref<!tpu.dma_semaphore, #tpu.memory_space<semaphore_mem>>) src(%dma_wait3A_41 : memref<10000x128xf32, #tpu.memory_space<hbm>>) dst(%arg11 : memref<128x128xf32, #tpu.memory_space<vmem>>)
    %run_scoped3A_42 = arith.constant 39 : i32
    "tpu.region"() ({
      %run_scoped3A_44 = tpu.sem_alloc : memref<!tpu.dma_semaphore, #tpu.memory_space<semaphore_mem>>
      %dma_start3A_45 = arith.constant 0 : i32
      %dma_start3A_46 = tpu.memref_slice %arg9[%run_scoped3A_42, %dma_start3A_45] : memref<40x128xi32, #tpu.memory_space<vmem>> -> memref<1x128xi32, #tpu.memory_space<vmem>>
      %dma_start3A_47 = tpu.memref_squeeze %dma_start3A_46 : memref<1x128xi32, #tpu.memory_space<vmem>> -> memref<128xi32, #tpu.memory_space<vmem>>
      %dma_start3A_48 = arith.constant 0 : i32
      %dma_start3A_49 = arith.constant 0 : i32
      %dma_start3A_50 = tpu.memref_slice %arg12[%dma_start3A_48, %dma_start3A_49] : memref<10240x128xf32, #tpu.memory_space<vmem_shared>> -> memref<10240x128xf32, #tpu.memory_space<vmem_shared>>
      tpu.enqueue_indirect_dma source(%arg11 : memref<128x128xf32, #tpu.memory_space<vmem>>) target(%dma_start3A_50 : memref<10240x128xf32, #tpu.memory_space<vmem_shared>>) offsets(%dma_start3A_47 : memref<128xi32, #tpu.memory_space<vmem>>) semaphore(%run_scoped3A_44 : memref<!tpu.dma_semaphore, #tpu.memory_space<semaphore_mem>>) {add = true}
      %dma_wait3A_51 = arith.constant 0 : i32
      %dma_wait3A_52 = tpu.memref_slice %arg9[%run_scoped3A_42, %dma_wait3A_51] : memref<40x128xi32, #tpu.memory_space<vmem>> -> memref<1x128xi32, #tpu.memory_space<vmem>>
      %dma_wait3A_53 = tpu.memref_squeeze %dma_wait3A_52 : memref<1x128xi32, #tpu.memory_space<vmem>> -> memref<128xi32, #tpu.memory_space<vmem>>
      %dma_wait3A_54 = arith.constant 0 : i32
      %dma_wait3A_55 = arith.constant 0 : i32
      %dma_wait3A_56 = tpu.memref_slice %arg12[%dma_wait3A_54, %dma_wait3A_55] : memref<10240x128xf32, #tpu.memory_space<vmem_shared>> -> memref<10240x128xf32, #tpu.memory_space<vmem_shared>>
      tpu.wait_indirect_dma semaphore(%run_scoped3A_44 : memref<!tpu.dma_semaphore, #tpu.memory_space<semaphore_mem>>) src(%arg11 : memref<128x128xf32, #tpu.memory_space<vmem>>) dst(%dma_wait3A_56 : memref<10240x128xf32, #tpu.memory_space<vmem_shared>>)
      tpu.yield
    }) : () -> ()
    "tpu.trace_stop"() : () -> ()
    %barrier3A_43 = arith.constant 0 : index
    tpu.barrier barrier_id(%barrier3A_43)
    "tpu.trace_start"() <{level = 10 : i32, message = "agg_wb"}> : () -> ()
    "tpu.region"() ({
      %run_scoped3A_44 = tpu.sem_alloc : memref<!tpu.dma_semaphore, #tpu.memory_space<semaphore_mem>>
      %dma_start3A_45 = arith.constant 0 : i32
      %dma_start3A_46 = tpu.memref_slice %arg7[%arg0, %mul3A_0, %dma_start3A_45] : memref<2x10240x128xf32, #tpu.memory_space<hbm>> -> memref<1x640x128xf32, #tpu.memory_space<hbm>>
      %dma_start3A_47 = tpu.memref_squeeze %dma_start3A_46 : memref<1x640x128xf32, #tpu.memory_space<hbm>> -> memref<640x128xf32, #tpu.memory_space<hbm>>
      %dma_start3A_48 = arith.constant 0 : i32
      %dma_start3A_49 = tpu.memref_slice %arg12[%mul3A_0, %dma_start3A_48] : memref<10240x128xf32, #tpu.memory_space<vmem_shared>> -> memref<640x128xf32, #tpu.memory_space<vmem_shared>>
      tpu.enqueue_dma source(%dma_start3A_49 : memref<640x128xf32, #tpu.memory_space<vmem_shared>>) target(%dma_start3A_47 : memref<640x128xf32, #tpu.memory_space<hbm>>) target_semaphore(%run_scoped3A_44 : memref<!tpu.dma_semaphore, #tpu.memory_space<semaphore_mem>>)
      %dma_wait3A_50 = arith.constant 0 : i32
      %dma_wait3A_51 = tpu.memref_slice %arg7[%arg0, %mul3A_0, %dma_wait3A_50] : memref<2x10240x128xf32, #tpu.memory_space<hbm>> -> memref<1x640x128xf32, #tpu.memory_space<hbm>>
      %dma_wait3A_52 = tpu.memref_squeeze %dma_wait3A_51 : memref<1x640x128xf32, #tpu.memory_space<hbm>> -> memref<640x128xf32, #tpu.memory_space<hbm>>
      %dma_wait3A_53 = arith.constant 0 : i32
      %dma_wait3A_54 = tpu.memref_slice %arg12[%mul3A_0, %dma_wait3A_53] : memref<10240x128xf32, #tpu.memory_space<vmem_shared>> -> memref<640x128xf32, #tpu.memory_space<vmem_shared>>
      tpu.wait_dma2 semaphore(%run_scoped3A_44 : memref<!tpu.dma_semaphore, #tpu.memory_space<semaphore_mem>>) src(%dma_wait3A_54 : memref<640x128xf32, #tpu.memory_space<vmem_shared>>) dst(%dma_wait3A_52 : memref<640x128xf32, #tpu.memory_space<hbm>>)
      tpu.yield
    }) : () -> ()
    "tpu.trace_stop"() : () -> ()
    return
  }
}

#map = affine_map<(d0, d1) -> (0, 0)>
#map1 = affine_map<(d0, d1) -> (0, 0, 0)>
module attributes {stable_mosaic.version = 14 : i64} {
  func.func @_sc_agg_body(%arg0: i32, %arg1: i32, %arg2: memref<1280x128xi32, #tpu.memory_space<hbm>>, %arg3: memref<1280x128xi32, #tpu.memory_space<hbm>>, %arg4: memref<10000x128xf32, #tpu.memory_space<hbm>>, %arg5: memref<128x128xf32, #tpu.memory_space<hbm>>, %arg6: memref<2x10240x128xf32, #tpu.memory_space<hbm>>, %arg7: memref<2x10240x128xf32, #tpu.memory_space<hbm>>, %arg8: memref<40x128xi32, #tpu.memory_space<vmem>>, %arg9: memref<40x128xi32, #tpu.memory_space<vmem>>, %arg10: memref<128x128xf32, #tpu.memory_space<vmem>>, %arg11: memref<128x128xf32, #tpu.memory_space<vmem>>, %arg12: memref<10240x128xf32, #tpu.memory_space<vmem_shared>>, %arg13: memref<!tpu.dma_semaphore, #tpu.memory_space<semaphore_mem>>, %arg14: memref<!tpu.dma_semaphore, #tpu.memory_space<semaphore_mem>>) attributes {dimension_semantics = [#tpu.dimension_semantics<core_parallel>, #tpu.dimension_semantics<subcore_parallel>], iteration_bounds = array<i64: 2, 16>, scalar_prefetch = 0 : i64, scratch_operands = 7 : i64, tpu.core_type = #tpu.core_type<sc_vector_subcore>, window_params = [{transform_indices = #map}, {transform_indices = #map}, {transform_indices = #map}, {transform_indices = #map}, {transform_indices = #map1}, {transform_indices = #map1}]} {
    %mul3A = arith.constant 640 : i32
    %mul3A_0 = arith.muli %arg1, %mul3A : i32
    "tpu.trace_start"() <{level = 10 : i32, message = "agg_zero"}> : () -> ()
    "tpu.region"() ({
      %run_scoped3A_44 = tpu.sem_alloc : memref<!tpu.dma_semaphore, #tpu.memory_space<semaphore_mem>>
      tpu.enqueue_dma source(%arg5 : memref<128x128xf32, #tpu.memory_space<hbm>>) target(%arg10 : memref<128x128xf32, #tpu.memory_space<vmem>>) target_semaphore(%run_scoped3A_44 : memref<!tpu.dma_semaphore, #tpu.memory_space<semaphore_mem>>)
      tpu.wait_dma2 semaphore(%run_scoped3A_44 : memref<!tpu.dma_semaphore, #tpu.memory_space<semaphore_mem>>) src(%arg5 : memref<128x128xf32, #tpu.memory_space<hbm>>) dst(%arg10 : memref<128x128xf32, #tpu.memory_space<vmem>>)
      tpu.yield
    }) : () -> ()
    %scan3A = arith.constant 0 : i32
    %scan3A_1 = arith.constant 0 : i32
    %scan3A_2 = arith.constant 5 : i32
    %scan3A_3 = arith.addi %scan3A_1, %scan3A_2 : i32
    %scan3A_4 = arith.constant 1 : i32
    scf.for %scan3A_44 = %scan3A_1 to %scan3A_3 step %scan3A_4  : i32 {
      %mul3A_45 = arith.constant 640 : i32
      %mul3A_46 = arith.muli %arg1, %mul3A_45 : i32
      %mul3A_47 = arith.constant 128 : i32
      %mul3A_48 = arith.muli %scan3A_44, %mul3A_47 : i32
      %add3A_49 = arith.addi %mul3A_46, %mul3A_48 : i32
      "tpu.region"() ({
        %run_scoped3A_50 = tpu.sem_alloc : memref<!tpu.dma_semaphore, #tpu.memory_space<semaphore_mem>>
        %dma_start3A_51 = arith.constant 0 : i32
        %dma_start3A_52 = tpu.memref_slice %arg12[%add3A_49, %dma_start3A_51] : memref<10240x128xf32, #tpu.memory_space<vmem_shared>> -> memref<128x128xf32, #tpu.memory_space<vmem_shared>>
        %dma_start3A_53 = arith.constant 0 : i32
        %dma_start3A_54 = tpu.memref_slice %arg12[%add3A_49, %dma_start3A_53] : memref<10240x128xf32, #tpu.memory_space<vmem_shared>> -> memref<128x128xf32, #tpu.memory_space<vmem_shared>>
        tpu.enqueue_dma source(%arg10 : memref<128x128xf32, #tpu.memory_space<vmem>>) target(%dma_start3A_54 : memref<128x128xf32, #tpu.memory_space<vmem_shared>>) target_semaphore(%run_scoped3A_50 : memref<!tpu.dma_semaphore, #tpu.memory_space<semaphore_mem>>)
        %dma_wait3A_55 = arith.constant 0 : i32
        %dma_wait3A_56 = tpu.memref_slice %arg12[%add3A_49, %dma_wait3A_55] : memref<10240x128xf32, #tpu.memory_space<vmem_shared>> -> memref<128x128xf32, #tpu.memory_space<vmem_shared>>
        %dma_wait3A_57 = arith.constant 0 : i32
        %dma_wait3A_58 = tpu.memref_slice %arg12[%add3A_49, %dma_wait3A_57] : memref<10240x128xf32, #tpu.memory_space<vmem_shared>> -> memref<128x128xf32, #tpu.memory_space<vmem_shared>>
        tpu.wait_dma2 semaphore(%run_scoped3A_50 : memref<!tpu.dma_semaphore, #tpu.memory_space<semaphore_mem>>) src(%arg10 : memref<128x128xf32, #tpu.memory_space<vmem>>) dst(%dma_wait3A_58 : memref<128x128xf32, #tpu.memory_space<vmem_shared>>)
        tpu.yield
      }) : () -> ()
    }
    %scan3A_5 = arith.constant 5 : i32
    "tpu.trace_stop"() : () -> ()
    "tpu.trace_start"() <{level = 10 : i32, message = "agg_stage"}> : () -> ()
    %mul3A_6 = arith.constant 16 : i32
    %mul3A_7 = arith.muli %arg0, %mul3A_6 : i32
    %add3A = arith.addi %mul3A_7, %arg1 : i32
    %mul3A_8 = arith.constant 40 : i32
    %mul3A_9 = arith.muli %add3A, %mul3A_8 : i32
    "tpu.region"() ({
      %run_scoped3A_44 = tpu.sem_alloc : memref<!tpu.dma_semaphore, #tpu.memory_space<semaphore_mem>>
      %dma_start3A_45 = arith.constant 0 : i32
      %dma_start3A_46 = tpu.memref_slice %arg2[%mul3A_9, %dma_start3A_45] : memref<1280x128xi32, #tpu.memory_space<hbm>> -> memref<40x128xi32, #tpu.memory_space<hbm>>
      %dma_start3A_47 = arith.constant 0 : i32
      %dma_start3A_48 = tpu.memref_slice %arg2[%mul3A_9, %dma_start3A_47] : memref<1280x128xi32, #tpu.memory_space<hbm>> -> memref<40x128xi32, #tpu.memory_space<hbm>>
      tpu.enqueue_dma source(%dma_start3A_48 : memref<40x128xi32, #tpu.memory_space<hbm>>) target(%arg8 : memref<40x128xi32, #tpu.memory_space<vmem>>) target_semaphore(%run_scoped3A_44 : memref<!tpu.dma_semaphore, #tpu.memory_space<semaphore_mem>>)
      %dma_wait3A_49 = arith.constant 0 : i32
      %dma_wait3A_50 = tpu.memref_slice %arg2[%mul3A_9, %dma_wait3A_49] : memref<1280x128xi32, #tpu.memory_space<hbm>> -> memref<40x128xi32, #tpu.memory_space<hbm>>
      %dma_wait3A_51 = arith.constant 0 : i32
      %dma_wait3A_52 = tpu.memref_slice %arg2[%mul3A_9, %dma_wait3A_51] : memref<1280x128xi32, #tpu.memory_space<hbm>> -> memref<40x128xi32, #tpu.memory_space<hbm>>
      tpu.wait_dma2 semaphore(%run_scoped3A_44 : memref<!tpu.dma_semaphore, #tpu.memory_space<semaphore_mem>>) src(%dma_wait3A_52 : memref<40x128xi32, #tpu.memory_space<hbm>>) dst(%arg8 : memref<40x128xi32, #tpu.memory_space<vmem>>)
      tpu.yield
    }) : () -> ()
    "tpu.region"() ({
      %run_scoped3A_44 = tpu.sem_alloc : memref<!tpu.dma_semaphore, #tpu.memory_space<semaphore_mem>>
      %dma_start3A_45 = arith.constant 0 : i32
      %dma_start3A_46 = tpu.memref_slice %arg3[%mul3A_9, %dma_start3A_45] : memref<1280x128xi32, #tpu.memory_space<hbm>> -> memref<40x128xi32, #tpu.memory_space<hbm>>
      %dma_start3A_47 = arith.constant 0 : i32
      %dma_start3A_48 = tpu.memref_slice %arg3[%mul3A_9, %dma_start3A_47] : memref<1280x128xi32, #tpu.memory_space<hbm>> -> memref<40x128xi32, #tpu.memory_space<hbm>>
      tpu.enqueue_dma source(%dma_start3A_48 : memref<40x128xi32, #tpu.memory_space<hbm>>) target(%arg9 : memref<40x128xi32, #tpu.memory_space<vmem>>) target_semaphore(%run_scoped3A_44 : memref<!tpu.dma_semaphore, #tpu.memory_space<semaphore_mem>>)
      %dma_wait3A_49 = arith.constant 0 : i32
      %dma_wait3A_50 = tpu.memref_slice %arg3[%mul3A_9, %dma_wait3A_49] : memref<1280x128xi32, #tpu.memory_space<hbm>> -> memref<40x128xi32, #tpu.memory_space<hbm>>
      %dma_wait3A_51 = arith.constant 0 : i32
      %dma_wait3A_52 = tpu.memref_slice %arg3[%mul3A_9, %dma_wait3A_51] : memref<1280x128xi32, #tpu.memory_space<hbm>> -> memref<40x128xi32, #tpu.memory_space<hbm>>
      tpu.wait_dma2 semaphore(%run_scoped3A_44 : memref<!tpu.dma_semaphore, #tpu.memory_space<semaphore_mem>>) src(%dma_wait3A_52 : memref<40x128xi32, #tpu.memory_space<hbm>>) dst(%arg9 : memref<40x128xi32, #tpu.memory_space<vmem>>)
      tpu.yield
    }) : () -> ()
    "tpu.trace_stop"() : () -> ()
    %barrier3A = arith.constant 0 : index
    tpu.barrier barrier_id(%barrier3A)
    %dma_start3A = arith.constant 0 : i32
    "tpu.trace_start"() <{level = 10 : i32, message = "agg_edges"}> : () -> ()
    %dma_start3A_10 = arith.constant 0 : i32
    %dma_start3A_11 = tpu.memref_slice %arg8[%dma_start3A, %dma_start3A_10] : memref<40x128xi32, #tpu.memory_space<vmem>> -> memref<1x128xi32, #tpu.memory_space<vmem>>
    %dma_start3A_12 = tpu.memref_squeeze %dma_start3A_11 : memref<1x128xi32, #tpu.memory_space<vmem>> -> memref<128xi32, #tpu.memory_space<vmem>>
    %dma_start3A_13 = arith.constant 0 : i32
    %dma_start3A_14 = arith.constant 0 : i32
    %dma_start3A_15 = tpu.memref_slice %arg4[%dma_start3A_13, %dma_start3A_14] : memref<10000x128xf32, #tpu.memory_space<hbm>> -> memref<10000x128xf32, #tpu.memory_space<hbm>>
    tpu.enqueue_indirect_dma source(%dma_start3A_15 : memref<10000x128xf32, #tpu.memory_space<hbm>>) target(%arg10 : memref<128x128xf32, #tpu.memory_space<vmem>>) offsets(%dma_start3A_12 : memref<128xi32, #tpu.memory_space<vmem>>) semaphore(%arg13 : memref<!tpu.dma_semaphore, #tpu.memory_space<semaphore_mem>>)
    %dma_start3A_16 = arith.constant 1 : i32
    %dma_start3A_17 = arith.constant 0 : i32
    %dma_start3A_18 = tpu.memref_slice %arg8[%dma_start3A_16, %dma_start3A_17] : memref<40x128xi32, #tpu.memory_space<vmem>> -> memref<1x128xi32, #tpu.memory_space<vmem>>
    %dma_start3A_19 = tpu.memref_squeeze %dma_start3A_18 : memref<1x128xi32, #tpu.memory_space<vmem>> -> memref<128xi32, #tpu.memory_space<vmem>>
    %dma_start3A_20 = arith.constant 0 : i32
    %dma_start3A_21 = arith.constant 0 : i32
    %dma_start3A_22 = tpu.memref_slice %arg4[%dma_start3A_20, %dma_start3A_21] : memref<10000x128xf32, #tpu.memory_space<hbm>> -> memref<10000x128xf32, #tpu.memory_space<hbm>>
    tpu.enqueue_indirect_dma source(%dma_start3A_22 : memref<10000x128xf32, #tpu.memory_space<hbm>>) target(%arg11 : memref<128x128xf32, #tpu.memory_space<vmem>>) offsets(%dma_start3A_19 : memref<128xi32, #tpu.memory_space<vmem>>) semaphore(%arg14 : memref<!tpu.dma_semaphore, #tpu.memory_space<semaphore_mem>>)
    %scan3A_23 = arith.constant 0 : i32
    %scan3A_24 = arith.constant 0 : i32
    %scan3A_25 = arith.constant 19 : i32
    %scan3A_26 = arith.addi %scan3A_24, %scan3A_25 : i32
    %scan3A_27 = arith.constant 1 : i32
    scf.for %scan3A_44 = %scan3A_24 to %scan3A_26 step %scan3A_27  : i32 {
      %mul3A_45 = arith.constant 2 : i32
      %mul3A_46 = arith.muli %mul3A_45, %scan3A_44 : i32
      %dma_wait3A_47 = arith.constant 0 : i32
      %dma_wait3A_48 = arith.constant 0 : i32
      %dma_wait3A_49 = tpu.memref_slice %arg8[%dma_wait3A_47, %dma_wait3A_48] : memref<40x128xi32, #tpu.memory_space<vmem>> -> memref<1x128xi32, #tpu.memory_space<vmem>>
      %dma_wait3A_50 = tpu.memref_squeeze %dma_wait3A_49 : memref<1x128xi32, #tpu.memory_space<vmem>> -> memref<128xi32, #tpu.memory_space<vmem>>
      %dma_wait3A_51 = arith.constant 0 : i32
      %dma_wait3A_52 = arith.constant 0 : i32
      %dma_wait3A_53 = tpu.memref_slice %arg4[%dma_wait3A_51, %dma_wait3A_52] : memref<10000x128xf32, #tpu.memory_space<hbm>> -> memref<10000x128xf32, #tpu.memory_space<hbm>>
      tpu.wait_indirect_dma semaphore(%arg13 : memref<!tpu.dma_semaphore, #tpu.memory_space<semaphore_mem>>) src(%dma_wait3A_53 : memref<10000x128xf32, #tpu.memory_space<hbm>>) dst(%arg10 : memref<128x128xf32, #tpu.memory_space<vmem>>)
      "tpu.region"() ({
        %run_scoped3A_79 = tpu.sem_alloc : memref<!tpu.dma_semaphore, #tpu.memory_space<semaphore_mem>>
        %dma_start3A_80 = arith.constant 0 : i32
        %dma_start3A_81 = tpu.memref_slice %arg9[%mul3A_46, %dma_start3A_80] : memref<40x128xi32, #tpu.memory_space<vmem>> -> memref<1x128xi32, #tpu.memory_space<vmem>>
        %dma_start3A_82 = tpu.memref_squeeze %dma_start3A_81 : memref<1x128xi32, #tpu.memory_space<vmem>> -> memref<128xi32, #tpu.memory_space<vmem>>
        %dma_start3A_83 = arith.constant 0 : i32
        %dma_start3A_84 = arith.constant 0 : i32
        %dma_start3A_85 = tpu.memref_slice %arg12[%dma_start3A_83, %dma_start3A_84] : memref<10240x128xf32, #tpu.memory_space<vmem_shared>> -> memref<10240x128xf32, #tpu.memory_space<vmem_shared>>
        tpu.enqueue_indirect_dma source(%arg10 : memref<128x128xf32, #tpu.memory_space<vmem>>) target(%dma_start3A_85 : memref<10240x128xf32, #tpu.memory_space<vmem_shared>>) offsets(%dma_start3A_82 : memref<128xi32, #tpu.memory_space<vmem>>) semaphore(%run_scoped3A_79 : memref<!tpu.dma_semaphore, #tpu.memory_space<semaphore_mem>>) {add = true}
        %dma_wait3A_86 = arith.constant 0 : i32
        %dma_wait3A_87 = tpu.memref_slice %arg9[%mul3A_46, %dma_wait3A_86] : memref<40x128xi32, #tpu.memory_space<vmem>> -> memref<1x128xi32, #tpu.memory_space<vmem>>
        %dma_wait3A_88 = tpu.memref_squeeze %dma_wait3A_87 : memref<1x128xi32, #tpu.memory_space<vmem>> -> memref<128xi32, #tpu.memory_space<vmem>>
        %dma_wait3A_89 = arith.constant 0 : i32
        %dma_wait3A_90 = arith.constant 0 : i32
        %dma_wait3A_91 = tpu.memref_slice %arg12[%dma_wait3A_89, %dma_wait3A_90] : memref<10240x128xf32, #tpu.memory_space<vmem_shared>> -> memref<10240x128xf32, #tpu.memory_space<vmem_shared>>
        tpu.wait_indirect_dma semaphore(%run_scoped3A_79 : memref<!tpu.dma_semaphore, #tpu.memory_space<semaphore_mem>>) src(%arg10 : memref<128x128xf32, #tpu.memory_space<vmem>>) dst(%dma_wait3A_91 : memref<10240x128xf32, #tpu.memory_space<vmem_shared>>)
        tpu.yield
      }) : () -> ()
      %add3A_54 = arith.constant 2 : i32
      %add3A_55 = arith.addi %mul3A_46, %add3A_54 : i32
      %dma_start3A_56 = arith.constant 0 : i32
      %dma_start3A_57 = tpu.memref_slice %arg8[%add3A_55, %dma_start3A_56] : memref<40x128xi32, #tpu.memory_space<vmem>> -> memref<1x128xi32, #tpu.memory_space<vmem>>
      %dma_start3A_58 = tpu.memref_squeeze %dma_start3A_57 : memref<1x128xi32, #tpu.memory_space<vmem>> -> memref<128xi32, #tpu.memory_space<vmem>>
      %dma_start3A_59 = arith.constant 0 : i32
      %dma_start3A_60 = arith.constant 0 : i32
      %dma_start3A_61 = tpu.memref_slice %arg4[%dma_start3A_59, %dma_start3A_60] : memref<10000x128xf32, #tpu.memory_space<hbm>> -> memref<10000x128xf32, #tpu.memory_space<hbm>>
      tpu.enqueue_indirect_dma source(%dma_start3A_61 : memref<10000x128xf32, #tpu.memory_space<hbm>>) target(%arg10 : memref<128x128xf32, #tpu.memory_space<vmem>>) offsets(%dma_start3A_58 : memref<128xi32, #tpu.memory_space<vmem>>) semaphore(%arg13 : memref<!tpu.dma_semaphore, #tpu.memory_space<semaphore_mem>>)
      %dma_wait3A_62 = arith.constant 0 : i32
      %dma_wait3A_63 = arith.constant 0 : i32
      %dma_wait3A_64 = tpu.memref_slice %arg8[%dma_wait3A_62, %dma_wait3A_63] : memref<40x128xi32, #tpu.memory_space<vmem>> -> memref<1x128xi32, #tpu.memory_space<vmem>>
      %dma_wait3A_65 = tpu.memref_squeeze %dma_wait3A_64 : memref<1x128xi32, #tpu.memory_space<vmem>> -> memref<128xi32, #tpu.memory_space<vmem>>
      %dma_wait3A_66 = arith.constant 0 : i32
      %dma_wait3A_67 = arith.constant 0 : i32
      %dma_wait3A_68 = tpu.memref_slice %arg4[%dma_wait3A_66, %dma_wait3A_67] : memref<10000x128xf32, #tpu.memory_space<hbm>> -> memref<10000x128xf32, #tpu.memory_space<hbm>>
      tpu.wait_indirect_dma semaphore(%arg14 : memref<!tpu.dma_semaphore, #tpu.memory_space<semaphore_mem>>) src(%dma_wait3A_68 : memref<10000x128xf32, #tpu.memory_space<hbm>>) dst(%arg11 : memref<128x128xf32, #tpu.memory_space<vmem>>)
      %add3A_69 = arith.constant 1 : i32
      %add3A_70 = arith.addi %mul3A_46, %add3A_69 : i32
      "tpu.region"() ({
        %run_scoped3A_79 = tpu.sem_alloc : memref<!tpu.dma_semaphore, #tpu.memory_space<semaphore_mem>>
        %dma_start3A_80 = arith.constant 0 : i32
        %dma_start3A_81 = tpu.memref_slice %arg9[%add3A_70, %dma_start3A_80] : memref<40x128xi32, #tpu.memory_space<vmem>> -> memref<1x128xi32, #tpu.memory_space<vmem>>
        %dma_start3A_82 = tpu.memref_squeeze %dma_start3A_81 : memref<1x128xi32, #tpu.memory_space<vmem>> -> memref<128xi32, #tpu.memory_space<vmem>>
        %dma_start3A_83 = arith.constant 0 : i32
        %dma_start3A_84 = arith.constant 0 : i32
        %dma_start3A_85 = tpu.memref_slice %arg12[%dma_start3A_83, %dma_start3A_84] : memref<10240x128xf32, #tpu.memory_space<vmem_shared>> -> memref<10240x128xf32, #tpu.memory_space<vmem_shared>>
        tpu.enqueue_indirect_dma source(%arg11 : memref<128x128xf32, #tpu.memory_space<vmem>>) target(%dma_start3A_85 : memref<10240x128xf32, #tpu.memory_space<vmem_shared>>) offsets(%dma_start3A_82 : memref<128xi32, #tpu.memory_space<vmem>>) semaphore(%run_scoped3A_79 : memref<!tpu.dma_semaphore, #tpu.memory_space<semaphore_mem>>) {add = true}
        %dma_wait3A_86 = arith.constant 0 : i32
        %dma_wait3A_87 = tpu.memref_slice %arg9[%add3A_70, %dma_wait3A_86] : memref<40x128xi32, #tpu.memory_space<vmem>> -> memref<1x128xi32, #tpu.memory_space<vmem>>
        %dma_wait3A_88 = tpu.memref_squeeze %dma_wait3A_87 : memref<1x128xi32, #tpu.memory_space<vmem>> -> memref<128xi32, #tpu.memory_space<vmem>>
        %dma_wait3A_89 = arith.constant 0 : i32
        %dma_wait3A_90 = arith.constant 0 : i32
        %dma_wait3A_91 = tpu.memref_slice %arg12[%dma_wait3A_89, %dma_wait3A_90] : memref<10240x128xf32, #tpu.memory_space<vmem_shared>> -> memref<10240x128xf32, #tpu.memory_space<vmem_shared>>
        tpu.wait_indirect_dma semaphore(%run_scoped3A_79 : memref<!tpu.dma_semaphore, #tpu.memory_space<semaphore_mem>>) src(%arg11 : memref<128x128xf32, #tpu.memory_space<vmem>>) dst(%dma_wait3A_91 : memref<10240x128xf32, #tpu.memory_space<vmem_shared>>)
        tpu.yield
      }) : () -> ()
      %add3A_71 = arith.constant 3 : i32
      %add3A_72 = arith.addi %mul3A_46, %add3A_71 : i32
      %dma_start3A_73 = arith.constant 0 : i32
      %dma_start3A_74 = tpu.memref_slice %arg8[%add3A_72, %dma_start3A_73] : memref<40x128xi32, #tpu.memory_space<vmem>> -> memref<1x128xi32, #tpu.memory_space<vmem>>
      %dma_start3A_75 = tpu.memref_squeeze %dma_start3A_74 : memref<1x128xi32, #tpu.memory_space<vmem>> -> memref<128xi32, #tpu.memory_space<vmem>>
      %dma_start3A_76 = arith.constant 0 : i32
      %dma_start3A_77 = arith.constant 0 : i32
      %dma_start3A_78 = tpu.memref_slice %arg4[%dma_start3A_76, %dma_start3A_77] : memref<10000x128xf32, #tpu.memory_space<hbm>> -> memref<10000x128xf32, #tpu.memory_space<hbm>>
      tpu.enqueue_indirect_dma source(%dma_start3A_78 : memref<10000x128xf32, #tpu.memory_space<hbm>>) target(%arg11 : memref<128x128xf32, #tpu.memory_space<vmem>>) offsets(%dma_start3A_75 : memref<128xi32, #tpu.memory_space<vmem>>) semaphore(%arg14 : memref<!tpu.dma_semaphore, #tpu.memory_space<semaphore_mem>>)
    }
    %scan3A_28 = arith.constant 19 : i32
    %dma_wait3A = arith.constant 0 : i32
    %dma_wait3A_29 = arith.constant 0 : i32
    %dma_wait3A_30 = tpu.memref_slice %arg8[%dma_wait3A, %dma_wait3A_29] : memref<40x128xi32, #tpu.memory_space<vmem>> -> memref<1x128xi32, #tpu.memory_space<vmem>>
    %dma_wait3A_31 = tpu.memref_squeeze %dma_wait3A_30 : memref<1x128xi32, #tpu.memory_space<vmem>> -> memref<128xi32, #tpu.memory_space<vmem>>
    %dma_wait3A_32 = arith.constant 0 : i32
    %dma_wait3A_33 = arith.constant 0 : i32
    %dma_wait3A_34 = tpu.memref_slice %arg4[%dma_wait3A_32, %dma_wait3A_33] : memref<10000x128xf32, #tpu.memory_space<hbm>> -> memref<10000x128xf32, #tpu.memory_space<hbm>>
    tpu.wait_indirect_dma semaphore(%arg13 : memref<!tpu.dma_semaphore, #tpu.memory_space<semaphore_mem>>) src(%dma_wait3A_34 : memref<10000x128xf32, #tpu.memory_space<hbm>>) dst(%arg10 : memref<128x128xf32, #tpu.memory_space<vmem>>)
    %run_scoped3A = arith.constant 38 : i32
    "tpu.region"() ({
      %run_scoped3A_44 = tpu.sem_alloc : memref<!tpu.dma_semaphore, #tpu.memory_space<semaphore_mem>>
      %dma_start3A_45 = arith.constant 0 : i32
      %dma_start3A_46 = tpu.memref_slice %arg9[%run_scoped3A, %dma_start3A_45] : memref<40x128xi32, #tpu.memory_space<vmem>> -> memref<1x128xi32, #tpu.memory_space<vmem>>
      %dma_start3A_47 = tpu.memref_squeeze %dma_start3A_46 : memref<1x128xi32, #tpu.memory_space<vmem>> -> memref<128xi32, #tpu.memory_space<vmem>>
      %dma_start3A_48 = arith.constant 0 : i32
      %dma_start3A_49 = arith.constant 0 : i32
      %dma_start3A_50 = tpu.memref_slice %arg12[%dma_start3A_48, %dma_start3A_49] : memref<10240x128xf32, #tpu.memory_space<vmem_shared>> -> memref<10240x128xf32, #tpu.memory_space<vmem_shared>>
      tpu.enqueue_indirect_dma source(%arg10 : memref<128x128xf32, #tpu.memory_space<vmem>>) target(%dma_start3A_50 : memref<10240x128xf32, #tpu.memory_space<vmem_shared>>) offsets(%dma_start3A_47 : memref<128xi32, #tpu.memory_space<vmem>>) semaphore(%run_scoped3A_44 : memref<!tpu.dma_semaphore, #tpu.memory_space<semaphore_mem>>) {add = true}
      %dma_wait3A_51 = arith.constant 0 : i32
      %dma_wait3A_52 = tpu.memref_slice %arg9[%run_scoped3A, %dma_wait3A_51] : memref<40x128xi32, #tpu.memory_space<vmem>> -> memref<1x128xi32, #tpu.memory_space<vmem>>
      %dma_wait3A_53 = tpu.memref_squeeze %dma_wait3A_52 : memref<1x128xi32, #tpu.memory_space<vmem>> -> memref<128xi32, #tpu.memory_space<vmem>>
      %dma_wait3A_54 = arith.constant 0 : i32
      %dma_wait3A_55 = arith.constant 0 : i32
      %dma_wait3A_56 = tpu.memref_slice %arg12[%dma_wait3A_54, %dma_wait3A_55] : memref<10240x128xf32, #tpu.memory_space<vmem_shared>> -> memref<10240x128xf32, #tpu.memory_space<vmem_shared>>
      tpu.wait_indirect_dma semaphore(%run_scoped3A_44 : memref<!tpu.dma_semaphore, #tpu.memory_space<semaphore_mem>>) src(%arg10 : memref<128x128xf32, #tpu.memory_space<vmem>>) dst(%dma_wait3A_56 : memref<10240x128xf32, #tpu.memory_space<vmem_shared>>)
      tpu.yield
    }) : () -> ()
    %dma_wait3A_35 = arith.constant 0 : i32
    %dma_wait3A_36 = arith.constant 0 : i32
    %dma_wait3A_37 = tpu.memref_slice %arg8[%dma_wait3A_35, %dma_wait3A_36] : memref<40x128xi32, #tpu.memory_space<vmem>> -> memref<1x128xi32, #tpu.memory_space<vmem>>
    %dma_wait3A_38 = tpu.memref_squeeze %dma_wait3A_37 : memref<1x128xi32, #tpu.memory_space<vmem>> -> memref<128xi32, #tpu.memory_space<vmem>>
    %dma_wait3A_39 = arith.constant 0 : i32
    %dma_wait3A_40 = arith.constant 0 : i32
    %dma_wait3A_41 = tpu.memref_slice %arg4[%dma_wait3A_39, %dma_wait3A_40] : memref<10000x128xf32, #tpu.memory_space<hbm>> -> memref<10000x128xf32, #tpu.memory_space<hbm>>
    tpu.wait_indirect_dma semaphore(%arg14 : memref<!tpu.dma_semaphore, #tpu.memory_space<semaphore_mem>>) src(%dma_wait3A_41 : memref<10000x128xf32, #tpu.memory_space<hbm>>) dst(%arg11 : memref<128x128xf32, #tpu.memory_space<vmem>>)
    %run_scoped3A_42 = arith.constant 39 : i32
    "tpu.region"() ({
      %run_scoped3A_44 = tpu.sem_alloc : memref<!tpu.dma_semaphore, #tpu.memory_space<semaphore_mem>>
      %dma_start3A_45 = arith.constant 0 : i32
      %dma_start3A_46 = tpu.memref_slice %arg9[%run_scoped3A_42, %dma_start3A_45] : memref<40x128xi32, #tpu.memory_space<vmem>> -> memref<1x128xi32, #tpu.memory_space<vmem>>
      %dma_start3A_47 = tpu.memref_squeeze %dma_start3A_46 : memref<1x128xi32, #tpu.memory_space<vmem>> -> memref<128xi32, #tpu.memory_space<vmem>>
      %dma_start3A_48 = arith.constant 0 : i32
      %dma_start3A_49 = arith.constant 0 : i32
      %dma_start3A_50 = tpu.memref_slice %arg12[%dma_start3A_48, %dma_start3A_49] : memref<10240x128xf32, #tpu.memory_space<vmem_shared>> -> memref<10240x128xf32, #tpu.memory_space<vmem_shared>>
      tpu.enqueue_indirect_dma source(%arg11 : memref<128x128xf32, #tpu.memory_space<vmem>>) target(%dma_start3A_50 : memref<10240x128xf32, #tpu.memory_space<vmem_shared>>) offsets(%dma_start3A_47 : memref<128xi32, #tpu.memory_space<vmem>>) semaphore(%run_scoped3A_44 : memref<!tpu.dma_semaphore, #tpu.memory_space<semaphore_mem>>) {add = true}
      %dma_wait3A_51 = arith.constant 0 : i32
      %dma_wait3A_52 = tpu.memref_slice %arg9[%run_scoped3A_42, %dma_wait3A_51] : memref<40x128xi32, #tpu.memory_space<vmem>> -> memref<1x128xi32, #tpu.memory_space<vmem>>
      %dma_wait3A_53 = tpu.memref_squeeze %dma_wait3A_52 : memref<1x128xi32, #tpu.memory_space<vmem>> -> memref<128xi32, #tpu.memory_space<vmem>>
      %dma_wait3A_54 = arith.constant 0 : i32
      %dma_wait3A_55 = arith.constant 0 : i32
      %dma_wait3A_56 = tpu.memref_slice %arg12[%dma_wait3A_54, %dma_wait3A_55] : memref<10240x128xf32, #tpu.memory_space<vmem_shared>> -> memref<10240x128xf32, #tpu.memory_space<vmem_shared>>
      tpu.wait_indirect_dma semaphore(%run_scoped3A_44 : memref<!tpu.dma_semaphore, #tpu.memory_space<semaphore_mem>>) src(%arg11 : memref<128x128xf32, #tpu.memory_space<vmem>>) dst(%dma_wait3A_56 : memref<10240x128xf32, #tpu.memory_space<vmem_shared>>)
      tpu.yield
    }) : () -> ()
    "tpu.trace_stop"() : () -> ()
    %barrier3A_43 = arith.constant 0 : index
    tpu.barrier barrier_id(%barrier3A_43)
    "tpu.trace_start"() <{level = 10 : i32, message = "agg_wb"}> : () -> ()
    "tpu.region"() ({
      %run_scoped3A_44 = tpu.sem_alloc : memref<!tpu.dma_semaphore, #tpu.memory_space<semaphore_mem>>
      %dma_start3A_45 = arith.constant 0 : i32
      %dma_start3A_46 = tpu.memref_slice %arg7[%arg0, %mul3A_0, %dma_start3A_45] : memref<2x10240x128xf32, #tpu.memory_space<hbm>> -> memref<1x640x128xf32, #tpu.memory_space<hbm>>
      %dma_start3A_47 = tpu.memref_squeeze %dma_start3A_46 : memref<1x640x128xf32, #tpu.memory_space<hbm>> -> memref<640x128xf32, #tpu.memory_space<hbm>>
      %dma_start3A_48 = arith.constant 0 : i32
      %dma_start3A_49 = tpu.memref_slice %arg12[%mul3A_0, %dma_start3A_48] : memref<10240x128xf32, #tpu.memory_space<vmem_shared>> -> memref<640x128xf32, #tpu.memory_space<vmem_shared>>
      tpu.enqueue_dma source(%dma_start3A_49 : memref<640x128xf32, #tpu.memory_space<vmem_shared>>) target(%dma_start3A_47 : memref<640x128xf32, #tpu.memory_space<hbm>>) target_semaphore(%run_scoped3A_44 : memref<!tpu.dma_semaphore, #tpu.memory_space<semaphore_mem>>)
      %dma_wait3A_50 = arith.constant 0 : i32
      %dma_wait3A_51 = tpu.memref_slice %arg7[%arg0, %mul3A_0, %dma_wait3A_50] : memref<2x10240x128xf32, #tpu.memory_space<hbm>> -> memref<1x640x128xf32, #tpu.memory_space<hbm>>
      %dma_wait3A_52 = tpu.memref_squeeze %dma_wait3A_51 : memref<1x640x128xf32, #tpu.memory_space<hbm>> -> memref<640x128xf32, #tpu.memory_space<hbm>>
      %dma_wait3A_53 = arith.constant 0 : i32
      %dma_wait3A_54 = tpu.memref_slice %arg12[%mul3A_0, %dma_wait3A_53] : memref<10240x128xf32, #tpu.memory_space<vmem_shared>> -> memref<640x128xf32, #tpu.memory_space<vmem_shared>>
      tpu.wait_dma2 semaphore(%run_scoped3A_44 : memref<!tpu.dma_semaphore, #tpu.memory_space<semaphore_mem>>) src(%dma_wait3A_54 : memref<640x128xf32, #tpu.memory_space<vmem_shared>>) dst(%dma_wait3A_52 : memref<640x128xf32, #tpu.memory_space<hbm>>)
      tpu.yield
    }) : () -> ()
    "tpu.trace_stop"() : () -> ()
    return
  }
}

#map = affine_map<(d0, d1) -> (0, 0)>
#map1 = affine_map<(d0, d1) -> (0, 0, 0)>
module attributes {stable_mosaic.version = 14 : i64} {
  func.func @_sc_agg_body(%arg0: i32, %arg1: i32, %arg2: memref<1280x128xi32, #tpu.memory_space<hbm>>, %arg3: memref<1280x128xi32, #tpu.memory_space<hbm>>, %arg4: memref<10000x128xf32, #tpu.memory_space<hbm>>, %arg5: memref<128x128xf32, #tpu.memory_space<hbm>>, %arg6: memref<2x10240x128xf32, #tpu.memory_space<hbm>>, %arg7: memref<2x10240x128xf32, #tpu.memory_space<hbm>>, %arg8: memref<40x128xi32, #tpu.memory_space<vmem>>, %arg9: memref<40x128xi32, #tpu.memory_space<vmem>>, %arg10: memref<128x128xf32, #tpu.memory_space<vmem>>, %arg11: memref<128x128xf32, #tpu.memory_space<vmem>>, %arg12: memref<10240x128xf32, #tpu.memory_space<vmem_shared>>, %arg13: memref<!tpu.dma_semaphore, #tpu.memory_space<semaphore_mem>>, %arg14: memref<!tpu.dma_semaphore, #tpu.memory_space<semaphore_mem>>) attributes {dimension_semantics = [#tpu.dimension_semantics<core_parallel>, #tpu.dimension_semantics<subcore_parallel>], iteration_bounds = array<i64: 2, 16>, scalar_prefetch = 0 : i64, scratch_operands = 7 : i64, tpu.core_type = #tpu.core_type<sc_vector_subcore>, window_params = [{transform_indices = #map}, {transform_indices = #map}, {transform_indices = #map}, {transform_indices = #map}, {transform_indices = #map1}, {transform_indices = #map1}]} {
    %mul3A = arith.constant 640 : i32
    %mul3A_0 = arith.muli %arg1, %mul3A : i32
    "tpu.trace_start"() <{level = 10 : i32, message = "agg_zero"}> : () -> ()
    "tpu.region"() ({
      %run_scoped3A_44 = tpu.sem_alloc : memref<!tpu.dma_semaphore, #tpu.memory_space<semaphore_mem>>
      tpu.enqueue_dma source(%arg5 : memref<128x128xf32, #tpu.memory_space<hbm>>) target(%arg10 : memref<128x128xf32, #tpu.memory_space<vmem>>) target_semaphore(%run_scoped3A_44 : memref<!tpu.dma_semaphore, #tpu.memory_space<semaphore_mem>>)
      tpu.wait_dma2 semaphore(%run_scoped3A_44 : memref<!tpu.dma_semaphore, #tpu.memory_space<semaphore_mem>>) src(%arg5 : memref<128x128xf32, #tpu.memory_space<hbm>>) dst(%arg10 : memref<128x128xf32, #tpu.memory_space<vmem>>)
      tpu.yield
    }) : () -> ()
    %scan3A = arith.constant 0 : i32
    %scan3A_1 = arith.constant 0 : i32
    %scan3A_2 = arith.constant 5 : i32
    %scan3A_3 = arith.addi %scan3A_1, %scan3A_2 : i32
    %scan3A_4 = arith.constant 1 : i32
    scf.for %scan3A_44 = %scan3A_1 to %scan3A_3 step %scan3A_4  : i32 {
      %mul3A_45 = arith.constant 640 : i32
      %mul3A_46 = arith.muli %arg1, %mul3A_45 : i32
      %mul3A_47 = arith.constant 128 : i32
      %mul3A_48 = arith.muli %scan3A_44, %mul3A_47 : i32
      %add3A_49 = arith.addi %mul3A_46, %mul3A_48 : i32
      "tpu.region"() ({
        %run_scoped3A_50 = tpu.sem_alloc : memref<!tpu.dma_semaphore, #tpu.memory_space<semaphore_mem>>
        %dma_start3A_51 = arith.constant 0 : i32
        %dma_start3A_52 = tpu.memref_slice %arg12[%add3A_49, %dma_start3A_51] : memref<10240x128xf32, #tpu.memory_space<vmem_shared>> -> memref<128x128xf32, #tpu.memory_space<vmem_shared>>
        %dma_start3A_53 = arith.constant 0 : i32
        %dma_start3A_54 = tpu.memref_slice %arg12[%add3A_49, %dma_start3A_53] : memref<10240x128xf32, #tpu.memory_space<vmem_shared>> -> memref<128x128xf32, #tpu.memory_space<vmem_shared>>
        tpu.enqueue_dma source(%arg10 : memref<128x128xf32, #tpu.memory_space<vmem>>) target(%dma_start3A_54 : memref<128x128xf32, #tpu.memory_space<vmem_shared>>) target_semaphore(%run_scoped3A_50 : memref<!tpu.dma_semaphore, #tpu.memory_space<semaphore_mem>>)
        %dma_wait3A_55 = arith.constant 0 : i32
        %dma_wait3A_56 = tpu.memref_slice %arg12[%add3A_49, %dma_wait3A_55] : memref<10240x128xf32, #tpu.memory_space<vmem_shared>> -> memref<128x128xf32, #tpu.memory_space<vmem_shared>>
        %dma_wait3A_57 = arith.constant 0 : i32
        %dma_wait3A_58 = tpu.memref_slice %arg12[%add3A_49, %dma_wait3A_57] : memref<10240x128xf32, #tpu.memory_space<vmem_shared>> -> memref<128x128xf32, #tpu.memory_space<vmem_shared>>
        tpu.wait_dma2 semaphore(%run_scoped3A_50 : memref<!tpu.dma_semaphore, #tpu.memory_space<semaphore_mem>>) src(%arg10 : memref<128x128xf32, #tpu.memory_space<vmem>>) dst(%dma_wait3A_58 : memref<128x128xf32, #tpu.memory_space<vmem_shared>>)
        tpu.yield
      }) : () -> ()
    }
    %scan3A_5 = arith.constant 5 : i32
    "tpu.trace_stop"() : () -> ()
    "tpu.trace_start"() <{level = 10 : i32, message = "agg_stage"}> : () -> ()
    %mul3A_6 = arith.constant 16 : i32
    %mul3A_7 = arith.muli %arg0, %mul3A_6 : i32
    %add3A = arith.addi %mul3A_7, %arg1 : i32
    %mul3A_8 = arith.constant 40 : i32
    %mul3A_9 = arith.muli %add3A, %mul3A_8 : i32
    "tpu.region"() ({
      %run_scoped3A_44 = tpu.sem_alloc : memref<!tpu.dma_semaphore, #tpu.memory_space<semaphore_mem>>
      %dma_start3A_45 = arith.constant 0 : i32
      %dma_start3A_46 = tpu.memref_slice %arg2[%mul3A_9, %dma_start3A_45] : memref<1280x128xi32, #tpu.memory_space<hbm>> -> memref<40x128xi32, #tpu.memory_space<hbm>>
      %dma_start3A_47 = arith.constant 0 : i32
      %dma_start3A_48 = tpu.memref_slice %arg2[%mul3A_9, %dma_start3A_47] : memref<1280x128xi32, #tpu.memory_space<hbm>> -> memref<40x128xi32, #tpu.memory_space<hbm>>
      tpu.enqueue_dma source(%dma_start3A_48 : memref<40x128xi32, #tpu.memory_space<hbm>>) target(%arg8 : memref<40x128xi32, #tpu.memory_space<vmem>>) target_semaphore(%run_scoped3A_44 : memref<!tpu.dma_semaphore, #tpu.memory_space<semaphore_mem>>)
      %dma_wait3A_49 = arith.constant 0 : i32
      %dma_wait3A_50 = tpu.memref_slice %arg2[%mul3A_9, %dma_wait3A_49] : memref<1280x128xi32, #tpu.memory_space<hbm>> -> memref<40x128xi32, #tpu.memory_space<hbm>>
      %dma_wait3A_51 = arith.constant 0 : i32
      %dma_wait3A_52 = tpu.memref_slice %arg2[%mul3A_9, %dma_wait3A_51] : memref<1280x128xi32, #tpu.memory_space<hbm>> -> memref<40x128xi32, #tpu.memory_space<hbm>>
      tpu.wait_dma2 semaphore(%run_scoped3A_44 : memref<!tpu.dma_semaphore, #tpu.memory_space<semaphore_mem>>) src(%dma_wait3A_52 : memref<40x128xi32, #tpu.memory_space<hbm>>) dst(%arg8 : memref<40x128xi32, #tpu.memory_space<vmem>>)
      tpu.yield
    }) : () -> ()
    "tpu.region"() ({
      %run_scoped3A_44 = tpu.sem_alloc : memref<!tpu.dma_semaphore, #tpu.memory_space<semaphore_mem>>
      %dma_start3A_45 = arith.constant 0 : i32
      %dma_start3A_46 = tpu.memref_slice %arg3[%mul3A_9, %dma_start3A_45] : memref<1280x128xi32, #tpu.memory_space<hbm>> -> memref<40x128xi32, #tpu.memory_space<hbm>>
      %dma_start3A_47 = arith.constant 0 : i32
      %dma_start3A_48 = tpu.memref_slice %arg3[%mul3A_9, %dma_start3A_47] : memref<1280x128xi32, #tpu.memory_space<hbm>> -> memref<40x128xi32, #tpu.memory_space<hbm>>
      tpu.enqueue_dma source(%dma_start3A_48 : memref<40x128xi32, #tpu.memory_space<hbm>>) target(%arg9 : memref<40x128xi32, #tpu.memory_space<vmem>>) target_semaphore(%run_scoped3A_44 : memref<!tpu.dma_semaphore, #tpu.memory_space<semaphore_mem>>)
      %dma_wait3A_49 = arith.constant 0 : i32
      %dma_wait3A_50 = tpu.memref_slice %arg3[%mul3A_9, %dma_wait3A_49] : memref<1280x128xi32, #tpu.memory_space<hbm>> -> memref<40x128xi32, #tpu.memory_space<hbm>>
      %dma_wait3A_51 = arith.constant 0 : i32
      %dma_wait3A_52 = tpu.memref_slice %arg3[%mul3A_9, %dma_wait3A_51] : memref<1280x128xi32, #tpu.memory_space<hbm>> -> memref<40x128xi32, #tpu.memory_space<hbm>>
      tpu.wait_dma2 semaphore(%run_scoped3A_44 : memref<!tpu.dma_semaphore, #tpu.memory_space<semaphore_mem>>) src(%dma_wait3A_52 : memref<40x128xi32, #tpu.memory_space<hbm>>) dst(%arg9 : memref<40x128xi32, #tpu.memory_space<vmem>>)
      tpu.yield
    }) : () -> ()
    "tpu.trace_stop"() : () -> ()
    %barrier3A = arith.constant 0 : index
    tpu.barrier barrier_id(%barrier3A)
    %dma_start3A = arith.constant 0 : i32
    "tpu.trace_start"() <{level = 10 : i32, message = "agg_edges"}> : () -> ()
    %dma_start3A_10 = arith.constant 0 : i32
    %dma_start3A_11 = tpu.memref_slice %arg8[%dma_start3A, %dma_start3A_10] : memref<40x128xi32, #tpu.memory_space<vmem>> -> memref<1x128xi32, #tpu.memory_space<vmem>>
    %dma_start3A_12 = tpu.memref_squeeze %dma_start3A_11 : memref<1x128xi32, #tpu.memory_space<vmem>> -> memref<128xi32, #tpu.memory_space<vmem>>
    %dma_start3A_13 = arith.constant 0 : i32
    %dma_start3A_14 = arith.constant 0 : i32
    %dma_start3A_15 = tpu.memref_slice %arg4[%dma_start3A_13, %dma_start3A_14] : memref<10000x128xf32, #tpu.memory_space<hbm>> -> memref<10000x128xf32, #tpu.memory_space<hbm>>
    tpu.enqueue_indirect_dma source(%dma_start3A_15 : memref<10000x128xf32, #tpu.memory_space<hbm>>) target(%arg10 : memref<128x128xf32, #tpu.memory_space<vmem>>) offsets(%dma_start3A_12 : memref<128xi32, #tpu.memory_space<vmem>>) semaphore(%arg13 : memref<!tpu.dma_semaphore, #tpu.memory_space<semaphore_mem>>)
    %dma_start3A_16 = arith.constant 1 : i32
    %dma_start3A_17 = arith.constant 0 : i32
    %dma_start3A_18 = tpu.memref_slice %arg8[%dma_start3A_16, %dma_start3A_17] : memref<40x128xi32, #tpu.memory_space<vmem>> -> memref<1x128xi32, #tpu.memory_space<vmem>>
    %dma_start3A_19 = tpu.memref_squeeze %dma_start3A_18 : memref<1x128xi32, #tpu.memory_space<vmem>> -> memref<128xi32, #tpu.memory_space<vmem>>
    %dma_start3A_20 = arith.constant 0 : i32
    %dma_start3A_21 = arith.constant 0 : i32
    %dma_start3A_22 = tpu.memref_slice %arg4[%dma_start3A_20, %dma_start3A_21] : memref<10000x128xf32, #tpu.memory_space<hbm>> -> memref<10000x128xf32, #tpu.memory_space<hbm>>
    tpu.enqueue_indirect_dma source(%dma_start3A_22 : memref<10000x128xf32, #tpu.memory_space<hbm>>) target(%arg11 : memref<128x128xf32, #tpu.memory_space<vmem>>) offsets(%dma_start3A_19 : memref<128xi32, #tpu.memory_space<vmem>>) semaphore(%arg14 : memref<!tpu.dma_semaphore, #tpu.memory_space<semaphore_mem>>)
    %scan3A_23 = arith.constant 0 : i32
    %scan3A_24 = arith.constant 0 : i32
    %scan3A_25 = arith.constant 19 : i32
    %scan3A_26 = arith.addi %scan3A_24, %scan3A_25 : i32
    %scan3A_27 = arith.constant 1 : i32
    scf.for %scan3A_44 = %scan3A_24 to %scan3A_26 step %scan3A_27  : i32 {
      %mul3A_45 = arith.constant 2 : i32
      %mul3A_46 = arith.muli %mul3A_45, %scan3A_44 : i32
      %dma_wait3A_47 = arith.constant 0 : i32
      %dma_wait3A_48 = arith.constant 0 : i32
      %dma_wait3A_49 = tpu.memref_slice %arg8[%dma_wait3A_47, %dma_wait3A_48] : memref<40x128xi32, #tpu.memory_space<vmem>> -> memref<1x128xi32, #tpu.memory_space<vmem>>
      %dma_wait3A_50 = tpu.memref_squeeze %dma_wait3A_49 : memref<1x128xi32, #tpu.memory_space<vmem>> -> memref<128xi32, #tpu.memory_space<vmem>>
      %dma_wait3A_51 = arith.constant 0 : i32
      %dma_wait3A_52 = arith.constant 0 : i32
      %dma_wait3A_53 = tpu.memref_slice %arg4[%dma_wait3A_51, %dma_wait3A_52] : memref<10000x128xf32, #tpu.memory_space<hbm>> -> memref<10000x128xf32, #tpu.memory_space<hbm>>
      tpu.wait_indirect_dma semaphore(%arg13 : memref<!tpu.dma_semaphore, #tpu.memory_space<semaphore_mem>>) src(%dma_wait3A_53 : memref<10000x128xf32, #tpu.memory_space<hbm>>) dst(%arg10 : memref<128x128xf32, #tpu.memory_space<vmem>>)
      "tpu.region"() ({
        %run_scoped3A_79 = tpu.sem_alloc : memref<!tpu.dma_semaphore, #tpu.memory_space<semaphore_mem>>
        %dma_start3A_80 = arith.constant 0 : i32
        %dma_start3A_81 = tpu.memref_slice %arg9[%mul3A_46, %dma_start3A_80] : memref<40x128xi32, #tpu.memory_space<vmem>> -> memref<1x128xi32, #tpu.memory_space<vmem>>
        %dma_start3A_82 = tpu.memref_squeeze %dma_start3A_81 : memref<1x128xi32, #tpu.memory_space<vmem>> -> memref<128xi32, #tpu.memory_space<vmem>>
        %dma_start3A_83 = arith.constant 0 : i32
        %dma_start3A_84 = arith.constant 0 : i32
        %dma_start3A_85 = tpu.memref_slice %arg12[%dma_start3A_83, %dma_start3A_84] : memref<10240x128xf32, #tpu.memory_space<vmem_shared>> -> memref<10240x128xf32, #tpu.memory_space<vmem_shared>>
        tpu.enqueue_indirect_dma source(%arg10 : memref<128x128xf32, #tpu.memory_space<vmem>>) target(%dma_start3A_85 : memref<10240x128xf32, #tpu.memory_space<vmem_shared>>) offsets(%dma_start3A_82 : memref<128xi32, #tpu.memory_space<vmem>>) semaphore(%run_scoped3A_79 : memref<!tpu.dma_semaphore, #tpu.memory_space<semaphore_mem>>) {add = true}
        %dma_wait3A_86 = arith.constant 0 : i32
        %dma_wait3A_87 = tpu.memref_slice %arg9[%mul3A_46, %dma_wait3A_86] : memref<40x128xi32, #tpu.memory_space<vmem>> -> memref<1x128xi32, #tpu.memory_space<vmem>>
        %dma_wait3A_88 = tpu.memref_squeeze %dma_wait3A_87 : memref<1x128xi32, #tpu.memory_space<vmem>> -> memref<128xi32, #tpu.memory_space<vmem>>
        %dma_wait3A_89 = arith.constant 0 : i32
        %dma_wait3A_90 = arith.constant 0 : i32
        %dma_wait3A_91 = tpu.memref_slice %arg12[%dma_wait3A_89, %dma_wait3A_90] : memref<10240x128xf32, #tpu.memory_space<vmem_shared>> -> memref<10240x128xf32, #tpu.memory_space<vmem_shared>>
        tpu.wait_indirect_dma semaphore(%run_scoped3A_79 : memref<!tpu.dma_semaphore, #tpu.memory_space<semaphore_mem>>) src(%arg10 : memref<128x128xf32, #tpu.memory_space<vmem>>) dst(%dma_wait3A_91 : memref<10240x128xf32, #tpu.memory_space<vmem_shared>>)
        tpu.yield
      }) : () -> ()
      %add3A_54 = arith.constant 2 : i32
      %add3A_55 = arith.addi %mul3A_46, %add3A_54 : i32
      %dma_start3A_56 = arith.constant 0 : i32
      %dma_start3A_57 = tpu.memref_slice %arg8[%add3A_55, %dma_start3A_56] : memref<40x128xi32, #tpu.memory_space<vmem>> -> memref<1x128xi32, #tpu.memory_space<vmem>>
      %dma_start3A_58 = tpu.memref_squeeze %dma_start3A_57 : memref<1x128xi32, #tpu.memory_space<vmem>> -> memref<128xi32, #tpu.memory_space<vmem>>
      %dma_start3A_59 = arith.constant 0 : i32
      %dma_start3A_60 = arith.constant 0 : i32
      %dma_start3A_61 = tpu.memref_slice %arg4[%dma_start3A_59, %dma_start3A_60] : memref<10000x128xf32, #tpu.memory_space<hbm>> -> memref<10000x128xf32, #tpu.memory_space<hbm>>
      tpu.enqueue_indirect_dma source(%dma_start3A_61 : memref<10000x128xf32, #tpu.memory_space<hbm>>) target(%arg10 : memref<128x128xf32, #tpu.memory_space<vmem>>) offsets(%dma_start3A_58 : memref<128xi32, #tpu.memory_space<vmem>>) semaphore(%arg13 : memref<!tpu.dma_semaphore, #tpu.memory_space<semaphore_mem>>)
      %dma_wait3A_62 = arith.constant 0 : i32
      %dma_wait3A_63 = arith.constant 0 : i32
      %dma_wait3A_64 = tpu.memref_slice %arg8[%dma_wait3A_62, %dma_wait3A_63] : memref<40x128xi32, #tpu.memory_space<vmem>> -> memref<1x128xi32, #tpu.memory_space<vmem>>
      %dma_wait3A_65 = tpu.memref_squeeze %dma_wait3A_64 : memref<1x128xi32, #tpu.memory_space<vmem>> -> memref<128xi32, #tpu.memory_space<vmem>>
      %dma_wait3A_66 = arith.constant 0 : i32
      %dma_wait3A_67 = arith.constant 0 : i32
      %dma_wait3A_68 = tpu.memref_slice %arg4[%dma_wait3A_66, %dma_wait3A_67] : memref<10000x128xf32, #tpu.memory_space<hbm>> -> memref<10000x128xf32, #tpu.memory_space<hbm>>
      tpu.wait_indirect_dma semaphore(%arg14 : memref<!tpu.dma_semaphore, #tpu.memory_space<semaphore_mem>>) src(%dma_wait3A_68 : memref<10000x128xf32, #tpu.memory_space<hbm>>) dst(%arg11 : memref<128x128xf32, #tpu.memory_space<vmem>>)
      %add3A_69 = arith.constant 1 : i32
      %add3A_70 = arith.addi %mul3A_46, %add3A_69 : i32
      "tpu.region"() ({
        %run_scoped3A_79 = tpu.sem_alloc : memref<!tpu.dma_semaphore, #tpu.memory_space<semaphore_mem>>
        %dma_start3A_80 = arith.constant 0 : i32
        %dma_start3A_81 = tpu.memref_slice %arg9[%add3A_70, %dma_start3A_80] : memref<40x128xi32, #tpu.memory_space<vmem>> -> memref<1x128xi32, #tpu.memory_space<vmem>>
        %dma_start3A_82 = tpu.memref_squeeze %dma_start3A_81 : memref<1x128xi32, #tpu.memory_space<vmem>> -> memref<128xi32, #tpu.memory_space<vmem>>
        %dma_start3A_83 = arith.constant 0 : i32
        %dma_start3A_84 = arith.constant 0 : i32
        %dma_start3A_85 = tpu.memref_slice %arg12[%dma_start3A_83, %dma_start3A_84] : memref<10240x128xf32, #tpu.memory_space<vmem_shared>> -> memref<10240x128xf32, #tpu.memory_space<vmem_shared>>
        tpu.enqueue_indirect_dma source(%arg11 : memref<128x128xf32, #tpu.memory_space<vmem>>) target(%dma_start3A_85 : memref<10240x128xf32, #tpu.memory_space<vmem_shared>>) offsets(%dma_start3A_82 : memref<128xi32, #tpu.memory_space<vmem>>) semaphore(%run_scoped3A_79 : memref<!tpu.dma_semaphore, #tpu.memory_space<semaphore_mem>>) {add = true}
        %dma_wait3A_86 = arith.constant 0 : i32
        %dma_wait3A_87 = tpu.memref_slice %arg9[%add3A_70, %dma_wait3A_86] : memref<40x128xi32, #tpu.memory_space<vmem>> -> memref<1x128xi32, #tpu.memory_space<vmem>>
        %dma_wait3A_88 = tpu.memref_squeeze %dma_wait3A_87 : memref<1x128xi32, #tpu.memory_space<vmem>> -> memref<128xi32, #tpu.memory_space<vmem>>
        %dma_wait3A_89 = arith.constant 0 : i32
        %dma_wait3A_90 = arith.constant 0 : i32
        %dma_wait3A_91 = tpu.memref_slice %arg12[%dma_wait3A_89, %dma_wait3A_90] : memref<10240x128xf32, #tpu.memory_space<vmem_shared>> -> memref<10240x128xf32, #tpu.memory_space<vmem_shared>>
        tpu.wait_indirect_dma semaphore(%run_scoped3A_79 : memref<!tpu.dma_semaphore, #tpu.memory_space<semaphore_mem>>) src(%arg11 : memref<128x128xf32, #tpu.memory_space<vmem>>) dst(%dma_wait3A_91 : memref<10240x128xf32, #tpu.memory_space<vmem_shared>>)
        tpu.yield
      }) : () -> ()
      %add3A_71 = arith.constant 3 : i32
      %add3A_72 = arith.addi %mul3A_46, %add3A_71 : i32
      %dma_start3A_73 = arith.constant 0 : i32
      %dma_start3A_74 = tpu.memref_slice %arg8[%add3A_72, %dma_start3A_73] : memref<40x128xi32, #tpu.memory_space<vmem>> -> memref<1x128xi32, #tpu.memory_space<vmem>>
      %dma_start3A_75 = tpu.memref_squeeze %dma_start3A_74 : memref<1x128xi32, #tpu.memory_space<vmem>> -> memref<128xi32, #tpu.memory_space<vmem>>
      %dma_start3A_76 = arith.constant 0 : i32
      %dma_start3A_77 = arith.constant 0 : i32
      %dma_start3A_78 = tpu.memref_slice %arg4[%dma_start3A_76, %dma_start3A_77] : memref<10000x128xf32, #tpu.memory_space<hbm>> -> memref<10000x128xf32, #tpu.memory_space<hbm>>
      tpu.enqueue_indirect_dma source(%dma_start3A_78 : memref<10000x128xf32, #tpu.memory_space<hbm>>) target(%arg11 : memref<128x128xf32, #tpu.memory_space<vmem>>) offsets(%dma_start3A_75 : memref<128xi32, #tpu.memory_space<vmem>>) semaphore(%arg14 : memref<!tpu.dma_semaphore, #tpu.memory_space<semaphore_mem>>)
    }
    %scan3A_28 = arith.constant 19 : i32
    %dma_wait3A = arith.constant 0 : i32
    %dma_wait3A_29 = arith.constant 0 : i32
    %dma_wait3A_30 = tpu.memref_slice %arg8[%dma_wait3A, %dma_wait3A_29] : memref<40x128xi32, #tpu.memory_space<vmem>> -> memref<1x128xi32, #tpu.memory_space<vmem>>
    %dma_wait3A_31 = tpu.memref_squeeze %dma_wait3A_30 : memref<1x128xi32, #tpu.memory_space<vmem>> -> memref<128xi32, #tpu.memory_space<vmem>>
    %dma_wait3A_32 = arith.constant 0 : i32
    %dma_wait3A_33 = arith.constant 0 : i32
    %dma_wait3A_34 = tpu.memref_slice %arg4[%dma_wait3A_32, %dma_wait3A_33] : memref<10000x128xf32, #tpu.memory_space<hbm>> -> memref<10000x128xf32, #tpu.memory_space<hbm>>
    tpu.wait_indirect_dma semaphore(%arg13 : memref<!tpu.dma_semaphore, #tpu.memory_space<semaphore_mem>>) src(%dma_wait3A_34 : memref<10000x128xf32, #tpu.memory_space<hbm>>) dst(%arg10 : memref<128x128xf32, #tpu.memory_space<vmem>>)
    %run_scoped3A = arith.constant 38 : i32
    "tpu.region"() ({
      %run_scoped3A_44 = tpu.sem_alloc : memref<!tpu.dma_semaphore, #tpu.memory_space<semaphore_mem>>
      %dma_start3A_45 = arith.constant 0 : i32
      %dma_start3A_46 = tpu.memref_slice %arg9[%run_scoped3A, %dma_start3A_45] : memref<40x128xi32, #tpu.memory_space<vmem>> -> memref<1x128xi32, #tpu.memory_space<vmem>>
      %dma_start3A_47 = tpu.memref_squeeze %dma_start3A_46 : memref<1x128xi32, #tpu.memory_space<vmem>> -> memref<128xi32, #tpu.memory_space<vmem>>
      %dma_start3A_48 = arith.constant 0 : i32
      %dma_start3A_49 = arith.constant 0 : i32
      %dma_start3A_50 = tpu.memref_slice %arg12[%dma_start3A_48, %dma_start3A_49] : memref<10240x128xf32, #tpu.memory_space<vmem_shared>> -> memref<10240x128xf32, #tpu.memory_space<vmem_shared>>
      tpu.enqueue_indirect_dma source(%arg10 : memref<128x128xf32, #tpu.memory_space<vmem>>) target(%dma_start3A_50 : memref<10240x128xf32, #tpu.memory_space<vmem_shared>>) offsets(%dma_start3A_47 : memref<128xi32, #tpu.memory_space<vmem>>) semaphore(%run_scoped3A_44 : memref<!tpu.dma_semaphore, #tpu.memory_space<semaphore_mem>>) {add = true}
      %dma_wait3A_51 = arith.constant 0 : i32
      %dma_wait3A_52 = tpu.memref_slice %arg9[%run_scoped3A, %dma_wait3A_51] : memref<40x128xi32, #tpu.memory_space<vmem>> -> memref<1x128xi32, #tpu.memory_space<vmem>>
      %dma_wait3A_53 = tpu.memref_squeeze %dma_wait3A_52 : memref<1x128xi32, #tpu.memory_space<vmem>> -> memref<128xi32, #tpu.memory_space<vmem>>
      %dma_wait3A_54 = arith.constant 0 : i32
      %dma_wait3A_55 = arith.constant 0 : i32
      %dma_wait3A_56 = tpu.memref_slice %arg12[%dma_wait3A_54, %dma_wait3A_55] : memref<10240x128xf32, #tpu.memory_space<vmem_shared>> -> memref<10240x128xf32, #tpu.memory_space<vmem_shared>>
      tpu.wait_indirect_dma semaphore(%run_scoped3A_44 : memref<!tpu.dma_semaphore, #tpu.memory_space<semaphore_mem>>) src(%arg10 : memref<128x128xf32, #tpu.memory_space<vmem>>) dst(%dma_wait3A_56 : memref<10240x128xf32, #tpu.memory_space<vmem_shared>>)
      tpu.yield
    }) : () -> ()
    %dma_wait3A_35 = arith.constant 0 : i32
    %dma_wait3A_36 = arith.constant 0 : i32
    %dma_wait3A_37 = tpu.memref_slice %arg8[%dma_wait3A_35, %dma_wait3A_36] : memref<40x128xi32, #tpu.memory_space<vmem>> -> memref<1x128xi32, #tpu.memory_space<vmem>>
    %dma_wait3A_38 = tpu.memref_squeeze %dma_wait3A_37 : memref<1x128xi32, #tpu.memory_space<vmem>> -> memref<128xi32, #tpu.memory_space<vmem>>
    %dma_wait3A_39 = arith.constant 0 : i32
    %dma_wait3A_40 = arith.constant 0 : i32
    %dma_wait3A_41 = tpu.memref_slice %arg4[%dma_wait3A_39, %dma_wait3A_40] : memref<10000x128xf32, #tpu.memory_space<hbm>> -> memref<10000x128xf32, #tpu.memory_space<hbm>>
    tpu.wait_indirect_dma semaphore(%arg14 : memref<!tpu.dma_semaphore, #tpu.memory_space<semaphore_mem>>) src(%dma_wait3A_41 : memref<10000x128xf32, #tpu.memory_space<hbm>>) dst(%arg11 : memref<128x128xf32, #tpu.memory_space<vmem>>)
    %run_scoped3A_42 = arith.constant 39 : i32
    "tpu.region"() ({
      %run_scoped3A_44 = tpu.sem_alloc : memref<!tpu.dma_semaphore, #tpu.memory_space<semaphore_mem>>
      %dma_start3A_45 = arith.constant 0 : i32
      %dma_start3A_46 = tpu.memref_slice %arg9[%run_scoped3A_42, %dma_start3A_45] : memref<40x128xi32, #tpu.memory_space<vmem>> -> memref<1x128xi32, #tpu.memory_space<vmem>>
      %dma_start3A_47 = tpu.memref_squeeze %dma_start3A_46 : memref<1x128xi32, #tpu.memory_space<vmem>> -> memref<128xi32, #tpu.memory_space<vmem>>
      %dma_start3A_48 = arith.constant 0 : i32
      %dma_start3A_49 = arith.constant 0 : i32
      %dma_start3A_50 = tpu.memref_slice %arg12[%dma_start3A_48, %dma_start3A_49] : memref<10240x128xf32, #tpu.memory_space<vmem_shared>> -> memref<10240x128xf32, #tpu.memory_space<vmem_shared>>
      tpu.enqueue_indirect_dma source(%arg11 : memref<128x128xf32, #tpu.memory_space<vmem>>) target(%dma_start3A_50 : memref<10240x128xf32, #tpu.memory_space<vmem_shared>>) offsets(%dma_start3A_47 : memref<128xi32, #tpu.memory_space<vmem>>) semaphore(%run_scoped3A_44 : memref<!tpu.dma_semaphore, #tpu.memory_space<semaphore_mem>>) {add = true}
      %dma_wait3A_51 = arith.constant 0 : i32
      %dma_wait3A_52 = tpu.memref_slice %arg9[%run_scoped3A_42, %dma_wait3A_51] : memref<40x128xi32, #tpu.memory_space<vmem>> -> memref<1x128xi32, #tpu.memory_space<vmem>>
      %dma_wait3A_53 = tpu.memref_squeeze %dma_wait3A_52 : memref<1x128xi32, #tpu.memory_space<vmem>> -> memref<128xi32, #tpu.memory_space<vmem>>
      %dma_wait3A_54 = arith.constant 0 : i32
      %dma_wait3A_55 = arith.constant 0 : i32
      %dma_wait3A_56 = tpu.memref_slice %arg12[%dma_wait3A_54, %dma_wait3A_55] : memref<10240x128xf32, #tpu.memory_space<vmem_shared>> -> memref<10240x128xf32, #tpu.memory_space<vmem_shared>>
      tpu.wait_indirect_dma semaphore(%run_scoped3A_44 : memref<!tpu.dma_semaphore, #tpu.memory_space<semaphore_mem>>) src(%arg11 : memref<128x128xf32, #tpu.memory_space<vmem>>) dst(%dma_wait3A_56 : memref<10240x128xf32, #tpu.memory_space<vmem_shared>>)
      tpu.yield
    }) : () -> ()
    "tpu.trace_stop"() : () -> ()
    %barrier3A_43 = arith.constant 0 : index
    tpu.barrier barrier_id(%barrier3A_43)
    "tpu.trace_start"() <{level = 10 : i32, message = "agg_wb"}> : () -> ()
    "tpu.region"() ({
      %run_scoped3A_44 = tpu.sem_alloc : memref<!tpu.dma_semaphore, #tpu.memory_space<semaphore_mem>>
      %dma_start3A_45 = arith.constant 0 : i32
      %dma_start3A_46 = tpu.memref_slice %arg7[%arg0, %mul3A_0, %dma_start3A_45] : memref<2x10240x128xf32, #tpu.memory_space<hbm>> -> memref<1x640x128xf32, #tpu.memory_space<hbm>>
      %dma_start3A_47 = tpu.memref_squeeze %dma_start3A_46 : memref<1x640x128xf32, #tpu.memory_space<hbm>> -> memref<640x128xf32, #tpu.memory_space<hbm>>
      %dma_start3A_48 = arith.constant 0 : i32
      %dma_start3A_49 = tpu.memref_slice %arg12[%mul3A_0, %dma_start3A_48] : memref<10240x128xf32, #tpu.memory_space<vmem_shared>> -> memref<640x128xf32, #tpu.memory_space<vmem_shared>>
      tpu.enqueue_dma source(%dma_start3A_49 : memref<640x128xf32, #tpu.memory_space<vmem_shared>>) target(%dma_start3A_47 : memref<640x128xf32, #tpu.memory_space<hbm>>) target_semaphore(%run_scoped3A_44 : memref<!tpu.dma_semaphore, #tpu.memory_space<semaphore_mem>>)
      %dma_wait3A_50 = arith.constant 0 : i32
      %dma_wait3A_51 = tpu.memref_slice %arg7[%arg0, %mul3A_0, %dma_wait3A_50] : memref<2x10240x128xf32, #tpu.memory_space<hbm>> -> memref<1x640x128xf32, #tpu.memory_space<hbm>>
      %dma_wait3A_52 = tpu.memref_squeeze %dma_wait3A_51 : memref<1x640x128xf32, #tpu.memory_space<hbm>> -> memref<640x128xf32, #tpu.memory_space<hbm>>
      %dma_wait3A_53 = arith.constant 0 : i32
      %dma_wait3A_54 = tpu.memref_slice %arg12[%mul3A_0, %dma_wait3A_53] : memref<10240x128xf32, #tpu.memory_space<vmem_shared>> -> memref<640x128xf32, #tpu.memory_space<vmem_shared>>
      tpu.wait_dma2 semaphore(%run_scoped3A_44 : memref<!tpu.dma_semaphore, #tpu.memory_space<semaphore_mem>>) src(%dma_wait3A_54 : memref<640x128xf32, #tpu.memory_space<vmem_shared>>) dst(%dma_wait3A_52 : memref<640x128xf32, #tpu.memory_space<hbm>>)
      tpu.yield
    }) : () -> ()
    "tpu.trace_stop"() : () -> ()
    return
  }
}

module attributes {stable_mosaic.version = 14 : i64} {
  func.func @_tc_a_body(%arg0: i32, %arg1: memref<1000x1152xf32, #tpu.memory_space<vmem>>, %arg2: memref<1152x128xf32, #tpu.memory_space<vmem>>, %arg3: memref<1152x128xf32, #tpu.memory_space<vmem>>, %arg4: memref<1x128xf32, #tpu.memory_space<vmem>>, %arg5: memref<1000x128xf32, #tpu.memory_space<vmem>>, %arg6: memref<1000x128xf32, #tpu.memory_space<vmem>>) attributes {dimension_semantics = [#tpu.dimension_semantics<arbitrary>], iteration_bounds = array<i64: 10>, scalar_prefetch = 0 : i64, scratch_operands = 0 : i64, tpu.core_type = #tpu.core_type<tc>, window_params = [{transform_indices = @transform_0, window_bounds = array<i64: 1000, 1152>}, {pipeline_mode = #tpu.pipeline_mode<synchronous>, transform_indices = @transform_1, window_bounds = array<i64: 1152, 128>}, {pipeline_mode = #tpu.pipeline_mode<synchronous>, transform_indices = @transform_2, window_bounds = array<i64: 1152, 128>}, {pipeline_mode = #tpu.pipeline_mode<synchronous>, transform_indices = @transform_3, window_bounds = array<i64: 1, 128>}, {transform_indices = @transform_4, window_bounds = array<i64: 1000, 128>}, {transform_indices = @transform_5, window_bounds = array<i64: 1000, 128>}]} {
    %get3A = arith.constant 0 : index
    %get3A_0 = arith.constant 0 : index
    %get3A_1 = vector.load %arg1[%get3A, %get3A_0] : memref<1000x1152xf32, #tpu.memory_space<vmem>>, vector<1000x1152xf32>
    %convert_element_type3A = arith.truncf %get3A_1 : vector<1000x1152xf32> to vector<1000x1152xbf16>
    %get3A_2 = arith.constant 0 : index
    %get3A_3 = arith.constant 0 : index
    %get3A_4 = vector.load %arg2[%get3A_2, %get3A_3] : memref<1152x128xf32, #tpu.memory_space<vmem>>, vector<1152x128xf32>
    %convert_element_type3A_5 = arith.truncf %get3A_4 : vector<1152x128xf32> to vector<1152x128xbf16>
    %get3A_6 = arith.constant 0 : index
    %get3A_7 = arith.constant 0 : index
    %get3A_8 = vector.load %arg3[%get3A_6, %get3A_7] : memref<1152x128xf32, #tpu.memory_space<vmem>>, vector<1152x128xf32>
    %convert_element_type3A_9 = arith.truncf %get3A_8 : vector<1152x128xf32> to vector<1152x128xbf16>
    %dot_general3A = arith.constant dense<0.000000e+00> : vector<1000x128xf32>
    %dot_general3A_10 = tpu.matmul %convert_element_type3A, %convert_element_type3A_5, %dot_general3A {dimension_numbers = #tpu.dot_dimension_numbers<[1], [0], [0], [1], [0, 0, 1, 1], [], []>, transpose_lhs_hint = false} : vector<1000x1152xbf16>, vector<1152x128xbf16>, vector<1000x128xf32> -> vector<1000x128xf32>
    %swap3A = arith.constant 0 : index
    %swap3A_11 = arith.constant 0 : index
    %swap3A_12 = vector.load %arg5[%swap3A, %swap3A_11] : memref<1000x128xf32, #tpu.memory_space<vmem>>, vector<1000x128xf32>
    tpu.vector_store %arg5[%swap3A, %swap3A_11], %dot_general3A_10 {strides = array<i32>} : memref<1000x128xf32, #tpu.memory_space<vmem>>, vector<1000x128xf32>,
    %dot_general3A_13 = arith.constant dense<0.000000e+00> : vector<1000x128xf32>
    %dot_general3A_14 = tpu.matmul %convert_element_type3A, %convert_element_type3A_9, %dot_general3A_13 {dimension_numbers = #tpu.dot_dimension_numbers<[1], [0], [0], [1], [0, 0, 1, 1], [], []>, transpose_lhs_hint = false} : vector<1000x1152xbf16>, vector<1152x128xbf16>, vector<1000x128xf32> -> vector<1000x128xf32>
    %get3A_15 = arith.constant 0 : index
    %get3A_16 = arith.constant 0 : index
    %get3A_17 = vector.load %arg4[%get3A_15, %get3A_16] : memref<1x128xf32, #tpu.memory_space<vmem>>, vector<1x128xf32>
    %add3A = vector.broadcast %get3A_17 : vector<1x128xf32> to vector<1000x128xf32>
    %add3A_18 = arith.addf %dot_general3A_14, %add3A : vector<1000x128xf32>
    %swap3A_19 = arith.constant 0 : index
    %swap3A_20 = arith.constant 0 : index
    %swap3A_21 = vector.load %arg6[%swap3A_19, %swap3A_20] : memref<1000x128xf32, #tpu.memory_space<vmem>>, vector<1000x128xf32>
    tpu.vector_store %arg6[%swap3A_19, %swap3A_20], %add3A_18 {strides = array<i32>} : memref<1000x128xf32, #tpu.memory_space<vmem>>, vector<1000x128xf32>,
    return
  }
  func.func @transform_0(%arg0: i32) -> (i32, i32) {
    %c0_i32 = arith.constant 0 : i32
    %c0_i32_0 = arith.constant 0 : i32
    return %arg0, %c0_i32 : i32, i32
  }
  func.func @transform_1(%arg0: i32) -> (i32, i32) {
    %c0_i32 = arith.constant 0 : i32
    %c0_i32_0 = arith.constant 0 : i32
    %c0_i32_1 = arith.constant 0 : i32
    return %c0_i32, %c0_i32_0 : i32, i32
  }
  func.func @transform_2(%arg0: i32) -> (i32, i32) {
    %c0_i32 = arith.constant 0 : i32
    %c0_i32_0 = arith.constant 0 : i32
    %c0_i32_1 = arith.constant 0 : i32
    return %c0_i32, %c0_i32_0 : i32, i32
  }
  func.func @transform_3(%arg0: i32) -> (i32, i32) {
    %c0_i32 = arith.constant 0 : i32
    %c0_i32_0 = arith.constant 0 : i32
    %c0_i32_1 = arith.constant 0 : i32
    return %c0_i32, %c0_i32_0 : i32, i32
  }
  func.func @transform_4(%arg0: i32) -> (i32, i32) {
    %c0_i32 = arith.constant 0 : i32
    %c0_i32_0 = arith.constant 0 : i32
    return %arg0, %c0_i32 : i32, i32
  }
  func.func @transform_5(%arg0: i32) -> (i32, i32) {
    %c0_i32 = arith.constant 0 : i32
    %c0_i32_0 = arith.constant 0 : i32
    return %arg0, %c0_i32 : i32, i32
  }
}

module attributes {stable_mosaic.version = 14 : i64} {
  func.func @_tc_b_body(%arg0: i32, %arg1: memref<1x1000x128xf32, #tpu.memory_space<vmem>>, %arg2: memref<1x1000x128xf32, #tpu.memory_space<vmem>>, %arg3: memref<1x1000x128xf32, #tpu.memory_space<vmem>>, %arg4: memref<1x1000x128xf32, #tpu.memory_space<vmem>>, %arg5: memref<1000x128xf32, #tpu.memory_space<vmem>>, %arg6: memref<128x128xf32, #tpu.memory_space<vmem>>, %arg7: memref<128x128xf32, #tpu.memory_space<vmem>>, %arg8: memref<1x128xf32, #tpu.memory_space<vmem>>, %arg9: memref<1000x128xf32, #tpu.memory_space<vmem>>, %arg10: memref<1000x128xf32, #tpu.memory_space<vmem>>) attributes {dimension_semantics = [#tpu.dimension_semantics<arbitrary>], iteration_bounds = array<i64: 10>, scalar_prefetch = 0 : i64, scratch_operands = 0 : i64, tpu.core_type = #tpu.core_type<tc>, window_params = [{transform_indices = @transform_0, window_bounds = array<i64: 1, 1000, 128>}, {transform_indices = @transform_1, window_bounds = array<i64: 1, 1000, 128>}, {transform_indices = @transform_2, window_bounds = array<i64: 1, 1000, 128>}, {transform_indices = @transform_3, window_bounds = array<i64: 1, 1000, 128>}, {transform_indices = @transform_4, window_bounds = array<i64: 1000, 128>}, {pipeline_mode = #tpu.pipeline_mode<synchronous>, transform_indices = @transform_5, window_bounds = array<i64: 128, 128>}, {pipeline_mode = #tpu.pipeline_mode<synchronous>, transform_indices = @transform_6, window_bounds = array<i64: 128, 128>}, {pipeline_mode = #tpu.pipeline_mode<synchronous>, transform_indices = @transform_7, window_bounds = array<i64: 1, 128>}, {transform_indices = @transform_8, window_bounds = array<i64: 1000, 128>}, {transform_indices = @transform_9, window_bounds = array<i64: 1000, 128>}]} {
    %get3A = arith.constant 0 : index
    %get3A_0 = arith.constant 0 : index
    %get3A_1 = arith.constant 0 : index
    %get3A_2 = vector.load %arg3[%get3A, %get3A_0, %get3A_1] : memref<1x1000x128xf32, #tpu.memory_space<vmem>>, vector<1x1000x128xf32>
    %get3A_3 = arith.constant 0 : index
    %get3A_4 = arith.constant 0 : index
    %get3A_5 = arith.constant 0 : index
    %get3A_6 = vector.load %arg4[%get3A_3, %get3A_4, %get3A_5] : memref<1x1000x128xf32, #tpu.memory_space<vmem>>, vector<1x1000x128xf32>
    %add3A = arith.addf %get3A_2, %get3A_6 : vector<1x1000x128xf32>
    %reshape3A = vector.shape_cast %add3A : vector<1x1000x128xf32> to vector<1000x128xf32>
    %slice3A = vector.extract_strided_slice %reshape3A {offsets = [0, 0], sizes = [1000, 1], strides = [1, 1]} : vector<1000x128xf32> to vector<1000x1xf32>
    %max3A = arith.constant 1.000000e+00 : f32
    %max3A_7 = vector.broadcast %max3A : f32 to vector<1000x1xf32>
    %max3A_8 = arith.maximumf %slice3A, %max3A_7 : vector<1000x1xf32>
    %div3A = arith.constant 1.000000e+00 : f32
    %div3A_9 = vector.broadcast %div3A : f32 to vector<1000x1xf32>
    %div3A_10 = arith.divf %div3A_9, %max3A_8 : vector<1000x1xf32>
    %get3A_11 = arith.constant 0 : index
    %get3A_12 = arith.constant 0 : index
    %get3A_13 = arith.constant 0 : index
    %get3A_14 = vector.load %arg1[%get3A_11, %get3A_12, %get3A_13] : memref<1x1000x128xf32, #tpu.memory_space<vmem>>, vector<1x1000x128xf32>
    %get3A_15 = arith.constant 0 : index
    %get3A_16 = arith.constant 0 : index
    %get3A_17 = arith.constant 0 : index
    %get3A_18 = vector.load %arg2[%get3A_15, %get3A_16, %get3A_17] : memref<1x1000x128xf32, #tpu.memory_space<vmem>>, vector<1x1000x128xf32>
    %add3A_19 = arith.addf %get3A_14, %get3A_18 : vector<1x1000x128xf32>
    %reshape3A_20 = vector.shape_cast %add3A_19 : vector<1x1000x128xf32> to vector<1000x128xf32>
    %mul3A = vector.broadcast %div3A_10 : vector<1000x1xf32> to vector<1000x128xf32>
    %mul3A_21 = arith.mulf %reshape3A_20, %mul3A : vector<1000x128xf32>
    %get3A_22 = arith.constant 0 : index
    %get3A_23 = arith.constant 0 : index
    %get3A_24 = vector.load %arg5[%get3A_22, %get3A_23] : memref<1000x128xf32, #tpu.memory_space<vmem>>, vector<1000x128xf32>
    %add3A_25 = arith.addf %mul3A_21, %get3A_24 : vector<1000x128xf32>
    %max3A_26 = arith.constant 0.000000e+00 : f32
    %max3A_27 = vector.broadcast %max3A_26 : f32 to vector<1000x128xf32>
    %max3A_28 = arith.maximumf %add3A_25, %max3A_27 : vector<1000x128xf32>
    %get3A_29 = arith.constant 0 : index
    %get3A_30 = arith.constant 0 : index
    %get3A_31 = vector.load %arg6[%get3A_29, %get3A_30] : memref<128x128xf32, #tpu.memory_space<vmem>>, vector<128x128xf32>
    %dot_general3A = arith.constant dense<0.000000e+00> : vector<1000x128xf32>
    %dot_general3A_32 = tpu.matmul %max3A_28, %get3A_31, %dot_general3A {dimension_numbers = #tpu.dot_dimension_numbers<[1], [0], [0], [1], [0, 0, 1, 1], [], []>, transpose_lhs_hint = false} : vector<1000x128xf32>, vector<128x128xf32>, vector<1000x128xf32> -> vector<1000x128xf32>
    %swap3A = arith.constant 0 : index
    %swap3A_33 = arith.constant 0 : index
    %swap3A_34 = vector.load %arg9[%swap3A, %swap3A_33] : memref<1000x128xf32, #tpu.memory_space<vmem>>, vector<1000x128xf32>
    tpu.vector_store %arg9[%swap3A, %swap3A_33], %dot_general3A_32 {strides = array<i32>} : memref<1000x128xf32, #tpu.memory_space<vmem>>, vector<1000x128xf32>,
    %get3A_35 = arith.constant 0 : index
    %get3A_36 = arith.constant 0 : index
    %get3A_37 = vector.load %arg7[%get3A_35, %get3A_36] : memref<128x128xf32, #tpu.memory_space<vmem>>, vector<128x128xf32>
    %dot_general3A_38 = arith.constant dense<0.000000e+00> : vector<1000x128xf32>
    %dot_general3A_39 = tpu.matmul %max3A_28, %get3A_37, %dot_general3A_38 {dimension_numbers = #tpu.dot_dimension_numbers<[1], [0], [0], [1], [0, 0, 1, 1], [], []>, transpose_lhs_hint = false} : vector<1000x128xf32>, vector<128x128xf32>, vector<1000x128xf32> -> vector<1000x128xf32>
    %get3A_40 = arith.constant 0 : index
    %get3A_41 = arith.constant 0 : index
    %get3A_42 = vector.load %arg8[%get3A_40, %get3A_41] : memref<1x128xf32, #tpu.memory_space<vmem>>, vector<1x128xf32>
    %add3A_43 = vector.broadcast %get3A_42 : vector<1x128xf32> to vector<1000x128xf32>
    %add3A_44 = arith.addf %dot_general3A_39, %add3A_43 : vector<1000x128xf32>
    %swap3A_45 = arith.constant 0 : index
    %swap3A_46 = arith.constant 0 : index
    %swap3A_47 = vector.load %arg10[%swap3A_45, %swap3A_46] : memref<1000x128xf32, #tpu.memory_space<vmem>>, vector<1000x128xf32>
    tpu.vector_store %arg10[%swap3A_45, %swap3A_46], %add3A_44 {strides = array<i32>} : memref<1000x128xf32, #tpu.memory_space<vmem>>, vector<1000x128xf32>,
    return
  }
  func.func @transform_0(%arg0: i32) -> (i32, i32, i32) {
    %c0_i32 = arith.constant 0 : i32
    %c0_i32_0 = arith.constant 0 : i32
    %c0_i32_1 = arith.constant 0 : i32
    return %c0_i32, %arg0, %c0_i32_0 : i32, i32, i32
  }
  func.func @transform_1(%arg0: i32) -> (i32, i32, i32) {
    %c1_i32 = arith.constant 1 : i32
    %c0_i32 = arith.constant 0 : i32
    %c0_i32_0 = arith.constant 0 : i32
    return %c1_i32, %arg0, %c0_i32 : i32, i32, i32
  }
  func.func @transform_2(%arg0: i32) -> (i32, i32, i32) {
    %c0_i32 = arith.constant 0 : i32
    %c0_i32_0 = arith.constant 0 : i32
    %c0_i32_1 = arith.constant 0 : i32
    return %c0_i32, %arg0, %c0_i32_0 : i32, i32, i32
  }
  func.func @transform_3(%arg0: i32) -> (i32, i32, i32) {
    %c1_i32 = arith.constant 1 : i32
    %c0_i32 = arith.constant 0 : i32
    %c0_i32_0 = arith.constant 0 : i32
    return %c1_i32, %arg0, %c0_i32 : i32, i32, i32
  }
  func.func @transform_4(%arg0: i32) -> (i32, i32) {
    %c0_i32 = arith.constant 0 : i32
    %c0_i32_0 = arith.constant 0 : i32
    return %arg0, %c0_i32 : i32, i32
  }
  func.func @transform_5(%arg0: i32) -> (i32, i32) {
    %c0_i32 = arith.constant 0 : i32
    %c0_i32_0 = arith.constant 0 : i32
    %c0_i32_1 = arith.constant 0 : i32
    return %c0_i32, %c0_i32_0 : i32, i32
  }
  func.func @transform_6(%arg0: i32) -> (i32, i32) {
    %c0_i32 = arith.constant 0 : i32
    %c0_i32_0 = arith.constant 0 : i32
    %c0_i32_1 = arith.constant 0 : i32
    return %c0_i32, %c0_i32_0 : i32, i32
  }
  func.func @transform_7(%arg0: i32) -> (i32, i32) {
    %c0_i32 = arith.constant 0 : i32
    %c0_i32_0 = arith.constant 0 : i32
    %c0_i32_1 = arith.constant 0 : i32
    return %c0_i32, %c0_i32_0 : i32, i32
  }
  func.func @transform_8(%arg0: i32) -> (i32, i32) {
    %c0_i32 = arith.constant 0 : i32
    %c0_i32_0 = arith.constant 0 : i32
    return %arg0, %c0_i32 : i32, i32
  }
  func.func @transform_9(%arg0: i32) -> (i32, i32) {
    %c0_i32 = arith.constant 0 : i32
    %c0_i32_0 = arith.constant 0 : i32
    return %arg0, %c0_i32 : i32, i32
  }
}

module attributes {stable_mosaic.version = 14 : i64} {
  func.func @_tc_c_body(%arg0: i32, %arg1: memref<1x1000x128xf32, #tpu.memory_space<vmem>>, %arg2: memref<1x1000x128xf32, #tpu.memory_space<vmem>>, %arg3: memref<1x1000x128xf32, #tpu.memory_space<vmem>>, %arg4: memref<1x1000x128xf32, #tpu.memory_space<vmem>>, %arg5: memref<1000x128xf32, #tpu.memory_space<vmem>>, %arg6: memref<1x1x1000xi32, #tpu.memory_space<vmem>>, %arg7: memref<128x128xf32, #tpu.memory_space<vmem>>, %arg8: memref<1x128xf32, #tpu.memory_space<vmem>>, %arg9: memref<32x128xf32, #tpu.memory_space<vmem>>, %arg10: memref<32x128xf32, #tpu.memory_space<vmem>>, %arg11: memref<32x128xf32, #tpu.memory_space<vmem>>) attributes {dimension_semantics = [#tpu.dimension_semantics<arbitrary>], iteration_bounds = array<i64: 10>, scalar_prefetch = 0 : i64, scratch_operands = 2 : i64, tpu.core_type = #tpu.core_type<tc>, window_params = [{transform_indices = @transform_0, window_bounds = array<i64: 1, 1000, 128>}, {transform_indices = @transform_1, window_bounds = array<i64: 1, 1000, 128>}, {transform_indices = @transform_2, window_bounds = array<i64: 1, 1000, 128>}, {transform_indices = @transform_3, window_bounds = array<i64: 1, 1000, 128>}, {transform_indices = @transform_4, window_bounds = array<i64: 1000, 128>}, {transform_indices = @transform_5, window_bounds = array<i64: 1, 1, 1000>}, {pipeline_mode = #tpu.pipeline_mode<synchronous>, transform_indices = @transform_6, window_bounds = array<i64: 128, 128>}, {pipeline_mode = #tpu.pipeline_mode<synchronous>, transform_indices = @transform_7, window_bounds = array<i64: 1, 128>}, {pipeline_mode = #tpu.pipeline_mode<synchronous>, transform_indices = @transform_8, window_bounds = array<i64: 32, 128>}]} {
    %eq3A = arith.constant 0 : i32
    %eq3A_0 = arith.cmpi eq, %arg0, %eq3A : i32
    %convert_element_type3A = arith.extui %eq3A_0 : i1 to i32
    %cond3A = arith.constant 0 : i32
    %cond3A_1 = arith.cmpi ne, %convert_element_type3A, %cond3A : i32
    scf.if %cond3A_1 {
      %broadcast_in_dim3A_60 = arith.constant 0.000000e+00 : f32
      %broadcast_in_dim3A_61 = vector.broadcast %broadcast_in_dim3A_60 : f32 to vector<32x128xf32>
      %swap3A_62 = arith.constant 0 : index
      %swap3A_63 = arith.constant 0 : index
      %swap3A_64 = vector.load %arg10[%swap3A_62, %swap3A_63] : memref<32x128xf32, #tpu.memory_space<vmem>>, vector<32x128xf32>
      tpu.vector_store %arg10[%swap3A_62, %swap3A_63], %broadcast_in_dim3A_61 {strides = array<i32>} : memref<32x128xf32, #tpu.memory_space<vmem>>, vector<32x128xf32>,
      %broadcast_in_dim3A_65 = arith.constant 0.000000e+00 : f32
      %broadcast_in_dim3A_66 = vector.broadcast %broadcast_in_dim3A_65 : f32 to vector<32x128xf32>
      %swap3A_67 = arith.constant 0 : index
      %swap3A_68 = arith.constant 0 : index
      %swap3A_69 = vector.load %arg11[%swap3A_67, %swap3A_68] : memref<32x128xf32, #tpu.memory_space<vmem>>, vector<32x128xf32>
      tpu.vector_store %arg11[%swap3A_67, %swap3A_68], %broadcast_in_dim3A_66 {strides = array<i32>} : memref<32x128xf32, #tpu.memory_space<vmem>>, vector<32x128xf32>,
    } else {
    }
    %get3A = arith.constant 0 : index
    %get3A_2 = arith.constant 0 : index
    %get3A_3 = arith.constant 0 : index
    %get3A_4 = vector.load %arg3[%get3A, %get3A_2, %get3A_3] : memref<1x1000x128xf32, #tpu.memory_space<vmem>>, vector<1x1000x128xf32>
    %get3A_5 = arith.constant 0 : index
    %get3A_6 = arith.constant 0 : index
    %get3A_7 = arith.constant 0 : index
    %get3A_8 = vector.load %arg4[%get3A_5, %get3A_6, %get3A_7] : memref<1x1000x128xf32, #tpu.memory_space<vmem>>, vector<1x1000x128xf32>
    %add3A = arith.addf %get3A_4, %get3A_8 : vector<1x1000x128xf32>
    %reshape3A = vector.shape_cast %add3A : vector<1x1000x128xf32> to vector<1000x128xf32>
    %slice3A = vector.extract_strided_slice %reshape3A {offsets = [0, 0], sizes = [1000, 1], strides = [1, 1]} : vector<1000x128xf32> to vector<1000x1xf32>
    %max3A = arith.constant 1.000000e+00 : f32
    %max3A_9 = vector.broadcast %max3A : f32 to vector<1000x1xf32>
    %max3A_10 = arith.maximumf %slice3A, %max3A_9 : vector<1000x1xf32>
    %div3A = arith.constant 1.000000e+00 : f32
    %div3A_11 = vector.broadcast %div3A : f32 to vector<1000x1xf32>
    %div3A_12 = arith.divf %div3A_11, %max3A_10 : vector<1000x1xf32>
    %get3A_13 = arith.constant 0 : index
    %get3A_14 = arith.constant 0 : index
    %get3A_15 = arith.constant 0 : index
    %get3A_16 = vector.load %arg1[%get3A_13, %get3A_14, %get3A_15] : memref<1x1000x128xf32, #tpu.memory_space<vmem>>, vector<1x1000x128xf32>
    %get3A_17 = arith.constant 0 : index
    %get3A_18 = arith.constant 0 : index
    %get3A_19 = arith.constant 0 : index
    %get3A_20 = vector.load %arg2[%get3A_17, %get3A_18, %get3A_19] : memref<1x1000x128xf32, #tpu.memory_space<vmem>>, vector<1x1000x128xf32>
    %add3A_21 = arith.addf %get3A_16, %get3A_20 : vector<1x1000x128xf32>
    %reshape3A_22 = vector.shape_cast %add3A_21 : vector<1x1000x128xf32> to vector<1000x128xf32>
    %mul3A = vector.broadcast %div3A_12 : vector<1000x1xf32> to vector<1000x128xf32>
    %mul3A_23 = arith.mulf %reshape3A_22, %mul3A : vector<1000x128xf32>
    %get3A_24 = arith.constant 0 : index
    %get3A_25 = arith.constant 0 : index
    %get3A_26 = vector.load %arg5[%get3A_24, %get3A_25] : memref<1000x128xf32, #tpu.memory_space<vmem>>, vector<1000x128xf32>
    %add3A_27 = arith.addf %mul3A_23, %get3A_26 : vector<1000x128xf32>
    %get3A_28 = arith.constant 0 : index
    %get3A_29 = arith.constant 0 : index
    %get3A_30 = arith.constant 0 : index
    %get3A_31 = vector.load %arg6[%get3A_28, %get3A_29, %get3A_30] : memref<1x1x1000xi32, #tpu.memory_space<vmem>>, vector<1x1x1000xi32>
    %reshape3A_32 = vector.shape_cast %get3A_31 : vector<1x1x1000xi32> to vector<1x1000xi32>
    %iota3A = tpu.iota {dimensions = array<i32: 0>} : vector<32x1xi32>
    %eq3A_33 = vector.broadcast %iota3A : vector<32x1xi32> to vector<32x1000xi32>
    %eq3A_34 = vector.broadcast %reshape3A_32 : vector<1x1000xi32> to vector<32x1000xi32>
    %eq3A_35 = arith.cmpi eq, %eq3A_33, %eq3A_34 : vector<32x1000xi32>
    %convert_element_type3A_36 = arith.extui %eq3A_35 : vector<32x1000xi1> to vector<32x1000xi32>
    %convert_element_type3A_37 = arith.sitofp %convert_element_type3A_36 : vector<32x1000xi32> to vector<32x1000xf32>
    %get3A_38 = arith.constant 0 : index
    %get3A_39 = arith.constant 0 : index
    %get3A_40 = vector.load %arg10[%get3A_38, %get3A_39] : memref<32x128xf32, #tpu.memory_space<vmem>>, vector<32x128xf32>
    %dot_general3A = arith.constant dense<0.000000e+00> : vector<32x128xf32>
    %dot_general3A_41 = tpu.matmul %convert_element_type3A_37, %add3A_27, %dot_general3A {dimension_numbers = #tpu.dot_dimension_numbers<[1], [0], [0], [1], [0, 0, 1, 1], [], []>, transpose_lhs_hint = false} : vector<32x1000xf32>, vector<1000x128xf32>, vector<32x128xf32> -> vector<32x128xf32>
    %add3A_42 = arith.addf %get3A_40, %dot_general3A_41 : vector<32x128xf32>
    %swap3A = arith.constant 0 : index
    %swap3A_43 = arith.constant 0 : index
    %swap3A_44 = vector.load %arg10[%swap3A, %swap3A_43] : memref<32x128xf32, #tpu.memory_space<vmem>>, vector<32x128xf32>
    tpu.vector_store %arg10[%swap3A, %swap3A_43], %add3A_42 {strides = array<i32>} : memref<32x128xf32, #tpu.memory_space<vmem>>, vector<32x128xf32>,
    %get3A_45 = arith.constant 0 : index
    %get3A_46 = arith.constant 0 : index
    %get3A_47 = vector.load %arg11[%get3A_45, %get3A_46] : memref<32x128xf32, #tpu.memory_space<vmem>>, vector<32x128xf32>
    %broadcast_in_dim3A = arith.constant 1.000000e+00 : f32
    %broadcast_in_dim3A_48 = vector.broadcast %broadcast_in_dim3A : f32 to vector<1000x128xf32>
    %dot_general3A_49 = arith.constant dense<0.000000e+00> : vector<32x128xf32>
    %dot_general3A_50 = tpu.matmul %convert_element_type3A_37, %broadcast_in_dim3A_48, %dot_general3A_49 {dimension_numbers = #tpu.dot_dimension_numbers<[1], [0], [0], [1], [0, 0, 1, 1], [], []>, transpose_lhs_hint = false} : vector<32x1000xf32>, vector<1000x128xf32>, vector<32x128xf32> -> vector<32x128xf32>
    %add3A_51 = arith.addf %get3A_47, %dot_general3A_50 : vector<32x128xf32>
    %swap3A_52 = arith.constant 0 : index
    %swap3A_53 = arith.constant 0 : index
    %swap3A_54 = vector.load %arg11[%swap3A_52, %swap3A_53] : memref<32x128xf32, #tpu.memory_space<vmem>>, vector<32x128xf32>
    tpu.vector_store %arg11[%swap3A_52, %swap3A_53], %add3A_51 {strides = array<i32>} : memref<32x128xf32, #tpu.memory_space<vmem>>, vector<32x128xf32>,
    %eq3A_55 = arith.constant 9 : i32
    %eq3A_56 = arith.cmpi eq, %arg0, %eq3A_55 : i32
    %convert_element_type3A_57 = arith.extui %eq3A_56 : i1 to i32
    %cond3A_58 = arith.constant 0 : i32
    %cond3A_59 = arith.cmpi ne, %convert_element_type3A_57, %cond3A_58 : i32
    scf.if %cond3A_59 {
      %get3A_60 = arith.constant 0 : index
      %get3A_61 = arith.constant 0 : index
      %get3A_62 = vector.load %arg10[%get3A_60, %get3A_61] : memref<32x128xf32, #tpu.memory_space<vmem>>, vector<32x128xf32>
      %get3A_63 = arith.constant 0 : index
      %get3A_64 = arith.constant 0 : index
      %get3A_65 = vector.load %arg11[%get3A_63, %get3A_64] : memref<32x128xf32, #tpu.memory_space<vmem>>, vector<32x128xf32>
      %max3A_66 = arith.constant 1.000000e+00 : f32
      %max3A_67 = vector.broadcast %max3A_66 : f32 to vector<32x128xf32>
      %max3A_68 = arith.maximumf %get3A_65, %max3A_67 : vector<32x128xf32>
      %div3A_69 = arith.divf %get3A_62, %max3A_68 : vector<32x128xf32>
      %get3A_70 = arith.constant 0 : index
      %get3A_71 = arith.constant 0 : index
      %get3A_72 = vector.load %arg7[%get3A_70, %get3A_71] : memref<128x128xf32, #tpu.memory_space<vmem>>, vector<128x128xf32>
      %dot_general3A_73 = arith.constant dense<0.000000e+00> : vector<32x128xf32>
      %dot_general3A_74 = tpu.matmul %div3A_69, %get3A_72, %dot_general3A_73 {dimension_numbers = #tpu.dot_dimension_numbers<[1], [0], [0], [1], [0, 0, 1, 1], [], []>, transpose_lhs_hint = false} : vector<32x128xf32>, vector<128x128xf32>, vector<32x128xf32> -> vector<32x128xf32>
      %get3A_75 = arith.constant 0 : index
      %get3A_76 = arith.constant 0 : index
      %get3A_77 = vector.load %arg8[%get3A_75, %get3A_76] : memref<1x128xf32, #tpu.memory_space<vmem>>, vector<1x128xf32>
      %add3A_78 = vector.broadcast %get3A_77 : vector<1x128xf32> to vector<32x128xf32>
      %add3A_79 = arith.addf %dot_general3A_74, %add3A_78 : vector<32x128xf32>
      %swap3A_80 = arith.constant 0 : index
      %swap3A_81 = arith.constant 0 : index
      %swap3A_82 = vector.load %arg9[%swap3A_80, %swap3A_81] : memref<32x128xf32, #tpu.memory_space<vmem>>, vector<32x128xf32>
      tpu.vector_store %arg9[%swap3A_80, %swap3A_81], %add3A_79 {strides = array<i32>} : memref<32x128xf32, #tpu.memory_space<vmem>>, vector<32x128xf32>,
    } else {
    }
    return
  }
  func.func @transform_0(%arg0: i32) -> (i32, i32, i32) {
    %c0_i32 = arith.constant 0 : i32
    %c0_i32_0 = arith.constant 0 : i32
    %c0_i32_1 = arith.constant 0 : i32
    return %c0_i32, %arg0, %c0_i32_0 : i32, i32, i32
  }
  func.func @transform_1(%arg0: i32) -> (i32, i32, i32) {
    %c1_i32 = arith.constant 1 : i32
    %c0_i32 = arith.constant 0 : i32
    %c0_i32_0 = arith.constant 0 : i32
    return %c1_i32, %arg0, %c0_i32 : i32, i32, i32
  }
  func.func @transform_2(%arg0: i32) -> (i32, i32, i32) {
    %c0_i32 = arith.constant 0 : i32
    %c0_i32_0 = arith.constant 0 : i32
    %c0_i32_1 = arith.constant 0 : i32
    return %c0_i32, %arg0, %c0_i32_0 : i32, i32, i32
  }
  func.func @transform_3(%arg0: i32) -> (i32, i32, i32) {
    %c1_i32 = arith.constant 1 : i32
    %c0_i32 = arith.constant 0 : i32
    %c0_i32_0 = arith.constant 0 : i32
    return %c1_i32, %arg0, %c0_i32 : i32, i32, i32
  }
  func.func @transform_4(%arg0: i32) -> (i32, i32) {
    %c0_i32 = arith.constant 0 : i32
    %c0_i32_0 = arith.constant 0 : i32
    return %arg0, %c0_i32 : i32, i32
  }
  func.func @transform_5(%arg0: i32) -> (i32, i32, i32) {
    %c0_i32 = arith.constant 0 : i32
    %c0_i32_0 = arith.constant 0 : i32
    %c0_i32_1 = arith.constant 0 : i32
    return %arg0, %c0_i32, %c0_i32_0 : i32, i32, i32
  }
  func.func @transform_6(%arg0: i32) -> (i32, i32) {
    %c0_i32 = arith.constant 0 : i32
    %c0_i32_0 = arith.constant 0 : i32
    %c0_i32_1 = arith.constant 0 : i32
    return %c0_i32, %c0_i32_0 : i32, i32
  }
  func.func @transform_7(%arg0: i32) -> (i32, i32) {
    %c0_i32 = arith.constant 0 : i32
    %c0_i32_0 = arith.constant 0 : i32
    %c0_i32_1 = arith.constant 0 : i32
    return %c0_i32, %c0_i32_0 : i32, i32
  }
  func.func @transform_8(%arg0: i32) -> (i32, i32) {
    %c0_i32 = arith.constant 0 : i32
    %c0_i32_0 = arith.constant 0 : i32
    %c0_i32_1 = arith.constant 0 : i32
    return %c0_i32, %c0_i32_0 : i32, i32
  }
}

</mosaic_0001>

<sc_bundles>
// kernel: kernel.10.cloned.1.call-start
scs
__scs_entry_jumppad:
0x0: {  	(pc) =	sbr.rel $0x88, $3  }
0x1: {  	(tag) =	ssettag $0x0;
	lr =	simm.s32 $0x1  }
0x2: {  	[smem:$0x3F93] =	sst lr;
	_ =	strace $0xD0000000  }
0x3: {  	_ = 	snop  }
0x4: {  	_ = 	snop  }
0x5: {  	_ = 	snop  }
0x6: {  	_ = 	snop  }
0x7: {  	_ = 	snop  }
__scs_overlays_trampoline_lowered:
0x8: {  	[smem:$0x3FA2] =	sst s0  }
0x9: {  	[smem:$0x3FA3] =	sst s1  }
0xa: {  	[smem:$0x3FA4] =	sst s2  }
0xb: {  	[smem:$0x3FA5] =	sst s3  }
0xc: {  	[smem:$0x3FA6] =	sst s4  }
0xd: {  	[smem:$0x3FA7] =	sst s5  }
0xe: {  	[smem:$0x3FA8] =	sst s6  }
0xf: {  	[smem:$0x3FA9] =	sst s7  }
0x10: {  	[smem:$0x3FAA] =	sst s8  }
0x11: {  	[smem:$0x3FAB] =	sst s9;
	s0 =	simm.s32 @!p0 $0x0  }
0x12: {  	s1 =	sld [smem:$0x3F91];
	s0 =	simm.s32 @p0 $0x1  }
0x13: {  	[smem:$0x3FAC] =	sst s0;
	s0 =	simm.s32 @!p1 $0x0  }
0x14: {  	s2 =	sld [smem:$0x3F90];
	s0 =	simm.s32 @p1 $0x1  }
0x15: {  	[smem:$0x3FAD] =	sst s0;
	s0 =	simm.s32 @!p2 $0x0  }
0x16: {  	s3 =	sld [smem:$0x3FDB];
	s0 =	simm.s32 @p2 $0x1  }
0x17: {  	s4 =	simm.s32 $0x1BF5;
	[smem:$0x3FAF] =	sst s0  }
0x18: {  	s0 =	sld [smem:$0x3F92];
	_ =	swait.ge [sflag:s4], $0x0  }
0x19: {  	s7 =	sld [smem:$0x3F93]  }
0x1a: {  	s8 =	sadd.s32 $0xFFFFE003, lr  }
0x1b: {  	s9 =	sadd.s32 $0xFFFFFEF7, lr;
	s5 =	simm.s32 $0xFFFFFFFF;
	p2 =	slt.u32 s8, $0xFFFFF086  }
0x1c: {  	p1 =	slt.u32 s9, $0xF7A;
	s5 =	simm.s32 @!p2 $0x0  }
0x1d: {  	s5 =	simm.s32 @p1 $0x1;
	p0 =	seq.s32 s7, s2  }
0x1e: {  	s7 =	smul.u32 @!p0 $0xF7A, s2;
	p2 =	seq.s32 @!p0 s5, $0x0  }
0x1f: {  	s9 =	smul.u32 $0xF7A, s1;
	s8 =	simm.s32 @!p0 $0x1BF5;
	p2 =	por !p2, p0  }
0x20: {  	[sflag:s8] =	ssyncset.s32 @!p0 $0xFFFFF086;
	s6 =	sadd.s32 @!p0 s3, s7;
	s7 =	simm.s32 @!p0 $0x108  }
0x21: {  	s3 =	sadd.s32 s3, s9;
	s6 =	sadd.s32 @!p0 $0x88, s6;
	s7 =	simm.s32 @p2 $0x1082  }
0x22: {  	[simem:s7], [sflag:s8] =	dma.local @!p0 [hbm:s6], $0xF7A  }
0x23: {  	s9 =	sor.u32 $0xD0000000, s2;
	s6 =	simm.s32 $0x108;
	_ =	swait.ge @!p0 [sflag:s8], $0x0  }
0x24: {  	s3 =	sadd.s32 $0x88, s3;
	s6 =	simm.s32 @!p1 $0x1082;
	[sflag:s4] =	ssyncset.s32 $0xFFFFF086  }
0x25: {  	[simem:s6], [sflag:s4] =	dma.local [hbm:s3], $0xF7A  }
0x26: {  	[smem:$0x3F93] =	sst s1;
	(tag) =	ssettag s2;
	_ =	strace s9  }
0x27: {  	s1 =	sld [smem:$0x3FA3]  }
0x28: {  	s2 =	sld [smem:$0x3FA4]  }
0x29: {  	s4 =	sld [smem:$0x3FA6]  }
0x2a: {  	p0 =	seq.s32 s5, $0x0;
	s5 =	sld [smem:$0x3FA7]  }
0x2b: {  	s6 =	sld [smem:$0x3FA8]  }
0x2c: {  	s7 =	sld [smem:$0x3FA9]  }
0x2d: {  	s3 =	simm.s32 $0x108;
	s8 =	sld [smem:$0x3FAA]  }
0x2e: {  	s3 =	simm.s32 @!p0 $0x1082;
	s9 =	sld [smem:$0x3FAB]  }
0x2f: {  	lr =	sadd.s32 s0, s3;
	s0 =	sld [smem:$0x3FA2]  }
0x30: {  	s3 =	sld [smem:$0x3FA5]  }
0x31: {  	[smem:$0x3FAE] =	sst s10  }
0x32: {  	s10 =	sld [smem:$0x3FAC];
	_ =	sdelay $0x3  }
0x33: {  	p0 =	seq.s32 s10, $0x1;
	s10 =	sld [smem:$0x3FAE];
	_ =	sdelay $0x3  }
0x34: {  	[smem:$0x3FAE] =	sst s10  }
0x35: {  	s10 =	sld [smem:$0x3FAD];
	_ =	sdelay $0x3  }
0x36: {  	p1 =	seq.s32 s10, $0x1;
	s10 =	sld [smem:$0x3FAE];
	_ =	sdelay $0x3  }
0x37: {  	[smem:$0x3FAE] =	sst s10  }
0x38: {  	s10 =	sld [smem:$0x3FAF]  }
0x39: {  	_ = 	snop;
	(pc) =	sbr.ind lr, $3  }
0x3a: {  	_ = 	snop  }
0x3b: {  	_ = 	snop  }
0x3c: {  	p2 =	seq.s32 s10, $0x1;
	s10 =	sld [smem:$0x3FAE]  }
0x3d: {  	_ =	shalt  }
0x3e: {  	_ =	shalt  }
0x3f: {  	_ =	shalt  }
0x40: {  	_ =	shalt  }
0x41: {  	_ =	shalt  }
0x42: {  	_ =	shalt  }
0x43: {  	_ =	shalt  }
0x44: {  	_ =	shalt  }
0x45: {  	_ =	shalt  }
0x46: {  	_ =	shalt  }
0x47: {  	_ =	shalt  }
0x48: {  	_ =	shalt  }
0x49: {  	_ =	shalt  }
0x4a: {  	_ =	shalt  }
0x4b: {  	_ =	shalt  }
0x4c: {  	_ =	shalt  }
0x4d: {  	_ =	shalt  }
0x4e: {  	_ =	shalt  }
0x4f: {  	_ =	shalt  }
0x50: {  	_ =	shalt  }
0x51: {  	_ =	shalt  }
0x52: {  	_ =	shalt  }
0x53: {  	_ =	shalt  }
0x54: {  	_ =	shalt  }
0x55: {  	_ =	shalt  }
0x56: {  	_ =	shalt  }
0x57: {  	_ =	shalt  }
0x58: {  	_ =	shalt  }
0x59: {  	_ =	shalt  }
0x5a: {  	_ =	shalt  }
0x5b: {  	_ =	shalt  }
0x5c: {  	_ =	shalt  }
0x5d: {  	_ =	shalt  }
0x5e: {  	_ =	shalt  }
0x5f: {  	_ =	shalt  }
0x60: {  	_ =	shalt  }
0x61: {  	_ =	shalt  }
0x62: {  	_ =	shalt  }
0x63: {  	_ =	shalt  }
0x64: {  	_ =	shalt  }
0x65: {  	_ =	shalt  }
0x66: {  	_ =	shalt  }
0x67: {  	_ =	shalt  }
0x68: {  	_ =	shalt  }
0x69: {  	_ =	shalt  }
0x6a: {  	_ =	shalt  }
0x6b: {  	_ =	shalt  }
0x6c: {  	_ =	shalt  }
0x6d: {  	_ =	shalt  }
0x6e: {  	_ =	shalt  }
0x6f: {  	_ =	shalt  }
0x70: {  	_ =	shalt  }
0x71: {  	_ =	shalt  }
0x72: {  	_ =	shalt  }
0x73: {  	_ =	shalt  }
0x74: {  	_ =	shalt  }
0x75: {  	_ =	shalt  }
0x76: {  	_ =	shalt  }
0x77: {  	_ =	shalt  }
0x78: {  	_ =	shalt  }
0x79: {  	_ =	shalt  }
0x7a: {  	_ =	shalt  }
0x7b: {  	_ =	shalt  }
0x7c: {  	_ =	shalt  }
0x7d: {  	_ =	shalt  }
0x7e: {  	_ =	shalt  }
0x7f: {  	_ =	shalt  }
0x80: {  	_ =	shalt  }
0x81: {  	_ =	shalt  }
0x82: {  	_ =	shalt  }
0x83: {  	_ =	shalt  }
0x84: {  	_ =	shalt  }
0x85: {  	_ =	shalt  }
0x86: {  	_ =	shalt  }
0x87: {  	_ =	shalt  }
.Lfunc_end0:
.L_simem_size_0:
called_computation_lowered:
.L_overlay_start_0:
0x88: {  	s2 =	sld [smem:$0x3FD9]  }
0x89: {  	s3 =	sld [smem:$0x3FFE];
	_ =	sdelay $0x1  }
0x8a: {  	s1 =	srdreg.scid  }
0x8b: {  	s0 =	sand.u32 $0x1, s1  }
0x8c: {  	s16 =	sshll.u32 s0, $0xA;
	s2 =	sadd.s32 s3, s2  }
0x8d: {  	s2 =	sadd.s32 s2, s16  }
0x8e: {  	[smem:$0x3FBA] =	sst s2  }
0x8f: {  	_ = 	snop  }
0x90: {  	(tm) =	ssettm $0x1  }
0x91: {  	s17 =	sld [smem:$0x3FFB];
	_ =	sdelay $0x3  }
0x92: {  	_ =	strace s17  }
0x93: {  	s2 =	sld [smem:$0x3FFC];
	_ =	sdelay $0x3  }
0x94: {  	_ =	strace s2  }
0x95: {  	s2 =	sld [smem:$0x3FFD];
	_ =	sdelay $0x3  }
0x96: {  	_ =	strace s2  }
0x97: {  	_ =	strace $0x8FFFFFFF  }
0x98: {  	s18 =	sld [smem:$0x3FDB];
	_ =	sdelay $0x1  }
0x99: {  	s19 =	simm.s32 $_scs_section_size  }
0x9a: {  	s4 =	simm.s32 $_size__tile_overlayer_lowered;
	s5 =	simm.s32 $_tile_overlayer_lowered  }
0x9b: {  	s22 =	simm.s32 $0x1BFF;
	s21 =	sshll.u32 s5, $0x1;
	s2 =	sadd.s32 s19, s18  }
0x9c: {  	s6 =	simm.s32 $0x0;
	s20 =	sshll.u32 s4, $0x1;
	s4 =	sadd.s32 s21, s2  }
0x9d: {  	[timem:s6], [sflag:s22] =	dma.local [hbm:s4], s20  }
0x9e: {  	_ =	swait.ge [sflag:s22], s20  }
0x9f: {  	s3 =	ssub.s32 $0x0, s20;
	[sflag:s22] =	ssyncset.done $0x0  }
0xa0: {  	[sflag:s22] =	ssyncadd.s32 s3;
	_ =	sdelay $0x1  }
0xa1: {  	s23 =	simm.s32 $0x1B8B  }
0xa2: {  	_ =	swait.ge [sflag:s23], $0x1  }
0xa3: {  	[sflag:s23] =	ssyncset.done $0x0  }
0xa4: {  	s25 =	simm.s32 $0x1B8E;
	s24 =	sld [smem:$0x3FFE];
	[sflag:s23] =	ssyncadd.s32 $0xFFFFFFFF  }
0xa5: {  	s26 =	simm.s32 $execute0_lowered;
	[smem:$0x3FD2] =	sst s25  }
0xa6: {  	s4 =	sshll.u32 s26, $0x1;
	_ =	strace $0x80000046;
	[dreg:$0x1] =	wrdreg $0xFFFFFFFF  }
0xa7: {  	s28 =	simm.s32 $_size_execute0_lowered;
	s2 =	sadd.s32 s2, s4;
	[dreg:$0x0] =	wrdreg $0x0  }
0xa8: {  	s4 =	sshll.u32 s28, $0x1;
	[dreg:$0x2] =	wrdreg s2  }
0xa9: {  	[dreg:$0x3] =	wrdreg s4  }
0xaa: {  	[dreg:$0x4] =	wrdreg $0xC0  }
0xab: {  	_ =	task [dreg:s6], $0x5FFFF  }
0xac: {  	[dreg:$0x1] =	wrdreg $0xFFFFFFFF  }
0xad: {  	[dreg:$0x0] =	wrdreg $0x60  }
0xae: {  	[dreg:$0x2] =	wrdreg s24  }
0xaf: {  	[dreg:$0x3] =	wrdreg $0x54000  }
0xb0: {  	[dreg:$0x4] =	wrdreg $0x9  }
0xb1: {  	_ =	task.clear_ibuf [dreg:s6], $0x5FFFF;
	_ =	strace $0x90000046  }
0xb2: {  	s29 =	simm.s32 $0x9;
	_ =	strace $0x80000048  }
0xb3: {  	_ =	swait.ge [sflag:s29], $0x1  }
0xb4: {  	[sflag:s29] =	ssyncadd.s32 $0xFFFFFFFF  }
0xb5: {  	_ =	strace $0x90000048  }
0xb6: {  	_ =	sfence  }
0xb7: {  	s30 =	sld [smem:$0x0];
	_ =	sdelay $0x2  }
0xb8: {  	s31 =	sshll.u32 s1, $0xD;
	s1 =	sshrl.u32 s1, $0x2  }
0xb9: {  	s3 =	sand.u32 $0x4000, s31;
	s1 =	sadd.s32 s1, s30  }
0xba: {  	s0 =	sor.u32 s3, s0;
	s1 =	sshll.u32 s1, $0x11  }
0xbb: {  	s0 =	sor.u32 s1, s0  }
0xbc: {  	s0 =	sadd.s32 $0x8F2B, s0  }
0xbd: {  	[sflag:s0] =	ssyncadd.remote.s32 $0x1  }
0xbe: {  	_ =	sfence.sel $0xFFFF  }
0xbf: {  	[dreg:$0x0] =	wrdreg $0xFFFFFFFF;
	(pc) =	sbr.abs _section_cstart, $3  }
0xc0: {  	[dreg:$0x1] =	wrdreg $0xFFFFFFFF  }
0xc1: {  	_ =	task.clear_ibuf [dreg:s6], $0x2FFFF;
	_ =	strace $0x9FFFFFFF  }
0xc2: {  	(tm) =	ssettm $0x7FFFFFFF  }
0xc3: {  	_ =	shalt  }
tec
execute0_lowered:
.L_overlay_start_1:
0x0: {  	(tag) =	ssettag $0x1  }
0x1: {  	s0 =	srdreg.scid;
	s6 =	rddreg [dreg:$0x0]  }
0x2: {  	s8 =	stileid.u32;
	s2 =	rddreg [dreg:$0x1]  }
0x3: {  	s3 =	simm.s32 $0x0;
	s14 =	simm.s32 $0x1400;
	s15 =	simm.s32 $0x2  }
0x4: {  	s16 =	simm.s32 $0x80;
	s28 =	simm.s32 $0xE00;
	s29 =	simm.s32 $0xE80  }
0x5: {  	s30 =	simm.s32 $0xF00;
	s31 =	simm.s32 $0xF80;
	s17 =	simm.s32 $0x1100  }
0x6: {  	s18 =	simm.s32 $0x1180;
	s19 =	simm.s32 $0x1200;
	s20 =	simm.s32 $0x1280  }
0x7: {  	s21 =	simm.s32 $0x1300;
	s22 =	simm.s32 $0x1380;
	s23 =	simm.s32 $0x1  }
0x8: {  	s24 =	simm.s32 $0x0;
	s0 =	sand.u32 $0x1, s0;
	[smem:$0x7FF] =	sst s3  }
0x9: {  	s7 =	smul.u32 $0x14000, s8;
	s4 =	sadd.s32 $0xD000, s6;
	s1 =	sshll.u32 s0, $0x4  }
0xa: {  	s5 =	smul.u32 $0x140000, s0;
	_ =	strace $0x80000047;
	s0 =	ssub.s32 $0x2, s0  }
0xb: {  	s1 =	sor.u32 s8, s1;
	s8 =	smul.u32 $0x50000, s8;
	s9 =	sshrl.u32 s0, $0x1  }
0xc: {  	s1 =	smul.u32 $0x280, s1;
	s7 =	sadd.s32 s7, s5;
	s5 =	sadd.s32 $0xD800, s6  }
0xd: {  	s0 =	ssub.s32 s0, s9;
	s7 =	sshrl.u32 s7, $0x3;
	s26 =	sshrl.u32 s8, $0x2  }
0xe: {  	s9 =	smax.u32 s0, $0x1;
	s0 =	simm.s32 $0x1080;
	s1 =	sadd.s32 s1, s6  }
0xf: {  	s10 =	sadd.s32 s7, s6;
	s6 =	sadd.s32 s26, s2;
	s7 =	sadd.s32 $0x8000, s1  }
0x10: {  	s8 =	sadd.s32 $0xE000, s10;
	s10 =	sadd.s32 $0x4000, s6;
	s11 =	sadd.s32 $0x8000, s6  }
0x11: {  	s12 =	sadd.s32 $0xC000, s6;
	s13 =	sadd.s32 $0x10000, s6;
	s1 =	simm.s32 $0x1000  }
.LBB2_1:
0x12: {  	[tilespmem:s14], [sflag:$0x2] =	stream.linear.gather [hbm4b:s4+s3], $0x4000, $0x38;
	[tilespmem:$0x19400] =	vst v63  }
0x13: {  	_ =	swait.ge [sflag:s15], $0x4000  }
0x14: {  	[sflag:s15] =	ssyncset.done $0x0  }
0x15: {  	[sflag:s15] =	ssyncadd.s32 $0xFFFFC000  }
0x16: {  	[spmem:s6] =	stream.linear.scatter [tilespmem:s14], [sflag:$0x2], $0x4000, $0x38;
	[tilespmem:$0x19400] =	vst v63  }
0x17: {  	_ =	swait.ge [sflag:s15], $0x4000  }
0x18: {  	[sflag:s15] =	ssyncset.done $0x0  }
0x19: {  	[sflag:s15] =	ssyncadd.s32 $0xFFFFC000  }
0x1a: {  	[spmem:s10] =	stream.linear.scatter [tilespmem:s14], [sflag:$0x2], $0x4000, $0x38;
	[tilespmem:$0x19400] =	vst v63  }
0x1b: {  	_ =	swait.ge [sflag:s15], $0x4000  }
0x1c: {  	[sflag:s15] =	ssyncset.done $0x0  }
0x1d: {  	[sflag:s15] =	ssyncadd.s32 $0xFFFFC000  }
0x1e: {  	[spmem:s11] =	stream.linear.scatter [tilespmem:s14], [sflag:$0x2], $0x4000, $0x38;
	[tilespmem:$0x19400] =	vst v63  }
0x1f: {  	_ =	swait.ge [sflag:s15], $0x4000  }
0x20: {  	[sflag:s15] =	ssyncset.done $0x0  }
0x21: {  	[sflag:s15] =	ssyncadd.s32 $0xFFFFC000  }
0x22: {  	[spmem:s12] =	stream.linear.scatter [tilespmem:s14], [sflag:$0x2], $0x4000, $0x38;
	[tilespmem:$0x19400] =	vst v63  }
0x23: {  	_ =	swait.ge [sflag:s15], $0x4000  }
0x24: {  	[sflag:s15] =	ssyncset.done $0x0  }
0x25: {  	[sflag:s15] =	ssyncadd.s32 $0xFFFFC000  }
0x26: {  	[spmem:s13] =	stream.linear.scatter [tilespmem:s14], [sflag:$0x2], $0x4000, $0x38;
	[tilespmem:$0x19400] =	vst v63  }
0x27: {  	_ =	swait.ge [sflag:s15], $0x4000  }
0x28: {  	[sflag:s15] =	ssyncset.done $0x0  }
0x29: {  	[sflag:s15] =	ssyncadd.s32 $0xFFFFC000  }
0x2a: {  	[tilespmem:s14], [sflag:$0x2] =	stream.linear.gather [hbm4b:s5+s3], $0x4000, $0x38;
	[tilespmem:$0x19400] =	vst v63  }
0x2b: {  	_ =	swait.ge [sflag:s15], $0x4000  }
0x2c: {  	[sflag:s15] =	ssyncset.done $0x0  }
0x2d: {  	[sflag:s15] =	ssyncadd.s32 $0xFFFFC000  }
0x2e: {  	[tilespmem:s3], [sflag:$0x2] =	stream.linear.gather [hbm4b:s7+s3], $0x1400, $0x38;
	[tilespmem:$0x19400] =	vst v63  }
0x2f: {  	_ =	swait.ge [sflag:s15], $0x1400  }
0x30: {  	[sflag:s15] =	ssyncset.done $0x0  }
0x31: {  	[sflag:s15] =	ssyncadd.s32 $0xFFFFEC00  }
0x32: {  	[bflag:$0x0] =	sbarrier.arrive $0xFFFF  }
0x33: {  	[spmem:s2] =	stream.indirect.scatter.add.f32 [tilespmem:s14], [sflag:$0x1], $0x80, s3, s16, $0xb8;
	[tilespmem:$0x19400] =	vst v63  }
0x34: {  	_ = 	snop  }
0x35: {  	[spmem:s2] =	stream.indirect.scatter.add.f32 [tilespmem:s14], [sflag:$0x1], $0x80, s16, s16, $0xb8;
	[tilespmem:$0x19400] =	vst v63  }
0x36: {  	s25 =	simm.s32 $0x100  }
0x37: {  	[spmem:s2] =	stream.indirect.scatter.add.f32 [tilespmem:s14], [sflag:$0x1], $0x80, s25, s16, $0xb8;
	[tilespmem:$0x19400] =	vst v63  }
0x38: {  	s26 =	simm.s32 $0x180  }
0x39: {  	[spmem:s2] =	stream.indirect.scatter.add.f32 [tilespmem:s14], [sflag:$0x1], $0x80, s26, s16, $0xb8;
	[tilespmem:$0x19400] =	vst v63  }
0x3a: {  	s26 =	simm.s32 $0x200  }
0x3b: {  	[spmem:s2] =	stream.indirect.scatter.add.f32 [tilespmem:s14], [sflag:$0x1], $0x80, s26, s16, $0xb8;
	[tilespmem:$0x19400] =	vst v63  }
0x3c: {  	s26 =	simm.s32 $0x280  }
0x3d: {  	[spmem:s2] =	stream.indirect.scatter.add.f32 [tilespmem:s14], [sflag:$0x1], $0x80, s26, s16, $0xb8;
	[tilespmem:$0x19400] =	vst v63  }
0x3e: {  	s26 =	simm.s32 $0x300  }
0x3f: {  	[spmem:s2] =	stream.indirect.scatter.add.f32 [tilespmem:s14], [sflag:$0x1], $0x80, s26, s16, $0xb8;
	[tilespmem:$0x19400] =	vst v63  }
0x40: {  	s26 =	simm.s32 $0x380  }
0x41: {  	[spmem:s2] =	stream.indirect.scatter.add.f32 [tilespmem:s14], [sflag:$0x1], $0x80, s26, s16, $0xb8;
	[tilespmem:$0x19400] =	vst v63  }
0x42: {  	s26 =	simm.s32 $0x400  }
0x43: {  	[spmem:s2] =	stream.indirect.scatter.add.f32 [tilespmem:s14], [sflag:$0x1], $0x80, s26, s16, $0xb8;
	[tilespmem:$0x19400] =	vst v63  }
0x44: {  	s26 =	simm.s32 $0x480  }
0x45: {  	[spmem:s2] =	stream.indirect.scatter.add.f32 [tilespmem:s14], [sflag:$0x1], $0x80, s26, s16, $0xb8;
	[tilespmem:$0x19400] =	vst v63  }
0x46: {  	s26 =	simm.s32 $0x500  }
0x47: {  	[spmem:s2] =	stream.indirect.scatter.add.f32 [tilespmem:s14], [sflag:$0x1], $0x80, s26, s16, $0xb8;
	[tilespmem:$0x19400] =	vst v63  }
0x48: {  	s26 =	simm.s32 $0x580  }
0x49: {  	[spmem:s2] =	stream.indirect.scatter.add.f32 [tilespmem:s14], [sflag:$0x1], $0x80, s26, s16, $0xb8;
	[tilespmem:$0x19400] =	vst v63  }
0x4a: {  	s26 =	simm.s32 $0x600  }
0x4b: {  	[spmem:s2] =	stream.indirect.scatter.add.f32 [tilespmem:s14], [sflag:$0x1], $0x80, s26, s16, $0xb8;
	[tilespmem:$0x19400] =	vst v63  }
0x4c: {  	s26 =	simm.s32 $0x680  }
0x4d: {  	[spmem:s2] =	stream.indirect.scatter.add.f32 [tilespmem:s14], [sflag:$0x1], $0x80, s26, s16, $0xb8;
	[tilespmem:$0x19400] =	vst v63  }
0x4e: {  	s26 =	simm.s32 $0x700  }
0x4f: {  	[spmem:s2] =	stream.indirect.scatter.add.f32 [tilespmem:s14], [sflag:$0x1], $0x80, s26, s16, $0xb8;
	[tilespmem:$0x19400] =	vst v63  }
0x50: {  	s26 =	simm.s32 $0x780  }
0x51: {  	[spmem:s2] =	stream.indirect.scatter.add.f32 [tilespmem:s14], [sflag:$0x1], $0x80, s26, s16, $0xb8;
	[tilespmem:$0x19400] =	vst v63  }
0x52: {  	s26 =	simm.s32 $0x800  }
0x53: {  	[spmem:s2] =	stream.indirect.scatter.add.f32 [tilespmem:s14], [sflag:$0x1], $0x80, s26, s16, $0xb8;
	[tilespmem:$0x19400] =	vst v63  }
0x54: {  	s26 =	simm.s32 $0x880  }
0x55: {  	[spmem:s2] =	stream.indirect.scatter.add.f32 [tilespmem:s14], [sflag:$0x1], $0x80, s26, s16, $0xb8;
	[tilespmem:$0x19400] =	vst v63  }
0x56: {  	s26 =	simm.s32 $0x900  }
0x57: {  	[spmem:s2] =	stream.indirect.scatter.add.f32 [tilespmem:s14], [sflag:$0x1], $0x80, s26, s16, $0xb8;
	[tilespmem:$0x19400] =	vst v63  }
0x58: {  	s26 =	simm.s32 $0x980  }
0x59: {  	[spmem:s2] =	stream.indirect.scatter.add.f32 [tilespmem:s14], [sflag:$0x1], $0x80, s26, s16, $0xb8;
	[tilespmem:$0x19400] =	vst v63  }
0x5a: {  	s26 =	simm.s32 $0xA00  }
0x5b: {  	[spmem:s2] =	stream.indirect.scatter.add.f32 [tilespmem:s14], [sflag:$0x1], $0x80, s26, s16, $0xb8;
	[tilespmem:$0x19400] =	vst v63  }
0x5c: {  	s26 =	simm.s32 $0xA80  }
0x5d: {  	[spmem:s2] =	stream.indirect.scatter.add.f32 [tilespmem:s14], [sflag:$0x1], $0x80, s26, s16, $0xb8;
	[tilespmem:$0x19400] =	vst v63  }
0x5e: {  	s26 =	simm.s32 $0xB00  }
0x5f: {  	[spmem:s2] =	stream.indirect.scatter.add.f32 [tilespmem:s14], [sflag:$0x1], $0x80, s26, s16, $0xb8;
	[tilespmem:$0x19400] =	vst v63  }
0x60: {  	s26 =	simm.s32 $0xB80  }
0x61: {  	[spmem:s2] =	stream.indirect.scatter.add.f32 [tilespmem:s14], [sflag:$0x1], $0x80, s26, s16, $0xb8;
	[tilespmem:$0x19400] =	vst v63  }
0x62: {  	s26 =	simm.s32 $0xC00  }
0x63: {  	[spmem:s2] =	stream.indirect.scatter.add.f32 [tilespmem:s14], [sflag:$0x1], $0x80, s26, s16, $0xb8;
	[tilespmem:$0x19400] =	vst v63  }
0x64: {  	s26 =	simm.s32 $0xC80  }
0x65: {  	[spmem:s2] =	stream.indirect.scatter.add.f32 [tilespmem:s14], [sflag:$0x1], $0x80, s26, s16, $0xb8;
	[tilespmem:$0x19400] =	vst v63  }
0x66: {  	s26 =	simm.s32 $0xD00  }
0x67: {  	[spmem:s2] =	stream.indirect.scatter.add.f32 [tilespmem:s14], [sflag:$0x1], $0x80, s26, s16, $0xb8;
	[tilespmem:$0x19400] =	vst v63  }
0x68: {  	s26 =	simm.s32 $0xD80  }
0x69: {  	[spmem:s2] =	stream.indirect.scatter.add.f32 [tilespmem:s14], [sflag:$0x1], $0x80, s26, s16, $0xb8;
	[tilespmem:$0x19400] =	vst v63  }
0x6a: {  	_ = 	snop  }
0x6b: {  	[spmem:s2] =	stream.indirect.scatter.add.f32 [tilespmem:s14], [sflag:$0x1], $0x80, s28, s16, $0xb8;
	[tilespmem:$0x19400] =	vst v63  }
0x6c: {  	_ = 	snop  }
0x6d: {  	[spmem:s2] =	stream.indirect.scatter.add.f32 [tilespmem:s14], [sflag:$0x1], $0x80, s29, s16, $0xb8;
	[tilespmem:$0x19400] =	vst v63  }
0x6e: {  	_ = 	snop  }
0x6f: {  	[spmem:s2] =	stream.indirect.scatter.add.f32 [tilespmem:s14], [sflag:$0x1], $0x80, s30, s16, $0xb8;
	[tilespmem:$0x19400] =	vst v63  }
0x70: {  	_ = 	snop  }
0x71: {  	[spmem:s2] =	stream.indirect.scatter.add.f32 [tilespmem:s14], [sflag:$0x1], $0x80, s31, s16, $0xb8;
	[tilespmem:$0x19400] =	vst v63  }
0x72: {  	_ = 	snop  }
0x73: {  	[spmem:s2] =	stream.indirect.scatter.add.f32 [tilespmem:s14], [sflag:$0x1], $0x80, s1, s16, $0xb8;
	[tilespmem:$0x19400] =	vst v63  }
0x74: {  	_ = 	snop  }
0x75: {  	[spmem:s2] =	stream.indirect.scatter.add.f32 [tilespmem:s14], [sflag:$0x1], $0x80, s0, s16, $0xb8;
	[tilespmem:$0x19400] =	vst v63  }
0x76: {  	_ = 	snop  }
0x77: {  	[spmem:s2] =	stream.indirect.scatter.add.f32 [tilespmem:s14], [sflag:$0x1], $0x80, s17, s16, $0xb8;
	[tilespmem:$0x19400] =	vst v63  }
0x78: {  	_ = 	snop  }
0x79: {  	[spmem:s2] =	stream.indirect.scatter.add.f32 [tilespmem:s14], [sflag:$0x1], $0x80, s18, s16, $0xb8;
	[tilespmem:$0x19400] =	vst v63  }
0x7a: {  	_ = 	snop  }
0x7b: {  	[spmem:s2] =	stream.indirect.scatter.add.f32 [tilespmem:s14], [sflag:$0x1], $0x80, s19, s16, $0xb8;
	[tilespmem:$0x19400] =	vst v63  }
0x7c: {  	_ = 	snop  }
0x7d: {  	[spmem:s2] =	stream.indirect.scatter.add.f32 [tilespmem:s14], [sflag:$0x1], $0x80, s20, s16, $0xb8;
	[tilespmem:$0x19400] =	vst v63  }
0x7e: {  	_ = 	snop  }
0x7f: {  	[spmem:s2] =	stream.indirect.scatter.add.f32 [tilespmem:s14], [sflag:$0x1], $0x80, s21, s16, $0xb8;
	[tilespmem:$0x19400] =	vst v63  }
0x80: {  	_ = 	snop  }
0x81: {  	[spmem:s2] =	stream.indirect.scatter.add.f32 [tilespmem:s14], [sflag:$0x1], $0x80, s22, s16, $0xb8;
	[tilespmem:$0x19400] =	vst v63  }
0x82: {  	_ =	swait.ge [sflag:s23], $0x4000  }
0x83: {  	s25 =	simm.s32 $0x27;
	[sflag:s23] =	ssyncset.done $0x0  }
.LBB2_2:
0x84: {  	p0 =	sne.s32 s25, $0x1;
	s25 =	sadd.s32 $0xFFFFFFFF, s25;
	[sflag:s23] =	ssyncadd.s32 $0xFFFFC000  }
.Ltmp0:
0x85: {  	(pc) =	sbr.rel @p0 .LBB2_2-.Ltmp0, $3  }
0x86: {  	_ =	sdelay $0x1  }
0x87: {  	_ =	swait.ge [sflag:s23], $0x4000  }
0x88: {  	[sflag:s23] =	ssyncset.done $0x0  }
0x89: {  	[sflag:s23] =	ssyncadd.s32 $0xFFFFC000;
	s25 =	stileid.u32;
	s24 =	sadd.s32 $0x1, s24  }
0x8a: {  	s26 =	sshrl.u32 s6, $0x3;
	s25 =	sshll.u32 s25, $0x6;
	p0 =	sne.s32 s24, s9  }
.Ltmp1:
0x8b: {  	[bflag:$0x0] =	sbarrier.arrive $0xFFFF;
	s25 =	sor.u32 $0x1C02, s25;
	(pc) =	sbr.rel @p0 .LBB2_1-.Ltmp1, $4  }
0x8c: {  	[hbm:s8], [sflag:s25] =	dma.local [spmem:s26], $0x2800  }
0x8d: {  	_ =	swait.ge [sflag:s15], $0x2800  }
0x8e: {  	[sflag:s15] =	ssyncset.done $0x0  }
0x8f: {  	[sflag:s15] =	ssyncadd.s32 $0xFFFFD800  }
0x90: {  	_ =	sfence.sel $0x180000  }
0x91: {  	[bflag:$0x0] =	sbarrier.arrive $0xFFFF  }
0x92: {  	_ =	strace $0x90000047  }
0x93: {  	s0 =	stileid.u32;
	[bflag:$0x2] =	sbarrier.arrive $0xFFFF  }
0x94: {  	p0 =	sne.s32 s0, $0x0;
	s0 =	rddreg [dreg:$0x2]  }
0x95: {  	s0 =	sadd.s32 @!p0 $0x100000, s0  }
0x96: {  	[sflag:s0] =	ssyncadd.tile.s32 @!p0 $0x1;
	_ =	shalt  }
.Lfunc_end2:
_tile_overlayer_lowered:
.L_overlay_start_2:
0x97: {  	(tag) =	ssettag $0x2  }
0x98: {  	s0 =	rddreg [dreg:$0x0];
	s2 =	stileid.u32  }
0x99: {  	s1 =	rddreg [dreg:$0x1];
	p0 =	sne.s32 s2, $0x0  }
0x9a: {  	s3 =	rddreg [dreg:$0x2];
	[bflag:$0x3] =	sbarrier.arrive $0xFFFF;
	s2 =	simm.s32 @!p0 $0x1C02  }
0x9b: {  	[timem:s3], [sflag:s2] =	dma.local @!p0 [hbm:s0], s1  }
0x9c: {  	s0 =	simm.s32 @!p0 $0x2  }
0x9d: {  	_ =	swait.ge @!p0 [sflag:s0], s1  }
0x9e: {  	s1 =	ssub.s32 @!p0 $0x0, s1;
	[sflag:s0] =	ssyncset.done @!p0 $0x0  }
0x9f: {  	[sflag:s0] =	ssyncadd.s32 @!p0 s1  }
0xa0: {  	[bflag:$0x3] =	sbarrier.arrive $0xFFFF  }
0xa1: {  	_ =	shalt  }

// kernel: kernel.13.cloned.1.call-start
scs
__scs_entry_jumppad:
0x0: {  	(pc) =	sbr.rel $0x88, $3  }
0x1: {  	(tag) =	ssettag $0x0;
	lr =	simm.s32 $0x1  }
0x2: {  	[smem:$0x3F93] =	sst lr;
	_ =	strace $0xD0000000  }
0x3: {  	_ = 	snop  }
0x4: {  	_ = 	snop  }
0x5: {  	_ = 	snop  }
0x6: {  	_ = 	snop  }
0x7: {  	_ = 	snop  }
__scs_overlays_trampoline_lowered:
0x8: {  	[smem:$0x3FA2] =	sst s0  }
0x9: {  	[smem:$0x3FA3] =	sst s1  }
0xa: {  	[smem:$0x3FA4] =	sst s2  }
0xb: {  	[smem:$0x3FA5] =	sst s3  }
0xc: {  	[smem:$0x3FA6] =	sst s4  }
0xd: {  	[smem:$0x3FA7] =	sst s5  }
0xe: {  	[smem:$0x3FA8] =	sst s6  }
0xf: {  	[smem:$0x3FA9] =	sst s7  }
0x10: {  	[smem:$0x3FAA] =	sst s8  }
0x11: {  	[smem:$0x3FAB] =	sst s9;
	s0 =	simm.s32 @!p0 $0x0  }
0x12: {  	s1 =	sld [smem:$0x3F91];
	s0 =	simm.s32 @p0 $0x1  }
0x13: {  	[smem:$0x3FAC] =	sst s0;
	s0 =	simm.s32 @!p1 $0x0  }
0x14: {  	s2 =	sld [smem:$0x3F90];
	s0 =	simm.s32 @p1 $0x1  }
0x15: {  	[smem:$0x3FAD] =	sst s0;
	s0 =	simm.s32 @!p2 $0x0  }
0x16: {  	s3 =	sld [smem:$0x3FDB];
	s0 =	simm.s32 @p2 $0x1  }
0x17: {  	s4 =	simm.s32 $0x1BF5;
	[smem:$0x3FAF] =	sst s0  }
0x18: {  	s0 =	sld [smem:$0x3F92];
	_ =	swait.ge [sflag:s4], $0x0  }
0x19: {  	s7 =	sld [smem:$0x3F93]  }
0x1a: {  	s8 =	sadd.s32 $0xFFFFE003, lr  }
0x1b: {  	s9 =	sadd.s32 $0xFFFFFEF7, lr;
	s5 =	simm.s32 $0xFFFFFFFF;
	p2 =	slt.u32 s8, $0xFFFFF086  }
0x1c: {  	p1 =	slt.u32 s9, $0xF7A;
	s5 =	simm.s32 @!p2 $0x0  }
0x1d: {  	s5 =	simm.s32 @p1 $0x1;
	p0 =	seq.s32 s7, s2  }
0x1e: {  	s7 =	smul.u32 @!p0 $0xF7A, s2;
	p2 =	seq.s32 @!p0 s5, $0x0  }
0x1f: {  	s9 =	smul.u32 $0xF7A, s1;
	s8 =	simm.s32 @!p0 $0x1BF5;
	p2 =	por !p2, p0  }
0x20: {  	[sflag:s8] =	ssyncset.s32 @!p0 $0xFFFFF086;
	s6 =	sadd.s32 @!p0 s3, s7;
	s7 =	simm.s32 @!p0 $0x108  }
0x21: {  	s3 =	sadd.s32 s3, s9;
	s6 =	sadd.s32 @!p0 $0x88, s6;
	s7 =	simm.s32 @p2 $0x1082  }
0x22: {  	[simem:s7], [sflag:s8] =	dma.local @!p0 [hbm:s6], $0xF7A  }
0x23: {  	s9 =	sor.u32 $0xD0000000, s2;
	s6 =	simm.s32 $0x108;
	_ =	swait.ge @!p0 [sflag:s8], $0x0  }
0x24: {  	s3 =	sadd.s32 $0x88, s3;
	s6 =	simm.s32 @!p1 $0x1082;
	[sflag:s4] =	ssyncset.s32 $0xFFFFF086  }
0x25: {  	[simem:s6], [sflag:s4] =	dma.local [hbm:s3], $0xF7A  }
0x26: {  	[smem:$0x3F93] =	sst s1;
	(tag) =	ssettag s2;
	_ =	strace s9  }
0x27: {  	s1 =	sld [smem:$0x3FA3]  }
0x28: {  	s2 =	sld [smem:$0x3FA4]  }
0x29: {  	s4 =	sld [smem:$0x3FA6]  }
0x2a: {  	p0 =	seq.s32 s5, $0x0;
	s5 =	sld [smem:$0x3FA7]  }
0x2b: {  	s6 =	sld [smem:$0x3FA8]  }
0x2c: {  	s7 =	sld [smem:$0x3FA9]  }
0x2d: {  	s3 =	simm.s32 $0x108;
	s8 =	sld [smem:$0x3FAA]  }
0x2e: {  	s3 =	simm.s32 @!p0 $0x1082;
	s9 =	sld [smem:$0x3FAB]  }
0x2f: {  	lr =	sadd.s32 s0, s3;
	s0 =	sld [smem:$0x3FA2]  }
0x30: {  	s3 =	sld [smem:$0x3FA5]  }
0x31: {  	[smem:$0x3FAE] =	sst s10  }
0x32: {  	s10 =	sld [smem:$0x3FAC];
	_ =	sdelay $0x3  }
0x33: {  	p0 =	seq.s32 s10, $0x1;
	s10 =	sld [smem:$0x3FAE];
	_ =	sdelay $0x3  }
0x34: {  	[smem:$0x3FAE] =	sst s10  }
0x35: {  	s10 =	sld [smem:$0x3FAD];
	_ =	sdelay $0x3  }
0x36: {  	p1 =	seq.s32 s10, $0x1;
	s10 =	sld [smem:$0x3FAE];
	_ =	sdelay $0x3  }
0x37: {  	[smem:$0x3FAE] =	sst s10  }
0x38: {  	s10 =	sld [smem:$0x3FAF]  }
0x39: {  	_ = 	snop;
	(pc) =	sbr.ind lr, $3  }
0x3a: {  	_ = 	snop  }
0x3b: {  	_ = 	snop  }
0x3c: {  	p2 =	seq.s32 s10, $0x1;
	s10 =	sld [smem:$0x3FAE]  }
0x3d: {  	_ =	shalt  }
0x3e: {  	_ =	shalt  }
0x3f: {  	_ =	shalt  }
0x40: {  	_ =	shalt  }
0x41: {  	_ =	shalt  }
0x42: {  	_ =	shalt  }
0x43: {  	_ =	shalt  }
0x44: {  	_ =	shalt  }
0x45: {  	_ =	shalt  }
0x46: {  	_ =	shalt  }
0x47: {  	_ =	shalt  }
0x48: {  	_ =	shalt  }
0x49: {  	_ =	shalt  }
0x4a: {  	_ =	shalt  }
0x4b: {  	_ =	shalt  }
0x4c: {  	_ =	shalt  }
0x4d: {  	_ =	shalt  }
0x4e: {  	_ =	shalt  }
0x4f: {  	_ =	shalt  }
0x50: {  	_ =	shalt  }
0x51: {  	_ =	shalt  }
0x52: {  	_ =	shalt  }
0x53: {  	_ =	shalt  }
0x54: {  	_ =	shalt  }
0x55: {  	_ =	shalt  }
0x56: {  	_ =	shalt  }
0x57: {  	_ =	shalt  }
0x58: {  	_ =	shalt  }
0x59: {  	_ =	shalt  }
0x5a: {  	_ =	shalt  }
0x5b: {  	_ =	shalt  }
0x5c: {  	_ =	shalt  }
0x5d: {  	_ =	shalt  }
0x5e: {  	_ =	shalt  }
0x5f: {  	_ =	shalt  }
0x60: {  	_ =	shalt  }
0x61: {  	_ =	shalt  }
0x62: {  	_ =	shalt  }
0x63: {  	_ =	shalt  }
0x64: {  	_ =	shalt  }
0x65: {  	_ =	shalt  }
0x66: {  	_ =	shalt  }
0x67: {  	_ =	shalt  }
0x68: {  	_ =	shalt  }
0x69: {  	_ =	shalt  }
0x6a: {  	_ =	shalt  }
0x6b: {  	_ =	shalt  }
0x6c: {  	_ =	shalt  }
0x6d: {  	_ =	shalt  }
0x6e: {  	_ =	shalt  }
0x6f: {  	_ =	shalt  }
0x70: {  	_ =	shalt  }
0x71: {  	_ =	shalt  }
0x72: {  	_ =	shalt  }
0x73: {  	_ =	shalt  }
0x74: {  	_ =	shalt  }
0x75: {  	_ =	shalt  }
0x76: {  	_ =	shalt  }
0x77: {  	_ =	shalt  }
0x78: {  	_ =	shalt  }
0x79: {  	_ =	shalt  }
0x7a: {  	_ =	shalt  }
0x7b: {  	_ =	shalt  }
0x7c: {  	_ =	shalt  }
0x7d: {  	_ =	shalt  }
0x7e: {  	_ =	shalt  }
0x7f: {  	_ =	shalt  }
0x80: {  	_ =	shalt  }
0x81: {  	_ =	shalt  }
0x82: {  	_ =	shalt  }
0x83: {  	_ =	shalt  }
0x84: {  	_ =	shalt  }
0x85: {  	_ =	shalt  }
0x86: {  	_ =	shalt  }
0x87: {  	_ =	shalt  }
.Lfunc_end0:
.L_simem_size_0:
called_computation.1_lowered:
.L_overlay_start_0:
0x88: {  	s2 =	sld [smem:$0x3FD9]  }
0x89: {  	s3 =	sld [smem:$0x3FFE];
	_ =	sdelay $0x1  }
0x8a: {  	s1 =	srdreg.scid  }
0x8b: {  	s0 =	sand.u32 $0x1, s1  }
0x8c: {  	s16 =	sshll.u32 s0, $0xA;
	s2 =	sadd.s32 s3, s2  }
0x8d: {  	s2 =	sadd.s32 s2, s16  }
0x8e: {  	[smem:$0x3FBA] =	sst s2  }
0x8f: {  	_ = 	snop  }
0x90: {  	(tm) =	ssettm $0x1  }
0x91: {  	s17 =	sld [smem:$0x3FFB];
	_ =	sdelay $0x3  }
0x92: {  	_ =	strace s17  }
0x93: {  	s2 =	sld [smem:$0x3FFC];
	_ =	sdelay $0x3  }
0x94: {  	_ =	strace s2  }
0x95: {  	s2 =	sld [smem:$0x3FFD];
	_ =	sdelay $0x3  }
0x96: {  	_ =	strace s2  }
0x97: {  	_ =	strace $0x8FFFFFFF  }
0x98: {  	s18 =	sld [smem:$0x3FDB];
	_ =	sdelay $0x1  }
0x99: {  	s19 =	simm.s32 $_scs_section_size  }
0x9a: {  	s4 =	simm.s32 $_size__tile_overlayer_lowered;
	s5 =	simm.s32 $_tile_overlayer_lowered  }
0x9b: {  	s22 =	simm.s32 $0x1BFF;
	s21 =	sshll.u32 s5, $0x1;
	s2 =	sadd.s32 s19, s18  }
0x9c: {  	s6 =	simm.s32 $0x0;
	s20 =	sshll.u32 s4, $0x1;
	s4 =	sadd.s32 s21, s2  }
0x9d: {  	[timem:s6], [sflag:s22] =	dma.local [hbm:s4], s20  }
0x9e: {  	_ =	swait.ge [sflag:s22], s20  }
0x9f: {  	s3 =	ssub.s32 $0x0, s20;
	[sflag:s22] =	ssyncset.done $0x0  }
0xa0: {  	[sflag:s22] =	ssyncadd.s32 s3;
	_ =	sdelay $0x1  }
0xa1: {  	s23 =	simm.s32 $0x1B8B  }
0xa2: {  	_ =	swait.ge [sflag:s23], $0x1  }
0xa3: {  	[sflag:s23] =	ssyncset.done $0x0  }
0xa4: {  	s25 =	simm.s32 $0x1B8E;
	s24 =	sld [smem:$0x3FFE];
	[sflag:s23] =	ssyncadd.s32 $0xFFFFFFFF  }
0xa5: {  	s26 =	simm.s32 $execute0_lowered;
	[smem:$0x3FD2] =	sst s25  }
0xa6: {  	s4 =	sshll.u32 s26, $0x1;
	_ =	strace $0x80000049;
	[dreg:$0x1] =	wrdreg $0xFFFFFFFF  }
0xa7: {  	s28 =	simm.s32 $_size_execute0_lowered;
	s2 =	sadd.s32 s2, s4;
	[dreg:$0x0] =	wrdreg $0x0  }
0xa8: {  	s4 =	sshll.u32 s28, $0x1;
	[dreg:$0x2] =	wrdreg s2  }
0xa9: {  	[dreg:$0x3] =	wrdreg s4  }
0xaa: {  	[dreg:$0x4] =	wrdreg $0xC0  }
0xab: {  	_ =	task [dreg:s6], $0x5FFFF  }
0xac: {  	[dreg:$0x1] =	wrdreg $0xFFFFFFFF  }
0xad: {  	[dreg:$0x0] =	wrdreg $0x60  }
0xae: {  	[dreg:$0x2] =	wrdreg s24  }
0xaf: {  	[dreg:$0x3] =	wrdreg $0xA8000  }
0xb0: {  	[dreg:$0x4] =	wrdreg $0x9  }
0xb1: {  	_ =	task.clear_ibuf [dreg:s6], $0x5FFFF;
	_ =	strace $0x90000049  }
0xb2: {  	s29 =	simm.s32 $0x9;
	_ =	strace $0x8000004F  }
0xb3: {  	_ =	swait.ge [sflag:s29], $0x1  }
0xb4: {  	[sflag:s29] =	ssyncadd.s32 $0xFFFFFFFF  }
0xb5: {  	_ =	strace $0x9000004F  }
0xb6: {  	_ =	sfence  }
0xb7: {  	s30 =	sld [smem:$0x0];
	_ =	sdelay $0x2  }
0xb8: {  	s31 =	sshll.u32 s1, $0xD;
	s1 =	sshrl.u32 s1, $0x2  }
0xb9: {  	s3 =	sand.u32 $0x4000, s31;
	s1 =	sadd.s32 s1, s30  }
0xba: {  	s0 =	sor.u32 s3, s0;
	s1 =	sshll.u32 s1, $0x11  }
0xbb: {  	s0 =	sor.u32 s1, s0  }
0xbc: {  	s0 =	sadd.s32 $0x8F2B, s0  }
0xbd: {  	[sflag:s0] =	ssyncadd.remote.s32 $0x1  }
0xbe: {  	_ =	sfence.sel $0xFFFF  }
0xbf: {  	[dreg:$0x0] =	wrdreg $0xFFFFFFFF;
	(pc) =	sbr.abs _section_cstart, $3  }
0xc0: {  	[dreg:$0x1] =	wrdreg $0xFFFFFFFF  }
0xc1: {  	_ =	task.clear_ibuf [dreg:s6], $0x2FFFF;
	_ =	strace $0x9FFFFFFF  }
0xc2: {  	(tm) =	ssettm $0x7FFFFFFF  }
0xc3: {  	_ =	shalt  }
tec
execute0_lowered:
.L_overlay_start_1:
0x0: {  	(tag) =	ssettag $0x1  }
0x1: {  	s0 =	srdreg.scid;
	s7 =	rddreg [dreg:$0x0]  }
0x2: {  	s2 =	rddreg [dreg:$0x1];
	s3 =	simm.s32 $0x0;
	s15 =	simm.s32 $0x2800  }
0x3: {  	s16 =	simm.s32 $0x3;
	s17 =	simm.s32 $0x1400;
	s18 =	simm.s32 $0x80  }
0x4: {  	s19 =	simm.s32 $0x6800;
	s20 =	simm.s32 $0x1;
	s21 =	simm.s32 $0x2  }
0x5: {  	s22 =	simm.s32 $0x2700;
	s23 =	simm.s32 $0x2780;
	s6 =	sand.u32 $0x1, s0  }
0x6: {  	s26 =	simm.s32 $0x0;
	s0 =	stileid.u32;
	s8 =	smul.u32 $0x140000, s6  }
0x7: {  	[smem:$0x7FF] =	sst s3;
	s5 =	sadd.s32 $0xD000, s7;
	s9 =	smul.u32 $0x14000, s0  }
0x8: {  	s1 =	sshll.u32 s6, $0x4;
	s11 =	smul.u32 $0x50000, s0;
	s6 =	ssub.s32 $0x2, s6  }
0x9: {  	s24 =	sshll.u32 s0, $0x6;
	s4 =	sor.u32 s0, s1;
	s1 =	rddreg [dreg:$0x2]  }
0xa: {  	_ =	strace $0x8000004A;
	s31 =	sshrl.u32 s6, $0x1;
	s24 =	sor.u32 $0x1C03, s24  }
0xb: {  	s4 =	smul.u32 $0x280, s4;
	s8 =	sadd.s32 s9, s8;
	s11 =	sshrl.u32 s11, $0x2  }
0xc: {  	s13 =	ssub.s32 s6, s31;
	s8 =	sshrl.u32 s8, $0x3;
	s6 =	sadd.s32 s11, s2  }
0xd: {  	s10 =	sadd.s32 s4, s7;
	s4 =	sadd.s32 $0x5E000, s7;
	s12 =	sadd.s32 s8, s7  }
0xe: {  	s11 =	sadd.s32 $0x4000, s6;
	s14 =	sadd.s32 $0x10000, s6;
	s25 =	sshrl.u32 s6, $0x3  }
0xf: {  	s7 =	sadd.s32 $0x3000, s10;
	s8 =	sadd.s32 $0x8000, s10;
	s9 =	sadd.s32 $0x85200, s12  }
0x10: {  	s10 =	smax.u32 s13, $0x1;
	s12 =	sadd.s32 $0x8000, s6;
	s13 =	sadd.s32 $0xC000, s6  }
.LBB2_1:
0x11: {  	_ =	strace $0x8000004B  }
0x12: {  	[tilespmem:s15], [sflag:$0x3] =	stream.linear.gather [hbm4b:s5+s3], $0x4000, $0x200038;
	[tilespmem:$0x1E800] =	vst v63  }
0x13: {  	_ =	swait.ge [sflag:s16], $0x4000  }
0x14: {  	[sflag:s16] =	ssyncset.done $0x0  }
0x15: {  	[sflag:s16] =	ssyncadd.s32 $0xFFFFC000  }
0x16: {  	[spmem:s6] =	stream.linear.scatter [tilespmem:s15], [sflag:$0x3], $0x4000, $0x200038;
	[tilespmem:$0x1E800] =	vst v63  }
0x17: {  	_ =	swait.ge [sflag:s16], $0x4000  }
0x18: {  	[sflag:s16] =	ssyncset.done $0x0  }
0x19: {  	[sflag:s16] =	ssyncadd.s32 $0xFFFFC000  }
0x1a: {  	[spmem:s11] =	stream.linear.scatter [tilespmem:s15], [sflag:$0x3], $0x4000, $0x200038;
	[tilespmem:$0x1E800] =	vst v63  }
0x1b: {  	_ =	swait.ge [sflag:s16], $0x4000  }
0x1c: {  	[sflag:s16] =	ssyncset.done $0x0  }
0x1d: {  	[sflag:s16] =	ssyncadd.s32 $0xFFFFC000  }
0x1e: {  	[spmem:s12] =	stream.linear.scatter [tilespmem:s15], [sflag:$0x3], $0x4000, $0x200038;
	[tilespmem:$0x1E800] =	vst v63  }
0x1f: {  	_ =	swait.ge [sflag:s16], $0x4000  }
0x20: {  	[sflag:s16] =	ssyncset.done $0x0  }
0x21: {  	[sflag:s16] =	ssyncadd.s32 $0xFFFFC000  }
0x22: {  	[spmem:s13] =	stream.linear.scatter [tilespmem:s15], [sflag:$0x3], $0x4000, $0x200038;
	[tilespmem:$0x1E800] =	vst v63  }
0x23: {  	_ =	swait.ge [sflag:s16], $0x4000  }
0x24: {  	[sflag:s16] =	ssyncset.done $0x0  }
0x25: {  	[sflag:s16] =	ssyncadd.s32 $0xFFFFC000  }
0x26: {  	[spmem:s14] =	stream.linear.scatter [tilespmem:s15], [sflag:$0x3], $0x4000, $0x200038;
	[tilespmem:$0x1E800] =	vst v63  }
0x27: {  	_ =	swait.ge [sflag:s16], $0x4000  }
0x28: {  	[sflag:s16] =	ssyncset.done $0x0  }
0x29: {  	[sflag:s16] =	ssyncadd.s32 $0xFFFFC000  }
0x2a: {  	_ =	strace $0x9000004B  }
0x2b: {  	_ =	strace $0x8000004C  }
0x2c: {  	[tilespmem:s3], [sflag:$0x3] =	stream.linear.gather [hbm4b:s7+s3], $0x1400, $0x200038;
	[tilespmem:$0x1E800] =	vst v63  }
0x2d: {  	_ =	swait.ge [sflag:s16], $0x1400  }
0x2e: {  	[sflag:s16] =	ssyncset.done $0x0  }
0x2f: {  	[sflag:s16] =	ssyncadd.s32 $0xFFFFEC00  }
0x30: {  	[tilespmem:s17], [sflag:$0x3] =	stream.linear.gather [hbm4b:s8+s3], $0x1400, $0x200038;
	[tilespmem:$0x1E800] =	vst v63  }
0x31: {  	_ =	swait.ge [sflag:s16], $0x1400  }
0x32: {  	[sflag:s16] =	ssyncset.done $0x0  }
0x33: {  	[sflag:s16] =	ssyncadd.s32 $0xFFFFEC00  }
0x34: {  	_ =	strace $0x9000004C  }
0x35: {  	[bflag:$0x0] =	sbarrier.arrive $0xFFFF  }
0x36: {  	_ =	strace $0x8000004D  }
0x37: {  	[tilespmem:s15], [sflag:$0x1] =	stream.indirect.gather [hbm4b:s4+s18], $0x80, s3, s18, $0x2000b8;
	[tilespmem:$0x1E800] =	vst v63  }
0x38: {  	_ = 	snop  }
0x39: {  	[tilespmem:s19], [sflag:$0x2] =	stream.indirect.gather [hbm4b:s4+s18], $0x80, s18, s18, $0x2000b8;
	[tilespmem:$0x1E800] =	vst v63  }
0x3a: {  	_ =	swait.ge [sflag:s20], $0x4000  }
0x3b: {  	[sflag:s20] =	ssyncset.done $0x0  }
0x3c: {  	s28 =	simm.s32 $0x1400;
	[sflag:s20] =	ssyncadd.s32 $0xFFFFC000  }
0x3d: {  	[spmem:s2] =	stream.indirect.scatter.add.f32 [tilespmem:s15], [sflag:$0x3], $0x80, s28, s18, $0x2000b8;
	[tilespmem:$0x1E800] =	vst v63  }
0x3e: {  	_ =	swait.ge [sflag:s16], $0x4000  }
0x3f: {  	[sflag:s16] =	ssyncset.done $0x0  }
0x40: {  	s28 =	simm.s32 $0x100;
	[sflag:s16] =	ssyncadd.s32 $0xFFFFC000  }
0x41: {  	[tilespmem:s15], [sflag:$0x1] =	stream.indirect.gather [hbm4b:s4+s18], $0x80, s28, s18, $0x2000b8;
	[tilespmem:$0x1E800] =	vst v63  }
0x42: {  	_ =	swait.ge [sflag:s21], $0x4000  }
0x43: {  	[sflag:s21] =	ssyncset.done $0x0  }
0x44: {  	s28 =	simm.s32 $0x1480;
	[sflag:s21] =	ssyncadd.s32 $0xFFFFC000  }
0x45: {  	[spmem:s2] =	stream.indirect.scatter.add.f32 [tilespmem:s19], [sflag:$0x3], $0x80, s28, s18, $0x2000b8;
	[tilespmem:$0x1E800] =	vst v63  }
0x46: {  	_ =	swait.ge [sflag:s16], $0x4000  }
0x47: {  	[sflag:s16] =	ssyncset.done $0x0  }
0x48: {  	s29 =	simm.s32 $0x180;
	s28 =	simm.s32 $0x400;
	[sflag:s16] =	ssyncadd.s32 $0xFFFFC000  }
.LBB2_2:
0x49: {  	[tilespmem:s19], [sflag:$0x2] =	stream.indirect.gather [hbm4b:s4+s18], $0x80, s29, s18, $0x2000b8;
	[tilespmem:$0x1E800] =	vst v63  }
0x4a: {  	s29 =	smov.u32 s28  }
0x4b: {  	p0 =	sne.s32 s28, $0x4800;
	s28 =	sadd.s32 $0x400, s28;
	_ =	swait.ge [sflag:s20], $0x4000  }
0x4c: {  	s29 =	sshra.s32 s29, $0x2;
	[sflag:s20] =	ssyncset.done $0x0  }
0x4d: {  	s30 =	sadd.s32 $0x1400, s29;
	[sflag:s20] =	ssyncadd.s32 $0xFFFFC000  }
0x4e: {  	[spmem:s2] =	stream.indirect.scatter.add.f32 [tilespmem:s15], [sflag:$0x3], $0x80, s30, s18, $0x2000b8;
	[tilespmem:$0x1E800] =	vst v63  }
0x4f: {  	_ =	swait.ge [sflag:s16], $0x4000  }
0x50: {  	[sflag:s16] =	ssyncset.done $0x0  }
0x51: {  	s30 =	sadd.s32 $0x100, s29;
	[sflag:s16] =	ssyncadd.s32 $0xFFFFC000  }
0x52: {  	[tilespmem:s15], [sflag:$0x1] =	stream.indirect.gather [hbm4b:s4+s18], $0x80, s30, s18, $0x2000b8;
	[tilespmem:$0x1E800] =	vst v63  }
0x53: {  	_ =	swait.ge [sflag:s21], $0x4000  }
0x54: {  	[sflag:s21] =	ssyncset.done $0x0  }
.Ltmp0:
0x55: {  	s30 =	sadd.s32 $0x1480, s29;
	[sflag:s21] =	ssyncadd.s32 $0xFFFFC000;
	(pc) =	sbr.rel @p0 .LBB2_2-.Ltmp0, $4  }
0x56: {  	[spmem:s2] =	stream.indirect.scatter.add.f32 [tilespmem:s19], [sflag:$0x3], $0x80, s30, s18, $0x2000b8;
	[tilespmem:$0x1E800] =	vst v63  }
0x57: {  	_ =	swait.ge [sflag:s16], $0x4000  }
0x58: {  	[sflag:s16] =	ssyncset.done $0x0  }
0x59: {  	s29 =	sadd.s32 $0x180, s29;
	[sflag:s16] =	ssyncadd.s32 $0xFFFFC000  }
0x5a: {  	[tilespmem:s19], [sflag:$0x2] =	stream.indirect.gather [hbm4b:s4+s18], $0x80, s29, s18, $0x2000b8;
	[tilespmem:$0x1E800] =	vst v63  }
0x5b: {  	_ =	swait.ge [sflag:s20], $0x4000  }
0x5c: {  	[sflag:s20] =	ssyncset.done $0x0  }
0x5d: {  	[sflag:s20] =	ssyncadd.s32 $0xFFFFC000  }
0x5e: {  	[spmem:s2] =	stream.indirect.scatter.add.f32 [tilespmem:s15], [sflag:$0x3], $0x80, s22, s18, $0x2000b8;
	[tilespmem:$0x1E800] =	vst v63  }
0x5f: {  	_ =	swait.ge [sflag:s16], $0x4000  }
0x60: {  	[sflag:s16] =	ssyncset.done $0x0  }
0x61: {  	[sflag:s16] =	ssyncadd.s32 $0xFFFFC000  }
0x62: {  	_ =	swait.ge [sflag:s21], $0x4000  }
0x63: {  	[sflag:s21] =	ssyncset.done $0x0  }
0x64: {  	[sflag:s21] =	ssyncadd.s32 $0xFFFFC000  }
0x65: {  	[spmem:s2] =	stream.indirect.scatter.add.f32 [tilespmem:s19], [sflag:$0x3], $0x80, s23, s18, $0x2000b8;
	[tilespmem:$0x1E800] =	vst v63  }
0x66: {  	_ =	swait.ge [sflag:s16], $0x4000  }
0x67: {  	[sflag:s16] =	ssyncset.done $0x0  }
0x68: {  	[sflag:s16] =	ssyncadd.s32 $0xFFFFC000  }
0x69: {  	_ =	strace $0x9000004D  }
0x6a: {  	s26 =	sadd.s32 $0x1, s26;
	[bflag:$0x0] =	sbarrier.arrive $0xFFFF  }
0x6b: {  	p0 =	sne.s32 s26, s10;
	_ =	strace $0x8000004E  }
0x6c: {  	[hbm:s9], [sflag:s24] =	dma.local [spmem:s25], $0x2800  }
.Ltmp1:
0x6d: {  	_ = 	snop;
	(pc) =	sbr.rel @p0 .LBB2_1-.Ltmp1, $4  }
0x6e: {  	_ =	swait.ge [sflag:s16], $0x2800  }
0x6f: {  	[sflag:s16] =	ssyncset.done $0x0  }
0x70: {  	[sflag:s16] =	ssyncadd.s32 $0xFFFFD800  }
0x71: {  	_ =	strace $0x9000004E  }
0x72: {  	_ =	sfence.sel $0x180000  }
0x73: {  	[bflag:$0x0] =	sbarrier.arrive $0xFFFF  }
0x74: {  	p0 =	sne.s32 s0, $0x0;
	_ =	strace $0x9000004A  }
0x75: {  	s0 =	sadd.s32 @!p0 $0x100000, s1;
	[bflag:$0x2] =	sbarrier.arrive $0xFFFF  }
0x76: {  	[sflag:s0] =	ssyncadd.tile.s32 @!p0 $0x1;
	_ =	shalt  }
.Lfunc_end2:
_tile_overlayer_lowered:
.L_overlay_start_2:
0x77: {  	(tag) =	ssettag $0x2  }
0x78: {  	s0 =	rddreg [dreg:$0x0];
	s2 =	stileid.u32  }
0x79: {  	s1 =	rddreg [dreg:$0x1];
	p0 =	sne.s32 s2, $0x0  }
0x7a: {  	s3 =	rddreg [dreg:$0x2];
	[bflag:$0x3] =	sbarrier.arrive $0xFFFF;
	s2 =	simm.s32 @!p0 $0x1C03  }
0x7b: {  	[timem:s3], [sflag:s2] =	dma.local @!p0 [hbm:s0], s1  }
0x7c: {  	s0 =	simm.s32 @!p0 $0x3  }
0x7d: {  	_ =	swait.ge @!p0 [sflag:s0], s1  }
0x7e: {  	s1 =	ssub.s32 @!p0 $0x0, s1;
	[sflag:s0] =	ssyncset.done @!p0 $0x0  }
0x7f: {  	[sflag:s0] =	ssyncadd.s32 @!p0 s1  }
0x80: {  	[bflag:$0x3] =	sbarrier.arrive $0xFFFF  }
0x81: {  	_ =	shalt  }

// kernel: kernel.16.cloned.1.call-start
scs
__scs_entry_jumppad:
0x0: {  	(pc) =	sbr.rel $0x88, $3  }
0x1: {  	(tag) =	ssettag $0x0;
	lr =	simm.s32 $0x1  }
0x2: {  	[smem:$0x3F93] =	sst lr;
	_ =	strace $0xD0000000  }
0x3: {  	_ = 	snop  }
0x4: {  	_ = 	snop  }
0x5: {  	_ = 	snop  }
0x6: {  	_ = 	snop  }
0x7: {  	_ = 	snop  }
__scs_overlays_trampoline_lowered:
0x8: {  	[smem:$0x3FA2] =	sst s0  }
0x9: {  	[smem:$0x3FA3] =	sst s1  }
0xa: {  	[smem:$0x3FA4] =	sst s2  }
0xb: {  	[smem:$0x3FA5] =	sst s3  }
0xc: {  	[smem:$0x3FA6] =	sst s4  }
0xd: {  	[smem:$0x3FA7] =	sst s5  }
0xe: {  	[smem:$0x3FA8] =	sst s6  }
0xf: {  	[smem:$0x3FA9] =	sst s7  }
0x10: {  	[smem:$0x3FAA] =	sst s8  }
0x11: {  	[smem:$0x3FAB] =	sst s9;
	s0 =	simm.s32 @!p0 $0x0  }
0x12: {  	s1 =	sld [smem:$0x3F91];
	s0 =	simm.s32 @p0 $0x1  }
0x13: {  	[smem:$0x3FAC] =	sst s0;
	s0 =	simm.s32 @!p1 $0x0  }
0x14: {  	s2 =	sld [smem:$0x3F90];
	s0 =	simm.s32 @p1 $0x1  }
0x15: {  	[smem:$0x3FAD] =	sst s0;
	s0 =	simm.s32 @!p2 $0x0  }
0x16: {  	s3 =	sld [smem:$0x3FDB];
	s0 =	simm.s32 @p2 $0x1  }
0x17: {  	s4 =	simm.s32 $0x1BF5;
	[smem:$0x3FAF] =	sst s0  }
0x18: {  	s0 =	sld [smem:$0x3F92];
	_ =	swait.ge [sflag:s4], $0x0  }
0x19: {  	s7 =	sld [smem:$0x3F93]  }
0x1a: {  	s8 =	sadd.s32 $0xFFFFE003, lr  }
0x1b: {  	s9 =	sadd.s32 $0xFFFFFEF7, lr;
	s5 =	simm.s32 $0xFFFFFFFF;
	p2 =	slt.u32 s8, $0xFFFFF086  }
0x1c: {  	p1 =	slt.u32 s9, $0xF7A;
	s5 =	simm.s32 @!p2 $0x0  }
0x1d: {  	s5 =	simm.s32 @p1 $0x1;
	p0 =	seq.s32 s7, s2  }
0x1e: {  	s7 =	smul.u32 @!p0 $0xF7A, s2;
	p2 =	seq.s32 @!p0 s5, $0x0  }
0x1f: {  	s9 =	smul.u32 $0xF7A, s1;
	s8 =	simm.s32 @!p0 $0x1BF5;
	p2 =	por !p2, p0  }
0x20: {  	[sflag:s8] =	ssyncset.s32 @!p0 $0xFFFFF086;
	s6 =	sadd.s32 @!p0 s3, s7;
	s7 =	simm.s32 @!p0 $0x108  }
0x21: {  	s3 =	sadd.s32 s3, s9;
	s6 =	sadd.s32 @!p0 $0x88, s6;
	s7 =	simm.s32 @p2 $0x1082  }
0x22: {  	[simem:s7], [sflag:s8] =	dma.local @!p0 [hbm:s6], $0xF7A  }
0x23: {  	s9 =	sor.u32 $0xD0000000, s2;
	s6 =	simm.s32 $0x108;
	_ =	swait.ge @!p0 [sflag:s8], $0x0  }
0x24: {  	s3 =	sadd.s32 $0x88, s3;
	s6 =	simm.s32 @!p1 $0x1082;
	[sflag:s4] =	ssyncset.s32 $0xFFFFF086  }
0x25: {  	[simem:s6], [sflag:s4] =	dma.local [hbm:s3], $0xF7A  }
0x26: {  	[smem:$0x3F93] =	sst s1;
	(tag) =	ssettag s2;
	_ =	strace s9  }
0x27: {  	s1 =	sld [smem:$0x3FA3]  }
0x28: {  	s2 =	sld [smem:$0x3FA4]  }
0x29: {  	s4 =	sld [smem:$0x3FA6]  }
0x2a: {  	p0 =	seq.s32 s5, $0x0;
	s5 =	sld [smem:$0x3FA7]  }
0x2b: {  	s6 =	sld [smem:$0x3FA8]  }
0x2c: {  	s7 =	sld [smem:$0x3FA9]  }
0x2d: {  	s3 =	simm.s32 $0x108;
	s8 =	sld [smem:$0x3FAA]  }
0x2e: {  	s3 =	simm.s32 @!p0 $0x1082;
	s9 =	sld [smem:$0x3FAB]  }
0x2f: {  	lr =	sadd.s32 s0, s3;
	s0 =	sld [smem:$0x3FA2]  }
0x30: {  	s3 =	sld [smem:$0x3FA5]  }
0x31: {  	[smem:$0x3FAE] =	sst s10  }
0x32: {  	s10 =	sld [smem:$0x3FAC];
	_ =	sdelay $0x3  }
0x33: {  	p0 =	seq.s32 s10, $0x1;
	s10 =	sld [smem:$0x3FAE];
	_ =	sdelay $0x3  }
0x34: {  	[smem:$0x3FAE] =	sst s10  }
0x35: {  	s10 =	sld [smem:$0x3FAD];
	_ =	sdelay $0x3  }
0x36: {  	p1 =	seq.s32 s10, $0x1;
	s10 =	sld [smem:$0x3FAE];
	_ =	sdelay $0x3  }
0x37: {  	[smem:$0x3FAE] =	sst s10  }
0x38: {  	s10 =	sld [smem:$0x3FAF]  }
0x39: {  	_ = 	snop;
	(pc) =	sbr.ind lr, $3  }
0x3a: {  	_ = 	snop  }
0x3b: {  	_ = 	snop  }
0x3c: {  	p2 =	seq.s32 s10, $0x1;
	s10 =	sld [smem:$0x3FAE]  }
0x3d: {  	_ =	shalt  }
0x3e: {  	_ =	shalt  }
0x3f: {  	_ =	shalt  }
0x40: {  	_ =	shalt  }
0x41: {  	_ =	shalt  }
0x42: {  	_ =	shalt  }
0x43: {  	_ =	shalt  }
0x44: {  	_ =	shalt  }
0x45: {  	_ =	shalt  }
0x46: {  	_ =	shalt  }
0x47: {  	_ =	shalt  }
0x48: {  	_ =	shalt  }
0x49: {  	_ =	shalt  }
0x4a: {  	_ =	shalt  }
0x4b: {  	_ =	shalt  }
0x4c: {  	_ =	shalt  }
0x4d: {  	_ =	shalt  }
0x4e: {  	_ =	shalt  }
0x4f: {  	_ =	shalt  }
0x50: {  	_ =	shalt  }
0x51: {  	_ =	shalt  }
0x52: {  	_ =	shalt  }
0x53: {  	_ =	shalt  }
0x54: {  	_ =	shalt  }
0x55: {  	_ =	shalt  }
0x56: {  	_ =	shalt  }
0x57: {  	_ =	shalt  }
0x58: {  	_ =	shalt  }
0x59: {  	_ =	shalt  }
0x5a: {  	_ =	shalt  }
0x5b: {  	_ =	shalt  }
0x5c: {  	_ =	shalt  }
0x5d: {  	_ =	shalt  }
0x5e: {  	_ =	shalt  }
0x5f: {  	_ =	shalt  }
0x60: {  	_ =	shalt  }
0x61: {  	_ =	shalt  }
0x62: {  	_ =	shalt  }
0x63: {  	_ =	shalt  }
0x64: {  	_ =	shalt  }
0x65: {  	_ =	shalt  }
0x66: {  	_ =	shalt  }
0x67: {  	_ =	shalt  }
0x68: {  	_ =	shalt  }
0x69: {  	_ =	shalt  }
0x6a: {  	_ =	shalt  }
0x6b: {  	_ =	shalt  }
0x6c: {  	_ =	shalt  }
0x6d: {  	_ =	shalt  }
0x6e: {  	_ =	shalt  }
0x6f: {  	_ =	shalt  }
0x70: {  	_ =	shalt  }
0x71: {  	_ =	shalt  }
0x72: {  	_ =	shalt  }
0x73: {  	_ =	shalt  }
0x74: {  	_ =	shalt  }
0x75: {  	_ =	shalt  }
0x76: {  	_ =	shalt  }
0x77: {  	_ =	shalt  }
0x78: {  	_ =	shalt  }
0x79: {  	_ =	shalt  }
0x7a: {  	_ =	shalt  }
0x7b: {  	_ =	shalt  }
0x7c: {  	_ =	shalt  }
0x7d: {  	_ =	shalt  }
0x7e: {  	_ =	shalt  }
0x7f: {  	_ =	shalt  }
0x80: {  	_ =	shalt  }
0x81: {  	_ =	shalt  }
0x82: {  	_ =	shalt  }
0x83: {  	_ =	shalt  }
0x84: {  	_ =	shalt  }
0x85: {  	_ =	shalt  }
0x86: {  	_ =	shalt  }
0x87: {  	_ =	shalt  }
.Lfunc_end0:
.L_simem_size_0:
called_computation.2_lowered:
.L_overlay_start_0:
0x88: {  	s2 =	sld [smem:$0x3FD9]  }
0x89: {  	s3 =	sld [smem:$0x3FFE];
	_ =	sdelay $0x1  }
0x8a: {  	s1 =	srdreg.scid  }
0x8b: {  	s0 =	sand.u32 $0x1, s1  }
0x8c: {  	s16 =	sshll.u32 s0, $0xA;
	s2 =	sadd.s32 s3, s2  }
0x8d: {  	s2 =	sadd.s32 s2, s16  }
0x8e: {  	[smem:$0x3FBA] =	sst s2  }
0x8f: {  	_ = 	snop  }
0x90: {  	(tm) =	ssettm $0x1  }
0x91: {  	s17 =	sld [smem:$0x3FFB];
	_ =	sdelay $0x3  }
0x92: {  	_ =	strace s17  }
0x93: {  	s2 =	sld [smem:$0x3FFC];
	_ =	sdelay $0x3  }
0x94: {  	_ =	strace s2  }
0x95: {  	s2 =	sld [smem:$0x3FFD];
	_ =	sdelay $0x3  }
0x96: {  	_ =	strace s2  }
0x97: {  	_ =	strace $0x8FFFFFFF  }
0x98: {  	s18 =	sld [smem:$0x3FDB];
	_ =	sdelay $0x1  }
0x99: {  	s19 =	simm.s32 $_scs_section_size  }
0x9a: {  	s4 =	simm.s32 $_size__tile_overlayer_lowered;
	s5 =	simm.s32 $_tile_overlayer_lowered  }
0x9b: {  	s22 =	simm.s32 $0x1BFF;
	s21 =	sshll.u32 s5, $0x1;
	s2 =	sadd.s32 s19, s18  }
0x9c: {  	s6 =	simm.s32 $0x0;
	s20 =	sshll.u32 s4, $0x1;
	s4 =	sadd.s32 s21, s2  }
0x9d: {  	[timem:s6], [sflag:s22] =	dma.local [hbm:s4], s20  }
0x9e: {  	_ =	swait.ge [sflag:s22], s20  }
0x9f: {  	s3 =	ssub.s32 $0x0, s20;
	[sflag:s22] =	ssyncset.done $0x0  }
0xa0: {  	[sflag:s22] =	ssyncadd.s32 s3;
	_ =	sdelay $0x1  }
0xa1: {  	s23 =	simm.s32 $0x1B8B  }
0xa2: {  	_ =	swait.ge [sflag:s23], $0x1  }
0xa3: {  	[sflag:s23] =	ssyncset.done $0x0  }
0xa4: {  	s25 =	simm.s32 $0x1B8E;
	s24 =	sld [smem:$0x3FFE];
	[sflag:s23] =	ssyncadd.s32 $0xFFFFFFFF  }
0xa5: {  	s26 =	simm.s32 $execute0_lowered;
	[smem:$0x3FD2] =	sst s25  }
0xa6: {  	s4 =	sshll.u32 s26, $0x1;
	_ =	strace $0x80000050;
	[dreg:$0x1] =	wrdreg $0xFFFFFFFF  }
0xa7: {  	s28 =	simm.s32 $_size_execute0_lowered;
	s2 =	sadd.s32 s2, s4;
	[dreg:$0x0] =	wrdreg $0x0  }
0xa8: {  	s4 =	sshll.u32 s28, $0x1;
	[dreg:$0x2] =	wrdreg s2  }
0xa9: {  	[dreg:$0x3] =	wrdreg s4  }
0xaa: {  	[dreg:$0x4] =	wrdreg $0xC0  }
0xab: {  	_ =	task [dreg:s6], $0x5FFFF  }
0xac: {  	[dreg:$0x1] =	wrdreg $0xFFFFFFFF  }
0xad: {  	[dreg:$0x0] =	wrdreg $0x60  }
0xae: {  	[dreg:$0x2] =	wrdreg s24  }
0xaf: {  	[dreg:$0x3] =	wrdreg $0xA8000  }
0xb0: {  	[dreg:$0x4] =	wrdreg $0x9  }
0xb1: {  	_ =	task.clear_ibuf [dreg:s6], $0x5FFFF;
	_ =	strace $0x90000050  }
0xb2: {  	s29 =	simm.s32 $0x9;
	_ =	strace $0x80000056  }
0xb3: {  	_ =	swait.ge [sflag:s29], $0x1  }
0xb4: {  	[sflag:s29] =	ssyncadd.s32 $0xFFFFFFFF  }
0xb5: {  	_ =	strace $0x90000056  }
0xb6: {  	_ =	sfence  }
0xb7: {  	s30 =	sld [smem:$0x0];
	_ =	sdelay $0x2  }
0xb8: {  	s31 =	sshll.u32 s1, $0xD;
	s1 =	sshrl.u32 s1, $0x2  }
0xb9: {  	s3 =	sand.u32 $0x4000, s31;
	s1 =	sadd.s32 s1, s30  }
0xba: {  	s0 =	sor.u32 s3, s0;
	s1 =	sshll.u32 s1, $0x11  }
0xbb: {  	s0 =	sor.u32 s1, s0  }
0xbc: {  	s0 =	sadd.s32 $0x8F2B, s0  }
0xbd: {  	[sflag:s0] =	ssyncadd.remote.s32 $0x1  }
0xbe: {  	_ =	sfence.sel $0xFFFF  }
0xbf: {  	[dreg:$0x0] =	wrdreg $0xFFFFFFFF;
	(pc) =	sbr.abs _section_cstart, $3  }
0xc0: {  	[dreg:$0x1] =	wrdreg $0xFFFFFFFF  }
0xc1: {  	_ =	task.clear_ibuf [dreg:s6], $0x2FFFF;
	_ =	strace $0x9FFFFFFF  }
0xc2: {  	(tm) =	ssettm $0x7FFFFFFF  }
0xc3: {  	_ =	shalt  }
tec
execute0_lowered:
.L_overlay_start_1:
0x0: {  	(tag) =	ssettag $0x1  }
0x1: {  	s0 =	srdreg.scid;
	s7 =	rddreg [dreg:$0x0]  }
0x2: {  	s2 =	rddreg [dreg:$0x1];
	s3 =	simm.s32 $0x0;
	s15 =	simm.s32 $0x2800  }
0x3: {  	s16 =	simm.s32 $0x3;
	s17 =	simm.s32 $0x1400;
	s18 =	simm.s32 $0x80  }
0x4: {  	s19 =	simm.s32 $0x6800;
	s20 =	simm.s32 $0x1;
	s21 =	simm.s32 $0x2  }
0x5: {  	s22 =	simm.s32 $0x2700;
	s23 =	simm.s32 $0x2780;
	s6 =	sand.u32 $0x1, s0  }
0x6: {  	s26 =	simm.s32 $0x0;
	s0 =	stileid.u32;
	s8 =	smul.u32 $0x140000, s6  }
0x7: {  	[smem:$0x7FF] =	sst s3;
	s5 =	sadd.s32 $0xD000, s7;
	s9 =	smul.u32 $0x14000, s0  }
0x8: {  	s1 =	sshll.u32 s6, $0x4;
	s11 =	smul.u32 $0x50000, s0;
	s6 =	ssub.s32 $0x2, s6  }
0x9: {  	s24 =	sshll.u32 s0, $0x6;
	s4 =	sor.u32 s0, s1;
	s1 =	rddreg [dreg:$0x2]  }
0xa: {  	_ =	strace $0x80000051;
	s31 =	sshrl.u32 s6, $0x1;
	s24 =	sor.u32 $0x1C03, s24  }
0xb: {  	s4 =	smul.u32 $0x280, s4;
	s8 =	sadd.s32 s9, s8;
	s11 =	sshrl.u32 s11, $0x2  }
0xc: {  	s13 =	ssub.s32 s6, s31;
	s8 =	sshrl.u32 s8, $0x3;
	s6 =	sadd.s32 s11, s2  }
0xd: {  	s10 =	sadd.s32 s4, s7;
	s4 =	sadd.s32 $0x5E000, s7;
	s12 =	sadd.s32 s8, s7  }
0xe: {  	s11 =	sadd.s32 $0x4000, s6;
	s14 =	sadd.s32 $0x10000, s6;
	s25 =	sshrl.u32 s6, $0x3  }
0xf: {  	s7 =	sadd.s32 $0x3000, s10;
	s8 =	sadd.s32 $0x8000, s10;
	s9 =	sadd.s32 $0x85200, s12  }
0x10: {  	s10 =	smax.u32 s13, $0x1;
	s12 =	sadd.s32 $0x8000, s6;
	s13 =	sadd.s32 $0xC000, s6  }
.LBB2_1:
0x11: {  	_ =	strace $0x80000052  }
0x12: {  	[tilespmem:s15], [sflag:$0x3] =	stream.linear.gather [hbm4b:s5+s3], $0x4000, $0x200038;
	[tilespmem:$0x1E800] =	vst v63  }
0x13: {  	_ =	swait.ge [sflag:s16], $0x4000  }
0x14: {  	[sflag:s16] =	ssyncset.done $0x0  }
0x15: {  	[sflag:s16] =	ssyncadd.s32 $0xFFFFC000  }
0x16: {  	[spmem:s6] =	stream.linear.scatter [tilespmem:s15], [sflag:$0x3], $0x4000, $0x200038;
	[tilespmem:$0x1E800] =	vst v63  }
0x17: {  	_ =	swait.ge [sflag:s16], $0x4000  }
0x18: {  	[sflag:s16] =	ssyncset.done $0x0  }
0x19: {  	[sflag:s16] =	ssyncadd.s32 $0xFFFFC000  }
0x1a: {  	[spmem:s11] =	stream.linear.scatter [tilespmem:s15], [sflag:$0x3], $0x4000, $0x200038;
	[tilespmem:$0x1E800] =	vst v63  }
0x1b: {  	_ =	swait.ge [sflag:s16], $0x4000  }
0x1c: {  	[sflag:s16] =	ssyncset.done $0x0  }
0x1d: {  	[sflag:s16] =	ssyncadd.s32 $0xFFFFC000  }
0x1e: {  	[spmem:s12] =	stream.linear.scatter [tilespmem:s15], [sflag:$0x3], $0x4000, $0x200038;
	[tilespmem:$0x1E800] =	vst v63  }
0x1f: {  	_ =	swait.ge [sflag:s16], $0x4000  }
0x20: {  	[sflag:s16] =	ssyncset.done $0x0  }
0x21: {  	[sflag:s16] =	ssyncadd.s32 $0xFFFFC000  }
0x22: {  	[spmem:s13] =	stream.linear.scatter [tilespmem:s15], [sflag:$0x3], $0x4000, $0x200038;
	[tilespmem:$0x1E800] =	vst v63  }
0x23: {  	_ =	swait.ge [sflag:s16], $0x4000  }
0x24: {  	[sflag:s16] =	ssyncset.done $0x0  }
0x25: {  	[sflag:s16] =	ssyncadd.s32 $0xFFFFC000  }
0x26: {  	[spmem:s14] =	stream.linear.scatter [tilespmem:s15], [sflag:$0x3], $0x4000, $0x200038;
	[tilespmem:$0x1E800] =	vst v63  }
0x27: {  	_ =	swait.ge [sflag:s16], $0x4000  }
0x28: {  	[sflag:s16] =	ssyncset.done $0x0  }
0x29: {  	[sflag:s16] =	ssyncadd.s32 $0xFFFFC000  }
0x2a: {  	_ =	strace $0x90000052  }
0x2b: {  	_ =	strace $0x80000053  }
0x2c: {  	[tilespmem:s3], [sflag:$0x3] =	stream.linear.gather [hbm4b:s7+s3], $0x1400, $0x200038;
	[tilespmem:$0x1E800] =	vst v63  }
0x2d: {  	_ =	swait.ge [sflag:s16], $0x1400  }
0x2e: {  	[sflag:s16] =	ssyncset.done $0x0  }
0x2f: {  	[sflag:s16] =	ssyncadd.s32 $0xFFFFEC00  }
0x30: {  	[tilespmem:s17], [sflag:$0x3] =	stream.linear.gather [hbm4b:s8+s3], $0x1400, $0x200038;
	[tilespmem:$0x1E800] =	vst v63  }
0x31: {  	_ =	swait.ge [sflag:s16], $0x1400  }
0x32: {  	[sflag:s16] =	ssyncset.done $0x0  }
0x33: {  	[sflag:s16] =	ssyncadd.s32 $0xFFFFEC00  }
0x34: {  	_ =	strace $0x90000053  }
0x35: {  	[bflag:$0x0] =	sbarrier.arrive $0xFFFF  }
0x36: {  	_ =	strace $0x80000054  }
0x37: {  	[tilespmem:s15], [sflag:$0x1] =	stream.indirect.gather [hbm4b:s4+s18], $0x80, s3, s18, $0x2000b8;
	[tilespmem:$0x1E800] =	vst v63  }
0x38: {  	_ = 	snop  }
0x39: {  	[tilespmem:s19], [sflag:$0x2] =	stream.indirect.gather [hbm4b:s4+s18], $0x80, s18, s18, $0x2000b8;
	[tilespmem:$0x1E800] =	vst v63  }
0x3a: {  	_ =	swait.ge [sflag:s20], $0x4000  }
0x3b: {  	[sflag:s20] =	ssyncset.done $0x0  }
0x3c: {  	s28 =	simm.s32 $0x1400;
	[sflag:s20] =	ssyncadd.s32 $0xFFFFC000  }
0x3d: {  	[spmem:s2] =	stream.indirect.scatter.add.f32 [tilespmem:s15], [sflag:$0x3], $0x80, s28, s18, $0x2000b8;
	[tilespmem:$0x1E800] =	vst v63  }
0x3e: {  	_ =	swait.ge [sflag:s16], $0x4000  }
0x3f: {  	[sflag:s16] =	ssyncset.done $0x0  }
0x40: {  	s28 =	simm.s32 $0x100;
	[sflag:s16] =	ssyncadd.s32 $0xFFFFC000  }
0x41: {  	[tilespmem:s15], [sflag:$0x1] =	stream.indirect.gather [hbm4b:s4+s18], $0x80, s28, s18, $0x2000b8;
	[tilespmem:$0x1E800] =	vst v63  }
0x42: {  	_ =	swait.ge [sflag:s21], $0x4000  }
0x43: {  	[sflag:s21] =	ssyncset.done $0x0  }
0x44: {  	s28 =	simm.s32 $0x1480;
	[sflag:s21] =	ssyncadd.s32 $0xFFFFC000  }
0x45: {  	[spmem:s2] =	stream.indirect.scatter.add.f32 [tilespmem:s19], [sflag:$0x3], $0x80, s28, s18, $0x2000b8;
	[tilespmem:$0x1E800] =	vst v63  }
0x46: {  	_ =	swait.ge [sflag:s16], $0x4000  }
0x47: {  	[sflag:s16] =	ssyncset.done $0x0  }
0x48: {  	s29 =	simm.s32 $0x180;
	s28 =	simm.s32 $0x400;
	[sflag:s16] =	ssyncadd.s32 $0xFFFFC000  }
.LBB2_2:
0x49: {  	[tilespmem:s19], [sflag:$0x2] =	stream.indirect.gather [hbm4b:s4+s18], $0x80, s29, s18, $0x2000b8;
	[tilespmem:$0x1E800] =	vst v63  }
0x4a: {  	s29 =	smov.u32 s28  }
0x4b: {  	p0 =	sne.s32 s28, $0x4800;
	s28 =	sadd.s32 $0x400, s28;
	_ =	swait.ge [sflag:s20], $0x4000  }
0x4c: {  	s29 =	sshra.s32 s29, $0x2;
	[sflag:s20] =	ssyncset.done $0x0  }
0x4d: {  	s30 =	sadd.s32 $0x1400, s29;
	[sflag:s20] =	ssyncadd.s32 $0xFFFFC000  }
0x4e: {  	[spmem:s2] =	stream.indirect.scatter.add.f32 [tilespmem:s15], [sflag:$0x3], $0x80, s30, s18, $0x2000b8;
	[tilespmem:$0x1E800] =	vst v63  }
0x4f: {  	_ =	swait.ge [sflag:s16], $0x4000  }
0x50: {  	[sflag:s16] =	ssyncset.done $0x0  }
0x51: {  	s30 =	sadd.s32 $0x100, s29;
	[sflag:s16] =	ssyncadd.s32 $0xFFFFC000  }
0x52: {  	[tilespmem:s15], [sflag:$0x1] =	stream.indirect.gather [hbm4b:s4+s18], $0x80, s30, s18, $0x2000b8;
	[tilespmem:$0x1E800] =	vst v63  }
0x53: {  	_ =	swait.ge [sflag:s21], $0x4000  }
0x54: {  	[sflag:s21] =	ssyncset.done $0x0  }
.Ltmp0:
0x55: {  	s30 =	sadd.s32 $0x1480, s29;
	[sflag:s21] =	ssyncadd.s32 $0xFFFFC000;
	(pc) =	sbr.rel @p0 .LBB2_2-.Ltmp0, $4  }
0x56: {  	[spmem:s2] =	stream.indirect.scatter.add.f32 [tilespmem:s19], [sflag:$0x3], $0x80, s30, s18, $0x2000b8;
	[tilespmem:$0x1E800] =	vst v63  }
0x57: {  	_ =	swait.ge [sflag:s16], $0x4000  }
0x58: {  	[sflag:s16] =	ssyncset.done $0x0  }
0x59: {  	s29 =	sadd.s32 $0x180, s29;
	[sflag:s16] =	ssyncadd.s32 $0xFFFFC000  }
0x5a: {  	[tilespmem:s19], [sflag:$0x2] =	stream.indirect.gather [hbm4b:s4+s18], $0x80, s29, s18, $0x2000b8;
	[tilespmem:$0x1E800] =	vst v63  }
0x5b: {  	_ =	swait.ge [sflag:s20], $0x4000  }
0x5c: {  	[sflag:s20] =	ssyncset.done $0x0  }
0x5d: {  	[sflag:s20] =	ssyncadd.s32 $0xFFFFC000  }
0x5e: {  	[spmem:s2] =	stream.indirect.scatter.add.f32 [tilespmem:s15], [sflag:$0x3], $0x80, s22, s18, $0x2000b8;
	[tilespmem:$0x1E800] =	vst v63  }
0x5f: {  	_ =	swait.ge [sflag:s16], $0x4000  }
0x60: {  	[sflag:s16] =	ssyncset.done $0x0  }
0x61: {  	[sflag:s16] =	ssyncadd.s32 $0xFFFFC000  }
0x62: {  	_ =	swait.ge [sflag:s21], $0x4000  }
0x63: {  	[sflag:s21] =	ssyncset.done $0x0  }
0x64: {  	[sflag:s21] =	ssyncadd.s32 $0xFFFFC000  }
0x65: {  	[spmem:s2] =	stream.indirect.scatter.add.f32 [tilespmem:s19], [sflag:$0x3], $0x80, s23, s18, $0x2000b8;
	[tilespmem:$0x1E800] =	vst v63  }
0x66: {  	_ =	swait.ge [sflag:s16], $0x4000  }
0x67: {  	[sflag:s16] =	ssyncset.done $0x0  }
0x68: {  	[sflag:s16] =	ssyncadd.s32 $0xFFFFC000  }
0x69: {  	_ =	strace $0x90000054  }
0x6a: {  	s26 =	sadd.s32 $0x1, s26;
	[bflag:$0x0] =	sbarrier.arrive $0xFFFF  }
0x6b: {  	p0 =	sne.s32 s26, s10;
	_ =	strace $0x80000055  }
0x6c: {  	[hbm:s9], [sflag:s24] =	dma.local [spmem:s25], $0x2800  }
.Ltmp1:
0x6d: {  	_ = 	snop;
	(pc) =	sbr.rel @p0 .LBB2_1-.Ltmp1, $4  }
0x6e: {  	_ =	swait.ge [sflag:s16], $0x2800  }
0x6f: {  	[sflag:s16] =	ssyncset.done $0x0  }
0x70: {  	[sflag:s16] =	ssyncadd.s32 $0xFFFFD800  }
0x71: {  	_ =	strace $0x90000055  }
0x72: {  	_ =	sfence.sel $0x180000  }
0x73: {  	[bflag:$0x0] =	sbarrier.arrive $0xFFFF  }
0x74: {  	p0 =	sne.s32 s0, $0x0;
	_ =	strace $0x90000051  }
0x75: {  	s0 =	sadd.s32 @!p0 $0x100000, s1;
	[bflag:$0x2] =	sbarrier.arrive $0xFFFF  }
0x76: {  	[sflag:s0] =	ssyncadd.tile.s32 @!p0 $0x1;
	_ =	shalt  }
.Lfunc_end2:
_tile_overlayer_lowered:
.L_overlay_start_2:
0x77: {  	(tag) =	ssettag $0x2  }
0x78: {  	s0 =	rddreg [dreg:$0x0];
	s2 =	stileid.u32  }
0x79: {  	s1 =	rddreg [dreg:$0x1];
	p0 =	sne.s32 s2, $0x0  }
0x7a: {  	s3 =	rddreg [dreg:$0x2];
	[bflag:$0x3] =	sbarrier.arrive $0xFFFF;
	s2 =	simm.s32 @!p0 $0x1C03  }
0x7b: {  	[timem:s3], [sflag:s2] =	dma.local @!p0 [hbm:s0], s1  }
0x7c: {  	s0 =	simm.s32 @!p0 $0x3  }
0x7d: {  	_ =	swait.ge @!p0 [sflag:s0], s1  }
0x7e: {  	s1 =	ssub.s32 @!p0 $0x0, s1;
	[sflag:s0] =	ssyncset.done @!p0 $0x0  }
0x7f: {  	[sflag:s0] =	ssyncadd.s32 @!p0 s1  }
0x80: {  	[bflag:$0x3] =	sbarrier.arrive $0xFFFF  }
0x81: {  	_ =	shalt  }

// kernel: kernel.19.cloned.1.call-start
scs
__scs_entry_jumppad:
0x0: {  	(pc) =	sbr.rel $0x88, $3  }
0x1: {  	(tag) =	ssettag $0x0;
	lr =	simm.s32 $0x1  }
0x2: {  	[smem:$0x3F93] =	sst lr;
	_ =	strace $0xD0000000  }
0x3: {  	_ = 	snop  }
0x4: {  	_ = 	snop  }
0x5: {  	_ = 	snop  }
0x6: {  	_ = 	snop  }
0x7: {  	_ = 	snop  }
__scs_overlays_trampoline_lowered:
0x8: {  	[smem:$0x3FA2] =	sst s0  }
0x9: {  	[smem:$0x3FA3] =	sst s1  }
0xa: {  	[smem:$0x3FA4] =	sst s2  }
0xb: {  	[smem:$0x3FA5] =	sst s3  }
0xc: {  	[smem:$0x3FA6] =	sst s4  }
0xd: {  	[smem:$0x3FA7] =	sst s5  }
0xe: {  	[smem:$0x3FA8] =	sst s6  }
0xf: {  	[smem:$0x3FA9] =	sst s7  }
0x10: {  	[smem:$0x3FAA] =	sst s8  }
0x11: {  	[smem:$0x3FAB] =	sst s9;
	s0 =	simm.s32 @!p0 $0x0  }
0x12: {  	s1 =	sld [smem:$0x3F91];
	s0 =	simm.s32 @p0 $0x1  }
0x13: {  	[smem:$0x3FAC] =	sst s0;
	s0 =	simm.s32 @!p1 $0x0  }
0x14: {  	s2 =	sld [smem:$0x3F90];
	s0 =	simm.s32 @p1 $0x1  }
0x15: {  	[smem:$0x3FAD] =	sst s0;
	s0 =	simm.s32 @!p2 $0x0  }
0x16: {  	s3 =	sld [smem:$0x3FDB];
	s0 =	simm.s32 @p2 $0x1  }
0x17: {  	s4 =	simm.s32 $0x1BF5;
	[smem:$0x3FAF] =	sst s0  }
0x18: {  	s0 =	sld [smem:$0x3F92];
	_ =	swait.ge [sflag:s4], $0x0  }
0x19: {  	s7 =	sld [smem:$0x3F93]  }
0x1a: {  	s8 =	sadd.s32 $0xFFFFE003, lr  }
0x1b: {  	s9 =	sadd.s32 $0xFFFFFEF7, lr;
	s5 =	simm.s32 $0xFFFFFFFF;
	p2 =	slt.u32 s8, $0xFFFFF086  }
0x1c: {  	p1 =	slt.u32 s9, $0xF7A;
	s5 =	simm.s32 @!p2 $0x0  }
0x1d: {  	s5 =	simm.s32 @p1 $0x1;
	p0 =	seq.s32 s7, s2  }
0x1e: {  	s7 =	smul.u32 @!p0 $0xF7A, s2;
	p2 =	seq.s32 @!p0 s5, $0x0  }
0x1f: {  	s9 =	smul.u32 $0xF7A, s1;
	s8 =	simm.s32 @!p0 $0x1BF5;
	p2 =	por !p2, p0  }
0x20: {  	[sflag:s8] =	ssyncset.s32 @!p0 $0xFFFFF086;
	s6 =	sadd.s32 @!p0 s3, s7;
	s7 =	simm.s32 @!p0 $0x108  }
0x21: {  	s3 =	sadd.s32 s3, s9;
	s6 =	sadd.s32 @!p0 $0x88, s6;
	s7 =	simm.s32 @p2 $0x1082  }
0x22: {  	[simem:s7], [sflag:s8] =	dma.local @!p0 [hbm:s6], $0xF7A  }
0x23: {  	s9 =	sor.u32 $0xD0000000, s2;
	s6 =	simm.s32 $0x108;
	_ =	swait.ge @!p0 [sflag:s8], $0x0  }
0x24: {  	s3 =	sadd.s32 $0x88, s3;
	s6 =	simm.s32 @!p1 $0x1082;
	[sflag:s4] =	ssyncset.s32 $0xFFFFF086  }
0x25: {  	[simem:s6], [sflag:s4] =	dma.local [hbm:s3], $0xF7A  }
0x26: {  	[smem:$0x3F93] =	sst s1;
	(tag) =	ssettag s2;
	_ =	strace s9  }
0x27: {  	s1 =	sld [smem:$0x3FA3]  }
0x28: {  	s2 =	sld [smem:$0x3FA4]  }
0x29: {  	s4 =	sld [smem:$0x3FA6]  }
0x2a: {  	p0 =	seq.s32 s5, $0x0;
	s5 =	sld [smem:$0x3FA7]  }
0x2b: {  	s6 =	sld [smem:$0x3FA8]  }
0x2c: {  	s7 =	sld [smem:$0x3FA9]  }
0x2d: {  	s3 =	simm.s32 $0x108;
	s8 =	sld [smem:$0x3FAA]  }
0x2e: {  	s3 =	simm.s32 @!p0 $0x1082;
	s9 =	sld [smem:$0x3FAB]  }
0x2f: {  	lr =	sadd.s32 s0, s3;
	s0 =	sld [smem:$0x3FA2]  }
0x30: {  	s3 =	sld [smem:$0x3FA5]  }
0x31: {  	[smem:$0x3FAE] =	sst s10  }
0x32: {  	s10 =	sld [smem:$0x3FAC];
	_ =	sdelay $0x3  }
0x33: {  	p0 =	seq.s32 s10, $0x1;
	s10 =	sld [smem:$0x3FAE];
	_ =	sdelay $0x3  }
0x34: {  	[smem:$0x3FAE] =	sst s10  }
0x35: {  	s10 =	sld [smem:$0x3FAD];
	_ =	sdelay $0x3  }
0x36: {  	p1 =	seq.s32 s10, $0x1;
	s10 =	sld [smem:$0x3FAE];
	_ =	sdelay $0x3  }
0x37: {  	[smem:$0x3FAE] =	sst s10  }
0x38: {  	s10 =	sld [smem:$0x3FAF]  }
0x39: {  	_ = 	snop;
	(pc) =	sbr.ind lr, $3  }
0x3a: {  	_ = 	snop  }
0x3b: {  	_ = 	snop  }
0x3c: {  	p2 =	seq.s32 s10, $0x1;
	s10 =	sld [smem:$0x3FAE]  }
0x3d: {  	_ =	shalt  }
0x3e: {  	_ =	shalt  }
0x3f: {  	_ =	shalt  }
0x40: {  	_ =	shalt  }
0x41: {  	_ =	shalt  }
0x42: {  	_ =	shalt  }
0x43: {  	_ =	shalt  }
0x44: {  	_ =	shalt  }
0x45: {  	_ =	shalt  }
0x46: {  	_ =	shalt  }
0x47: {  	_ =	shalt  }
0x48: {  	_ =	shalt  }
0x49: {  	_ =	shalt  }
0x4a: {  	_ =	shalt  }
0x4b: {  	_ =	shalt  }
0x4c: {  	_ =	shalt  }
0x4d: {  	_ =	shalt  }
0x4e: {  	_ =	shalt  }
0x4f: {  	_ =	shalt  }
0x50: {  	_ =	shalt  }
0x51: {  	_ =	shalt  }
0x52: {  	_ =	shalt  }
0x53: {  	_ =	shalt  }
0x54: {  	_ =	shalt  }
0x55: {  	_ =	shalt  }
0x56: {  	_ =	shalt  }
0x57: {  	_ =	shalt  }
0x58: {  	_ =	shalt  }
0x59: {  	_ =	shalt  }
0x5a: {  	_ =	shalt  }
0x5b: {  	_ =	shalt  }
0x5c: {  	_ =	shalt  }
0x5d: {  	_ =	shalt  }
0x5e: {  	_ =	shalt  }
0x5f: {  	_ =	shalt  }
0x60: {  	_ =	shalt  }
0x61: {  	_ =	shalt  }
0x62: {  	_ =	shalt  }
0x63: {  	_ =	shalt  }
0x64: {  	_ =	shalt  }
0x65: {  	_ =	shalt  }
0x66: {  	_ =	shalt  }
0x67: {  	_ =	shalt  }
0x68: {  	_ =	shalt  }
0x69: {  	_ =	shalt  }
0x6a: {  	_ =	shalt  }
0x6b: {  	_ =	shalt  }
0x6c: {  	_ =	shalt  }
0x6d: {  	_ =	shalt  }
0x6e: {  	_ =	shalt  }
0x6f: {  	_ =	shalt  }
0x70: {  	_ =	shalt  }
0x71: {  	_ =	shalt  }
0x72: {  	_ =	shalt  }
0x73: {  	_ =	shalt  }
0x74: {  	_ =	shalt  }
0x75: {  	_ =	shalt  }
0x76: {  	_ =	shalt  }
0x77: {  	_ =	shalt  }
0x78: {  	_ =	shalt  }
0x79: {  	_ =	shalt  }
0x7a: {  	_ =	shalt  }
0x7b: {  	_ =	shalt  }
0x7c: {  	_ =	shalt  }
0x7d: {  	_ =	shalt  }
0x7e: {  	_ =	shalt  }
0x7f: {  	_ =	shalt  }
0x80: {  	_ =	shalt  }
0x81: {  	_ =	shalt  }
0x82: {  	_ =	shalt  }
0x83: {  	_ =	shalt  }
0x84: {  	_ =	shalt  }
0x85: {  	_ =	shalt  }
0x86: {  	_ =	shalt  }
0x87: {  	_ =	shalt  }
.Lfunc_end0:
.L_simem_size_0:
called_computation.3_lowered:
.L_overlay_start_0:
0x88: {  	s2 =	sld [smem:$0x3FD9]  }
0x89: {  	s3 =	sld [smem:$0x3FFE];
	_ =	sdelay $0x1  }
0x8a: {  	s1 =	srdreg.scid  }
0x8b: {  	s0 =	sand.u32 $0x1, s1  }
0x8c: {  	s16 =	sshll.u32 s0, $0xA;
	s2 =	sadd.s32 s3, s2  }
0x8d: {  	s2 =	sadd.s32 s2, s16  }
0x8e: {  	[smem:$0x3FBA] =	sst s2  }
0x8f: {  	_ = 	snop  }
0x90: {  	(tm) =	ssettm $0x1  }
0x91: {  	s17 =	sld [smem:$0x3FFB];
	_ =	sdelay $0x3  }
0x92: {  	_ =	strace s17  }
0x93: {  	s2 =	sld [smem:$0x3FFC];
	_ =	sdelay $0x3  }
0x94: {  	_ =	strace s2  }
0x95: {  	s2 =	sld [smem:$0x3FFD];
	_ =	sdelay $0x3  }
0x96: {  	_ =	strace s2  }
0x97: {  	_ =	strace $0x8FFFFFFF  }
0x98: {  	s18 =	sld [smem:$0x3FDB];
	_ =	sdelay $0x1  }
0x99: {  	s19 =	simm.s32 $_scs_section_size  }
0x9a: {  	s4 =	simm.s32 $_size__tile_overlayer_lowered;
	s5 =	simm.s32 $_tile_overlayer_lowered  }
0x9b: {  	s22 =	simm.s32 $0x1BFF;
	s21 =	sshll.u32 s5, $0x1;
	s2 =	sadd.s32 s19, s18  }
0x9c: {  	s6 =	simm.s32 $0x0;
	s20 =	sshll.u32 s4, $0x1;
	s4 =	sadd.s32 s21, s2  }
0x9d: {  	[timem:s6], [sflag:s22] =	dma.local [hbm:s4], s20  }
0x9e: {  	_ =	swait.ge [sflag:s22], s20  }
0x9f: {  	s3 =	ssub.s32 $0x0, s20;
	[sflag:s22] =	ssyncset.done $0x0  }
0xa0: {  	[sflag:s22] =	ssyncadd.s32 s3;
	_ =	sdelay $0x1  }
0xa1: {  	s23 =	simm.s32 $0x1B8B  }
0xa2: {  	_ =	swait.ge [sflag:s23], $0x1  }
0xa3: {  	[sflag:s23] =	ssyncset.done $0x0  }
0xa4: {  	s25 =	simm.s32 $0x1B8E;
	s24 =	sld [smem:$0x3FFE];
	[sflag:s23] =	ssyncadd.s32 $0xFFFFFFFF  }
0xa5: {  	s26 =	simm.s32 $execute0_lowered;
	[smem:$0x3FD2] =	sst s25  }
0xa6: {  	s4 =	sshll.u32 s26, $0x1;
	_ =	strace $0x80000057;
	[dreg:$0x1] =	wrdreg $0xFFFFFFFF  }
0xa7: {  	s28 =	simm.s32 $_size_execute0_lowered;
	s2 =	sadd.s32 s2, s4;
	[dreg:$0x0] =	wrdreg $0x0  }
0xa8: {  	s4 =	sshll.u32 s28, $0x1;
	[dreg:$0x2] =	wrdreg s2  }
0xa9: {  	[dreg:$0x3] =	wrdreg s4  }
0xaa: {  	[dreg:$0x4] =	wrdreg $0xC0  }
0xab: {  	_ =	task [dreg:s6], $0x5FFFF  }
0xac: {  	[dreg:$0x1] =	wrdreg $0xFFFFFFFF  }
0xad: {  	[dreg:$0x0] =	wrdreg $0x60  }
0xae: {  	[dreg:$0x2] =	wrdreg s24  }
0xaf: {  	[dreg:$0x3] =	wrdreg $0xA8000  }
0xb0: {  	[dreg:$0x4] =	wrdreg $0x9  }
0xb1: {  	_ =	task.clear_ibuf [dreg:s6], $0x5FFFF;
	_ =	strace $0x90000057  }
0xb2: {  	s29 =	simm.s32 $0x9;
	_ =	strace $0x8000005D  }
0xb3: {  	_ =	swait.ge [sflag:s29], $0x1  }
0xb4: {  	[sflag:s29] =	ssyncadd.s32 $0xFFFFFFFF  }
0xb5: {  	_ =	strace $0x9000005D  }
0xb6: {  	_ =	sfence  }
0xb7: {  	s30 =	sld [smem:$0x0];
	_ =	sdelay $0x2  }
0xb8: {  	s31 =	sshll.u32 s1, $0xD;
	s1 =	sshrl.u32 s1, $0x2  }
0xb9: {  	s3 =	sand.u32 $0x4000, s31;
	s1 =	sadd.s32 s1, s30  }
0xba: {  	s0 =	sor.u32 s3, s0;
	s1 =	sshll.u32 s1, $0x11  }
0xbb: {  	s0 =	sor.u32 s1, s0  }
0xbc: {  	s0 =	sadd.s32 $0x8F2B, s0  }
0xbd: {  	[sflag:s0] =	ssyncadd.remote.s32 $0x1  }
0xbe: {  	_ =	sfence.sel $0xFFFF  }
0xbf: {  	[dreg:$0x0] =	wrdreg $0xFFFFFFFF;
	(pc) =	sbr.abs _section_cstart, $3  }
0xc0: {  	[dreg:$0x1] =	wrdreg $0xFFFFFFFF  }
0xc1: {  	_ =	task.clear_ibuf [dreg:s6], $0x2FFFF;
	_ =	strace $0x9FFFFFFF  }
0xc2: {  	(tm) =	ssettm $0x7FFFFFFF  }
0xc3: {  	_ =	shalt  }
tec
execute0_lowered:
.L_overlay_start_1:
0x0: {  	(tag) =	ssettag $0x1  }
0x1: {  	s0 =	srdreg.scid;
	s7 =	rddreg [dreg:$0x0]  }
0x2: {  	s2 =	rddreg [dreg:$0x1];
	s3 =	simm.s32 $0x0;
	s15 =	simm.s32 $0x2800  }
0x3: {  	s16 =	simm.s32 $0x3;
	s17 =	simm.s32 $0x1400;
	s18 =	simm.s32 $0x80  }
0x4: {  	s19 =	simm.s32 $0x6800;
	s20 =	simm.s32 $0x1;
	s21 =	simm.s32 $0x2  }
0x5: {  	s22 =	simm.s32 $0x2700;
	s23 =	simm.s32 $0x2780;
	s6 =	sand.u32 $0x1, s0  }
0x6: {  	s26 =	simm.s32 $0x0;
	s0 =	stileid.u32;
	s8 =	smul.u32 $0x140000, s6  }
0x7: {  	[smem:$0x7FF] =	sst s3;
	s5 =	sadd.s32 $0xD000, s7;
	s9 =	smul.u32 $0x14000, s0  }
0x8: {  	s1 =	sshll.u32 s6, $0x4;
	s11 =	smul.u32 $0x50000, s0;
	s6 =	ssub.s32 $0x2, s6  }
0x9: {  	s24 =	sshll.u32 s0, $0x6;
	s4 =	sor.u32 s0, s1;
	s1 =	rddreg [dreg:$0x2]  }
0xa: {  	_ =	strace $0x80000058;
	s31 =	sshrl.u32 s6, $0x1;
	s24 =	sor.u32 $0x1C03, s24  }
0xb: {  	s4 =	smul.u32 $0x280, s4;
	s8 =	sadd.s32 s9, s8;
	s11 =	sshrl.u32 s11, $0x2  }
0xc: {  	s13 =	ssub.s32 s6, s31;
	s8 =	sshrl.u32 s8, $0x3;
	s6 =	sadd.s32 s11, s2  }
0xd: {  	s10 =	sadd.s32 s4, s7;
	s4 =	sadd.s32 $0x5E000, s7;
	s12 =	sadd.s32 s8, s7  }
0xe: {  	s11 =	sadd.s32 $0x4000, s6;
	s14 =	sadd.s32 $0x10000, s6;
	s25 =	sshrl.u32 s6, $0x3  }
0xf: {  	s7 =	sadd.s32 $0x3000, s10;
	s8 =	sadd.s32 $0x8000, s10;
	s9 =	sadd.s32 $0x85200, s12  }
0x10: {  	s10 =	smax.u32 s13, $0x1;
	s12 =	sadd.s32 $0x8000, s6;
	s13 =	sadd.s32 $0xC000, s6  }
.LBB2_1:
0x11: {  	_ =	strace $0x80000059  }
0x12: {  	[tilespmem:s15], [sflag:$0x3] =	stream.linear.gather [hbm4b:s5+s3], $0x4000, $0x200038;
	[tilespmem:$0x1E800] =	vst v63  }
0x13: {  	_ =	swait.ge [sflag:s16], $0x4000  }
0x14: {  	[sflag:s16] =	ssyncset.done $0x0  }
0x15: {  	[sflag:s16] =	ssyncadd.s32 $0xFFFFC000  }
0x16: {  	[spmem:s6] =	stream.linear.scatter [tilespmem:s15], [sflag:$0x3], $0x4000, $0x200038;
	[tilespmem:$0x1E800] =	vst v63  }
0x17: {  	_ =	swait.ge [sflag:s16], $0x4000  }
0x18: {  	[sflag:s16] =	ssyncset.done $0x0  }
0x19: {  	[sflag:s16] =	ssyncadd.s32 $0xFFFFC000  }
0x1a: {  	[spmem:s11] =	stream.linear.scatter [tilespmem:s15], [sflag:$0x3], $0x4000, $0x200038;
	[tilespmem:$0x1E800] =	vst v63  }
0x1b: {  	_ =	swait.ge [sflag:s16], $0x4000  }
0x1c: {  	[sflag:s16] =	ssyncset.done $0x0  }
0x1d: {  	[sflag:s16] =	ssyncadd.s32 $0xFFFFC000  }
0x1e: {  	[spmem:s12] =	stream.linear.scatter [tilespmem:s15], [sflag:$0x3], $0x4000, $0x200038;
	[tilespmem:$0x1E800] =	vst v63  }
0x1f: {  	_ =	swait.ge [sflag:s16], $0x4000  }
0x20: {  	[sflag:s16] =	ssyncset.done $0x0  }
0x21: {  	[sflag:s16] =	ssyncadd.s32 $0xFFFFC000  }
0x22: {  	[spmem:s13] =	stream.linear.scatter [tilespmem:s15], [sflag:$0x3], $0x4000, $0x200038;
	[tilespmem:$0x1E800] =	vst v63  }
0x23: {  	_ =	swait.ge [sflag:s16], $0x4000  }
0x24: {  	[sflag:s16] =	ssyncset.done $0x0  }
0x25: {  	[sflag:s16] =	ssyncadd.s32 $0xFFFFC000  }
0x26: {  	[spmem:s14] =	stream.linear.scatter [tilespmem:s15], [sflag:$0x3], $0x4000, $0x200038;
	[tilespmem:$0x1E800] =	vst v63  }
0x27: {  	_ =	swait.ge [sflag:s16], $0x4000  }
0x28: {  	[sflag:s16] =	ssyncset.done $0x0  }
0x29: {  	[sflag:s16] =	ssyncadd.s32 $0xFFFFC000  }
0x2a: {  	_ =	strace $0x90000059  }
0x2b: {  	_ =	strace $0x8000005A  }
0x2c: {  	[tilespmem:s3], [sflag:$0x3] =	stream.linear.gather [hbm4b:s7+s3], $0x1400, $0x200038;
	[tilespmem:$0x1E800] =	vst v63  }
0x2d: {  	_ =	swait.ge [sflag:s16], $0x1400  }
0x2e: {  	[sflag:s16] =	ssyncset.done $0x0  }
0x2f: {  	[sflag:s16] =	ssyncadd.s32 $0xFFFFEC00  }
0x30: {  	[tilespmem:s17], [sflag:$0x3] =	stream.linear.gather [hbm4b:s8+s3], $0x1400, $0x200038;
	[tilespmem:$0x1E800] =	vst v63  }
0x31: {  	_ =	swait.ge [sflag:s16], $0x1400  }
0x32: {  	[sflag:s16] =	ssyncset.done $0x0  }
0x33: {  	[sflag:s16] =	ssyncadd.s32 $0xFFFFEC00  }
0x34: {  	_ =	strace $0x9000005A  }
0x35: {  	[bflag:$0x0] =	sbarrier.arrive $0xFFFF  }
0x36: {  	_ =	strace $0x8000005B  }
0x37: {  	[tilespmem:s15], [sflag:$0x1] =	stream.indirect.gather [hbm4b:s4+s18], $0x80, s3, s18, $0x2000b8;
	[tilespmem:$0x1E800] =	vst v63  }
0x38: {  	_ = 	snop  }
0x39: {  	[tilespmem:s19], [sflag:$0x2] =	stream.indirect.gather [hbm4b:s4+s18], $0x80, s18, s18, $0x2000b8;
	[tilespmem:$0x1E800] =	vst v63  }
0x3a: {  	_ =	swait.ge [sflag:s20], $0x4000  }
0x3b: {  	[sflag:s20] =	ssyncset.done $0x0  }
0x3c: {  	s28 =	simm.s32 $0x1400;
	[sflag:s20] =	ssyncadd.s32 $0xFFFFC000  }
0x3d: {  	[spmem:s2] =	stream.indirect.scatter.add.f32 [tilespmem:s15], [sflag:$0x3], $0x80, s28, s18, $0x2000b8;
	[tilespmem:$0x1E800] =	vst v63  }
0x3e: {  	_ =	swait.ge [sflag:s16], $0x4000  }
0x3f: {  	[sflag:s16] =	ssyncset.done $0x0  }
0x40: {  	s28 =	simm.s32 $0x100;
	[sflag:s16] =	ssyncadd.s32 $0xFFFFC000  }
0x41: {  	[tilespmem:s15], [sflag:$0x1] =	stream.indirect.gather [hbm4b:s4+s18], $0x80, s28, s18, $0x2000b8;
	[tilespmem:$0x1E800] =	vst v63  }
0x42: {  	_ =	swait.ge [sflag:s21], $0x4000  }
0x43: {  	[sflag:s21] =	ssyncset.done $0x0  }
0x44: {  	s28 =	simm.s32 $0x1480;
	[sflag:s21] =	ssyncadd.s32 $0xFFFFC000  }
0x45: {  	[spmem:s2] =	stream.indirect.scatter.add.f32 [tilespmem:s19], [sflag:$0x3], $0x80, s28, s18, $0x2000b8;
	[tilespmem:$0x1E800] =	vst v63  }
0x46: {  	_ =	swait.ge [sflag:s16], $0x4000  }
0x47: {  	[sflag:s16] =	ssyncset.done $0x0  }
0x48: {  	s29 =	simm.s32 $0x180;
	s28 =	simm.s32 $0x400;
	[sflag:s16] =	ssyncadd.s32 $0xFFFFC000  }
.LBB2_2:
0x49: {  	[tilespmem:s19], [sflag:$0x2] =	stream.indirect.gather [hbm4b:s4+s18], $0x80, s29, s18, $0x2000b8;
	[tilespmem:$0x1E800] =	vst v63  }
0x4a: {  	s29 =	smov.u32 s28  }
0x4b: {  	p0 =	sne.s32 s28, $0x4800;
	s28 =	sadd.s32 $0x400, s28;
	_ =	swait.ge [sflag:s20], $0x4000  }
0x4c: {  	s29 =	sshra.s32 s29, $0x2;
	[sflag:s20] =	ssyncset.done $0x0  }
0x4d: {  	s30 =	sadd.s32 $0x1400, s29;
	[sflag:s20] =	ssyncadd.s32 $0xFFFFC000  }
0x4e: {  	[spmem:s2] =	stream.indirect.scatter.add.f32 [tilespmem:s15], [sflag:$0x3], $0x80, s30, s18, $0x2000b8;
	[tilespmem:$0x1E800] =	vst v63  }
0x4f: {  	_ =	swait.ge [sflag:s16], $0x4000  }
0x50: {  	[sflag:s16] =	ssyncset.done $0x0  }
0x51: {  	s30 =	sadd.s32 $0x100, s29;
	[sflag:s16] =	ssyncadd.s32 $0xFFFFC000  }
0x52: {  	[tilespmem:s15], [sflag:$0x1] =	stream.indirect.gather [hbm4b:s4+s18], $0x80, s30, s18, $0x2000b8;
	[tilespmem:$0x1E800] =	vst v63  }
0x53: {  	_ =	swait.ge [sflag:s21], $0x4000  }
0x54: {  	[sflag:s21] =	ssyncset.done $0x0  }
.Ltmp0:
0x55: {  	s30 =	sadd.s32 $0x1480, s29;
	[sflag:s21] =	ssyncadd.s32 $0xFFFFC000;
	(pc) =	sbr.rel @p0 .LBB2_2-.Ltmp0, $4  }
0x56: {  	[spmem:s2] =	stream.indirect.scatter.add.f32 [tilespmem:s19], [sflag:$0x3], $0x80, s30, s18, $0x2000b8;
	[tilespmem:$0x1E800] =	vst v63  }
0x57: {  	_ =	swait.ge [sflag:s16], $0x4000  }
0x58: {  	[sflag:s16] =	ssyncset.done $0x0  }
0x59: {  	s29 =	sadd.s32 $0x180, s29;
	[sflag:s16] =	ssyncadd.s32 $0xFFFFC000  }
0x5a: {  	[tilespmem:s19], [sflag:$0x2] =	stream.indirect.gather [hbm4b:s4+s18], $0x80, s29, s18, $0x2000b8;
	[tilespmem:$0x1E800] =	vst v63  }
0x5b: {  	_ =	swait.ge [sflag:s20], $0x4000  }
0x5c: {  	[sflag:s20] =	ssyncset.done $0x0  }
0x5d: {  	[sflag:s20] =	ssyncadd.s32 $0xFFFFC000  }
0x5e: {  	[spmem:s2] =	stream.indirect.scatter.add.f32 [tilespmem:s15], [sflag:$0x3], $0x80, s22, s18, $0x2000b8;
	[tilespmem:$0x1E800] =	vst v63  }
0x5f: {  	_ =	swait.ge [sflag:s16], $0x4000  }
0x60: {  	[sflag:s16] =	ssyncset.done $0x0  }
0x61: {  	[sflag:s16] =	ssyncadd.s32 $0xFFFFC000  }
0x62: {  	_ =	swait.ge [sflag:s21], $0x4000  }
0x63: {  	[sflag:s21] =	ssyncset.done $0x0  }
0x64: {  	[sflag:s21] =	ssyncadd.s32 $0xFFFFC000  }
0x65: {  	[spmem:s2] =	stream.indirect.scatter.add.f32 [tilespmem:s19], [sflag:$0x3], $0x80, s23, s18, $0x2000b8;
	[tilespmem:$0x1E800] =	vst v63  }
0x66: {  	_ =	swait.ge [sflag:s16], $0x4000  }
0x67: {  	[sflag:s16] =	ssyncset.done $0x0  }
0x68: {  	[sflag:s16] =	ssyncadd.s32 $0xFFFFC000  }
0x69: {  	_ =	strace $0x9000005B  }
0x6a: {  	s26 =	sadd.s32 $0x1, s26;
	[bflag:$0x0] =	sbarrier.arrive $0xFFFF  }
0x6b: {  	p0 =	sne.s32 s26, s10;
	_ =	strace $0x8000005C  }
0x6c: {  	[hbm:s9], [sflag:s24] =	dma.local [spmem:s25], $0x2800  }
.Ltmp1:
0x6d: {  	_ = 	snop;
	(pc) =	sbr.rel @p0 .LBB2_1-.Ltmp1, $4  }
0x6e: {  	_ =	swait.ge [sflag:s16], $0x2800  }
0x6f: {  	[sflag:s16] =	ssyncset.done $0x0  }
0x70: {  	[sflag:s16] =	ssyncadd.s32 $0xFFFFD800  }
0x71: {  	_ =	strace $0x9000005C  }
0x72: {  	_ =	sfence.sel $0x180000  }
0x73: {  	[bflag:$0x0] =	sbarrier.arrive $0xFFFF  }
0x74: {  	p0 =	sne.s32 s0, $0x0;
	_ =	strace $0x90000058  }
0x75: {  	s0 =	sadd.s32 @!p0 $0x100000, s1;
	[bflag:$0x2] =	sbarrier.arrive $0xFFFF  }
0x76: {  	[sflag:s0] =	ssyncadd.tile.s32 @!p0 $0x1;
	_ =	shalt  }
.Lfunc_end2:
_tile_overlayer_lowered:
.L_overlay_start_2:
0x77: {  	(tag) =	ssettag $0x2  }
0x78: {  	s0 =	rddreg [dreg:$0x0];
	s2 =	stileid.u32  }
0x79: {  	s1 =	rddreg [dreg:$0x1];
	p0 =	sne.s32 s2, $0x0  }
0x7a: {  	s3 =	rddreg [dreg:$0x2];
	[bflag:$0x3] =	sbarrier.arrive $0xFFFF;
	s2 =	simm.s32 @!p0 $0x1C03  }
0x7b: {  	[timem:s3], [sflag:s2] =	dma.local @!p0 [hbm:s0], s1  }
0x7c: {  	s0 =	simm.s32 @!p0 $0x3  }
0x7d: {  	_ =	swait.ge @!p0 [sflag:s0], s1  }
0x7e: {  	s1 =	ssub.s32 @!p0 $0x0, s1;
	[sflag:s0] =	ssyncset.done @!p0 $0x0  }
0x7f: {  	[sflag:s0] =	ssyncadd.s32 @!p0 s1  }
0x80: {  	[bflag:$0x3] =	sbarrier.arrive $0xFFFF  }
0x81: {  	_ =	shalt  }

</sc_bundles>
